<compile_context>
chip_gen: v7x
topology: tpu7x:2x2x1
jax: 0.10.2.dev20260603
libtpu: 0.0.44.dev20260713+nightly
codegen_flags: <defaults>
</compile_context>

<pallas_src>
import functools

import jax
import jax.numpy as jnp
from jax import lax
from jax.experimental import pallas as pl
from jax.experimental.pallas import tpu as pltpu
from jax.experimental.pallas import tpu_sc as plsc

N_AGENTS = 10000
DEG = 16
E = N_AGENTS * DEG
NBR_IN = 256
AGENT_IN = 256
HIDDEN = 256
NBR_OUT = 8
AGENT_OUT = 8
MAX_NBRS = 32
_PK = HIDDEN // 2


_BA = 400


def _pre_body(xn_ref, xa_ref, w1a_ref, w1b_ref, b1_ref, wa_ref, ba_ref,
              sp_ref, ap_ref, own_ref):
    xn = xn_ref[...]
    xa = xa_ref[...]
    dot = functools.partial(lax.dot_general,
                            dimension_numbers=(((1,), (0,)), ((), ())),
                            preferred_element_type=jnp.float32)
    a = dot(xn, w1a_ref[...])
    u_hi = lax.bitcast_convert_type(
        a[:, _PK:].astype(jnp.bfloat16).astype(jnp.float32), jnp.uint32)
    u_lo = lax.bitcast_convert_type(
        a[:, :_PK].astype(jnp.bfloat16).astype(jnp.float32), jnp.uint32)
    sp_ref[...] = u_hi | (u_lo >> 16)
    ap_ref[...] = dot(xa, w1b_ref[...]) + b1_ref[...]
    own_ref[...] = dot(xa, wa_ref[...]) + ba_ref[...]


def _precompute(x_nbr, x_agent, w1a, w1b, b1, wa, ba):
    grid = N_AGENTS // _BA
    return pl.pallas_call(
        _pre_body,
        grid=(grid,),
        in_specs=[
            pl.BlockSpec((_BA, NBR_IN), lambda i: (i, 0)),
            pl.BlockSpec((_BA, AGENT_IN), lambda i: (i, 0)),
            pl.BlockSpec((NBR_IN, HIDDEN), lambda i: (0, 0)),
            pl.BlockSpec((AGENT_IN, HIDDEN), lambda i: (0, 0)),
            pl.BlockSpec((1, HIDDEN), lambda i: (0, 0)),
            pl.BlockSpec((AGENT_IN, AGENT_OUT), lambda i: (0, 0)),
            pl.BlockSpec((1, AGENT_OUT), lambda i: (0, 0)),
        ],
        out_specs=[
            pl.BlockSpec((_BA, _PK), lambda i: (i, 0)),
            pl.BlockSpec((_BA, HIDDEN), lambda i: (i, 0)),
            pl.BlockSpec((_BA, AGENT_OUT), lambda i: (i, 0)),
        ],
        out_shape=[
            jax.ShapeDtypeStruct((N_AGENTS, _PK), jnp.uint32),
            jax.ShapeDtypeStruct((N_AGENTS, HIDDEN), jnp.float32),
            jax.ShapeDtypeStruct((N_AGENTS, AGENT_OUT), jnp.float32),
        ],
    )(x_nbr, x_agent, w1a, w1b, b1, wa, ba)



_NW = 32
_CH = 128


def _gather_body(sp_hbm, src_hbm, out_hbm,
                 idx_all, rows0, rows1, rows2, rowst_v,
                 gsem0, gsem1, gsem2, wsem0, wsem1, wsem2, tsem,
                 *, off, epw, nfull, tail):
    wid = lax.axis_index("s") * 2 + lax.axis_index("c")
    base_w = wid * epw
    bufs = (rows0, rows1, rows2)
    gsems = (gsem0, gsem1, gsem2)
    wsems = (wsem0, wsem1, wsem2)

    pltpu.sync_copy(src_hbm.at[pl.ds(off + base_w, epw)], idx_all)

    gops = [None] * nfull
    wops = [None] * nfull
    for c in range(nfull + 2):
        if c < nfull:
            b = c % 3
            if c >= 3:
                wops[c - 3].wait()
            idx_v = idx_all.at[pl.ds(c * _CH, _CH)]
            gops[c] = pltpu.async_copy(sp_hbm.at[idx_v], bufs[b], gsems[b])
        if c >= 2:
            cc = c - 2
            b2 = cc % 3
            gops[cc].wait()
            wops[cc] = pltpu.async_copy(
                bufs[b2], out_hbm.at[pl.ds(base_w + cc * _CH, _CH)],
                wsems[b2])

    if tail:
        base = base_w + nfull * _CH
        idx_t = idx_all.at[pl.ds(nfull * _CH, tail)]
        pltpu.async_copy(sp_hbm.at[idx_t], rowst_v, tsem).wait()
        pltpu.sync_copy(rowst_v, out_hbm.at[pl.ds(base, tail)])

    wops[nfull - 3].wait()
    wops[nfull - 2].wait()
    wops[nfull - 1].wait()


def _gather(sp, edge_src, off, ec):
    epw = ec // _NW
    nfull = epw // _CH
    tail = epw - nfull * _CH
    mesh = plsc.VectorSubcoreMesh(core_axis_name="c", subcore_axis_name="s")
    k = functools.partial(
        pl.kernel,
        out_type=jax.ShapeDtypeStruct((ec, _PK), jnp.uint32),
        mesh=mesh,
        scratch_types=[
            pltpu.VMEM((epw,), jnp.int32),
            pltpu.VMEM((_CH, _PK), jnp.uint32),
            pltpu.VMEM((_CH, _PK), jnp.uint32),
            pltpu.VMEM((_CH, _PK), jnp.uint32),
            pltpu.VMEM((max(tail, 1), _PK), jnp.uint32),
            pltpu.SemaphoreType.DMA,
            pltpu.SemaphoreType.DMA,
            pltpu.SemaphoreType.DMA,
            pltpu.SemaphoreType.DMA,
            pltpu.SemaphoreType.DMA,
            pltpu.SemaphoreType.DMA,
            pltpu.SemaphoreType.DMA,
        ],
    )(functools.partial(_gather_body, off=off, epw=epw,
                        nfull=nfull, tail=tail))
    return k(sp, edge_src)



_BAGENTS = 200
_BE = _BAGENTS * DEG


_OUT_W = MAX_NBRS * NBR_OUT + AGENT_OUT


_DN = DEG * NBR_OUT


def _mlp_body(g_ref, ap_ref, own_ref, w2l_ref, w2h_ref, b2_ref, out_ref):
    g32 = g_ref[...]
    ap = ap_ref[...]
    h_lo = lax.bitcast_convert_type(g32 << jnp.uint32(16), jnp.float32)
    h_hi = lax.bitcast_convert_type(g32 & jnp.uint32(0xFFFF0000), jnp.float32)
    hl = jnp.maximum(h_lo.reshape(_BAGENTS, DEG, _PK) + ap[:, None, :_PK],
                     0.0).reshape(_BE, _PK)
    hh = jnp.maximum(h_hi.reshape(_BAGENTS, DEG, _PK) + ap[:, None, _PK:],
                     0.0).reshape(_BE, _PK)
    dot = functools.partial(lax.dot_general,
                            dimension_numbers=(((1,), (0,)), ((), ())),
                            preferred_element_type=jnp.float32)
    d = dot(hl, w2l_ref[...]) + dot(hh, w2h_ref[...])
    d3 = (d + b2_ref[...]).reshape(_BAGENTS, DEG, _DN)
    lane = lax.broadcasted_iota(jnp.int32, (DEG, _DN), 1) // NBR_OUT
    slot = lax.broadcasted_iota(jnp.int32, (DEG, _DN), 0)
    mask = (lane == slot).astype(jnp.float32)
    scores = jnp.sum(d3 * mask[None], axis=1)
    out_ref[...] = jnp.concatenate(
        [scores,
         jnp.zeros((_BAGENTS, (MAX_NBRS - DEG) * NBR_OUT), jnp.float32),
         own_ref[...]], axis=1)


def _mlp_tail(g, ap, own, w2l, w2h, b2, agent_off, ec):
    grid = ec // _BE
    aoff = agent_off // _BAGENTS
    return pl.pallas_call(
        _mlp_body,
        grid=(grid,),
        in_specs=[
            pl.BlockSpec((_BE, _PK), lambda i: (i, 0)),
            pl.BlockSpec((_BAGENTS, HIDDEN), lambda i: (i + aoff, 0)),
            pl.BlockSpec((_BAGENTS, AGENT_OUT), lambda i: (i + aoff, 0)),
            pl.BlockSpec((_PK, _DN), lambda i: (0, 0)),
            pl.BlockSpec((_PK, _DN), lambda i: (0, 0)),
            pl.BlockSpec((1, _DN), lambda i: (0, 0)),
        ],
        out_specs=pl.BlockSpec((_BAGENTS, _OUT_W), lambda i: (i, 0)),
        out_shape=jax.ShapeDtypeStruct((ec // DEG, _OUT_W), jnp.float32),
    )(g, ap, own, w2l, w2h, b2)



def kernel(x_nbr, x_agent, edge_src, edge_dst, W1, b1, W2, b2, Wa, ba):
    w1a = W1[:NBR_IN]
    w1b = W1[NBR_IN:]
    sp, ap, own = _precompute(x_nbr, x_agent, w1a, w1b,
                              b1.reshape(1, HIDDEN), Wa,
                              ba.reshape(1, AGENT_OUT))
    src32 = edge_src.astype(jnp.int32)
    w2l = jnp.tile(W2[:_PK], (1, DEG))
    w2h = jnp.tile(W2[_PK:], (1, DEG))
    b2rep = jnp.tile(b2.reshape(1, NBR_OUT), (1, DEG))
    g = _gather(sp, src32, 0, E)
    return _mlp_tail(g, ap, own, w2l, w2h, b2rep, 0, E)

# --- scband reference (transcript-rebuilt; emitter-appended) ---
"""Pipeline reference for scband-neighbor-selector-88837103551528 (READ-ONLY COPY).

The authoritative reference and input builder live on the scoring server;
editing this copy changes nothing except your own understanding.
"""

import jax, jax.numpy as jnp
import numpy as np

N_AGENTS = 10000
DEG = 16
E = N_AGENTS * DEG
NBR_IN = 256
AGENT_IN = 256
HIDDEN = 256
NBR_OUT = 8
AGENT_OUT = 8
MAX_NBRS = 32


def setup_inputs(seed: int = 0) -> dict:
    key = jax.random.key(seed)
    ks = jax.random.split(key, 10)
    x_nbr = jax.random.normal(ks[0], (N_AGENTS, NBR_IN), dtype=jnp.float32)
    x_agent = jax.random.normal(ks[1], (N_AGENTS, AGENT_IN), dtype=jnp.float32)
    edge_src = jax.random.randint(ks[2], (E,), 0, N_AGENTS, dtype=jnp.int64 if jax.config.jax_enable_x64 else jnp.int32)
    # edges grouped by destination agent, uniform degree DEG (<= MAX_NBRS),
    # matching DGL's in-degree-ordered edata layout that th.split relies on
    edge_dst = jnp.repeat(jnp.arange(N_AGENTS, dtype=edge_src.dtype), DEG)
    s1 = 1.0 / np.sqrt(NBR_IN + AGENT_IN)
    s2 = 1.0 / np.sqrt(HIDDEN)
    sa = 1.0 / np.sqrt(AGENT_IN)
    W1 = jax.random.uniform(ks[3], (NBR_IN + AGENT_IN, HIDDEN), jnp.float32, -s1, s1)
    b1 = jax.random.uniform(ks[4], (HIDDEN,), jnp.float32, -s1, s1)
    W2 = jax.random.uniform(ks[5], (HIDDEN, NBR_OUT), jnp.float32, -s2, s2)
    b2 = jax.random.uniform(ks[6], (NBR_OUT,), jnp.float32, -s2, s2)
    Wa = jax.random.uniform(ks[7], (AGENT_IN, AGENT_OUT), jnp.float32, -sa, sa)
    ba = jax.random.uniform(ks[8], (AGENT_OUT,), jnp.float32, -sa, sa)
    return {"x_nbr": x_nbr, "x_agent": x_agent, "edge_src": edge_src, "edge_dst": edge_dst,
            "W1": W1, "b1": b1, "W2": W2, "b2": b2, "Wa": Wa, "ba": ba}


def reference(x_nbr, x_agent, edge_src, edge_dst, W1, b1, W2, b2, Wa, ba):
    # predict_entity_score: per-edge MLP on cat(src_feat, dst_feat)
    h_ent = jnp.take(x_nbr, edge_src, axis=0)          # [E, NBR_IN]
    h_agent = jnp.take(x_agent, edge_dst, axis=0)      # [E, AGENT_IN]
    h = jnp.concatenate([h_ent, h_agent], axis=1)      # [E, NBR_IN+AGENT_IN]
    h = jax.nn.relu(h @ W1 + b1)
    nbr_scores = h @ W2 + b2                           # [E, NBR_OUT]
    # agent_predictor on agent features
    own_score = x_agent @ Wa + ba                      # [N, AGENT_OUT]
    # ragged split by in-degree + zero-pad to MAX_NBRS slots, then flatten
    counts = jnp.bincount(edge_dst, length=N_AGENTS)
    starts = jnp.cumsum(counts) - counts
    pos = jnp.arange(E) - jnp.take(starts, edge_dst)   # slot within each agent's nbr list
    padded = jnp.zeros((N_AGENTS, MAX_NBRS, NBR_OUT), dtype=nbr_scores.dtype)
    padded = padded.at[edge_dst, pos].set(nbr_scores)
    padded = padded.reshape(N_AGENTS, MAX_NBRS * NBR_OUT)
    all_scores = jnp.concatenate([padded, own_score], axis=1)  # [N, MAX_NBRS*NBR_OUT + AGENT_OUT]
    return all_scores

if __name__ == "__main__":
    import jax
    _d = setup_inputs()
    print(jax.jit(kernel)(*tuple(_d.values())))

</pallas_src>

<mosaic_0001>
#map = affine_map<(d0, d1) -> (0, 0)>
#map1 = affine_map<(d0, d1) -> (0)>
module attributes {stable_mosaic.version = 14 : i64} {
  func.func @_gather_body(%arg0: i32, %arg1: i32, %arg2: memref<10000x128xi32, #tpu.memory_space<hbm>>, %arg3: memref<160000xi32, #tpu.memory_space<hbm>>, %arg4: memref<160000x128xi32, #tpu.memory_space<hbm>>, %arg5: memref<5000xi32, #tpu.memory_space<vmem>>, %arg6: memref<128x128xi32, #tpu.memory_space<vmem>>, %arg7: memref<128x128xi32, #tpu.memory_space<vmem>>, %arg8: memref<128x128xi32, #tpu.memory_space<vmem>>, %arg9: memref<8x128xi32, #tpu.memory_space<vmem>>, %arg10: memref<!tpu.dma_semaphore, #tpu.memory_space<semaphore_mem>>, %arg11: memref<!tpu.dma_semaphore, #tpu.memory_space<semaphore_mem>>, %arg12: memref<!tpu.dma_semaphore, #tpu.memory_space<semaphore_mem>>, %arg13: memref<!tpu.dma_semaphore, #tpu.memory_space<semaphore_mem>>, %arg14: memref<!tpu.dma_semaphore, #tpu.memory_space<semaphore_mem>>, %arg15: memref<!tpu.dma_semaphore, #tpu.memory_space<semaphore_mem>>, %arg16: memref<!tpu.dma_semaphore, #tpu.memory_space<semaphore_mem>>) attributes {dimension_semantics = [#tpu.dimension_semantics<core_parallel>, #tpu.dimension_semantics<subcore_parallel>], iteration_bounds = array<i64: 2, 16>, scalar_prefetch = 0 : i64, scratch_operands = 12 : i64, tpu.core_type = #tpu.core_type<sc_vector_subcore>, window_params = [{transform_indices = #map}, {transform_indices = #map1}, {transform_indices = #map}]} {
    %mul3A = arith.constant 2 : i32
    %mul3A_0 = arith.muli %arg1, %mul3A : i32
    %add3A = arith.addi %mul3A_0, %arg0 : i32
    %mul3A_1 = arith.constant 5000 : i32
    %mul3A_2 = arith.muli %add3A, %mul3A_1 : i32
    %add3A_3 = arith.constant 0 : i32
    %add3A_4 = arith.addi %add3A_3, %mul3A_2 : i32
    "tpu.region"() ({
      %run_scoped3A = tpu.sem_alloc : memref<!tpu.dma_semaphore, #tpu.memory_space<semaphore_mem>>
      %dma_start3A_795 = tpu.memref_slice %arg3[%add3A_4] : memref<160000xi32, #tpu.memory_space<hbm>> -> memref<5000xi32, #tpu.memory_space<hbm>>
      %dma_start3A_796 = tpu.memref_slice %arg3[%add3A_4] : memref<160000xi32, #tpu.memory_space<hbm>> -> memref<5000xi32, #tpu.memory_space<hbm>>
      tpu.enqueue_dma source(%dma_start3A_796 : memref<5000xi32, #tpu.memory_space<hbm>>) target(%arg5 : memref<5000xi32, #tpu.memory_space<vmem>>) target_semaphore(%run_scoped3A : memref<!tpu.dma_semaphore, #tpu.memory_space<semaphore_mem>>)
      %dma_wait3A_797 = tpu.memref_slice %arg3[%add3A_4] : memref<160000xi32, #tpu.memory_space<hbm>> -> memref<5000xi32, #tpu.memory_space<hbm>>
      %dma_wait3A_798 = tpu.memref_slice %arg3[%add3A_4] : memref<160000xi32, #tpu.memory_space<hbm>> -> memref<5000xi32, #tpu.memory_space<hbm>>
      tpu.wait_dma2 semaphore(%run_scoped3A : memref<!tpu.dma_semaphore, #tpu.memory_space<semaphore_mem>>) src(%dma_wait3A_798 : memref<5000xi32, #tpu.memory_space<hbm>>) dst(%arg5 : memref<5000xi32, #tpu.memory_space<vmem>>)
      tpu.yield
    }) : () -> ()
    %dma_start3A = arith.constant 0 : i32
    %dma_start3A_5 = tpu.memref_slice %arg5[%dma_start3A] : memref<5000xi32, #tpu.memory_space<vmem>> -> memref<128xi32, #tpu.memory_space<vmem>>
    %dma_start3A_6 = arith.constant 0 : i32
    %dma_start3A_7 = arith.constant 0 : i32
    %dma_start3A_8 = tpu.memref_slice %arg2[%dma_start3A_6, %dma_start3A_7] : memref<10000x128xi32, #tpu.memory_space<hbm>> -> memref<10000x128xi32, #tpu.memory_space<hbm>>
    tpu.enqueue_indirect_dma source(%dma_start3A_8 : memref<10000x128xi32, #tpu.memory_space<hbm>>) target(%arg6 : memref<128x128xi32, #tpu.memory_space<vmem>>) offsets(%dma_start3A_5 : memref<128xi32, #tpu.memory_space<vmem>>) semaphore(%arg10 : memref<!tpu.dma_semaphore, #tpu.memory_space<semaphore_mem>>)
    %dma_start3A_9 = arith.constant 128 : i32
    %dma_start3A_10 = tpu.memref_slice %arg5[%dma_start3A_9] : memref<5000xi32, #tpu.memory_space<vmem>> -> memref<128xi32, #tpu.memory_space<vmem>>
    %dma_start3A_11 = arith.constant 0 : i32
    %dma_start3A_12 = arith.constant 0 : i32
    %dma_start3A_13 = tpu.memref_slice %arg2[%dma_start3A_11, %dma_start3A_12] : memref<10000x128xi32, #tpu.memory_space<hbm>> -> memref<10000x128xi32, #tpu.memory_space<hbm>>
    tpu.enqueue_indirect_dma source(%dma_start3A_13 : memref<10000x128xi32, #tpu.memory_space<hbm>>) target(%arg7 : memref<128x128xi32, #tpu.memory_space<vmem>>) offsets(%dma_start3A_10 : memref<128xi32, #tpu.memory_space<vmem>>) semaphore(%arg11 : memref<!tpu.dma_semaphore, #tpu.memory_space<semaphore_mem>>)
    %dma_start3A_14 = arith.constant 256 : i32
    %dma_start3A_15 = tpu.memref_slice %arg5[%dma_start3A_14] : memref<5000xi32, #tpu.memory_space<vmem>> -> memref<128xi32, #tpu.memory_space<vmem>>
    %dma_start3A_16 = arith.constant 0 : i32
    %dma_start3A_17 = arith.constant 0 : i32
    %dma_start3A_18 = tpu.memref_slice %arg2[%dma_start3A_16, %dma_start3A_17] : memref<10000x128xi32, #tpu.memory_space<hbm>> -> memref<10000x128xi32, #tpu.memory_space<hbm>>
    tpu.enqueue_indirect_dma source(%dma_start3A_18 : memref<10000x128xi32, #tpu.memory_space<hbm>>) target(%arg8 : memref<128x128xi32, #tpu.memory_space<vmem>>) offsets(%dma_start3A_15 : memref<128xi32, #tpu.memory_space<vmem>>) semaphore(%arg12 : memref<!tpu.dma_semaphore, #tpu.memory_space<semaphore_mem>>)
    %dma_wait3A = arith.constant 0 : i32
    %dma_wait3A_19 = tpu.memref_slice %arg5[%dma_wait3A] : memref<5000xi32, #tpu.memory_space<vmem>> -> memref<128xi32, #tpu.memory_space<vmem>>
    %dma_wait3A_20 = arith.constant 0 : i32
    %dma_wait3A_21 = arith.constant 0 : i32
    %dma_wait3A_22 = tpu.memref_slice %arg2[%dma_wait3A_20, %dma_wait3A_21] : memref<10000x128xi32, #tpu.memory_space<hbm>> -> memref<10000x128xi32, #tpu.memory_space<hbm>>
    tpu.wait_indirect_dma semaphore(%arg10 : memref<!tpu.dma_semaphore, #tpu.memory_space<semaphore_mem>>) src(%dma_wait3A_22 : memref<10000x128xi32, #tpu.memory_space<hbm>>) dst(%arg6 : memref<128x128xi32, #tpu.memory_space<vmem>>)
    %add3A_23 = arith.constant 0 : i32
    %add3A_24 = arith.addi %mul3A_2, %add3A_23 : i32
    %dma_start3A_25 = arith.constant 0 : i32
    %dma_start3A_26 = tpu.memref_slice %arg4[%add3A_24, %dma_start3A_25] : memref<160000x128xi32, #tpu.memory_space<hbm>> -> memref<128x128xi32, #tpu.memory_space<hbm>>
    %dma_start3A_27 = arith.constant 0 : i32
    %dma_start3A_28 = tpu.memref_slice %arg4[%add3A_24, %dma_start3A_27] : memref<160000x128xi32, #tpu.memory_space<hbm>> -> memref<128x128xi32, #tpu.memory_space<hbm>>
    tpu.enqueue_dma source(%arg6 : memref<128x128xi32, #tpu.memory_space<vmem>>) target(%dma_start3A_28 : memref<128x128xi32, #tpu.memory_space<hbm>>) target_semaphore(%arg13 : memref<!tpu.dma_semaphore, #tpu.memory_space<semaphore_mem>>)
    %dma_wait3A_29 = arith.constant 0 : i32
    %dma_wait3A_30 = tpu.memref_slice %arg4[%add3A_24, %dma_wait3A_29] : memref<160000x128xi32, #tpu.memory_space<hbm>> -> memref<128x128xi32, #tpu.memory_space<hbm>>
    %dma_wait3A_31 = arith.constant 0 : i32
    %dma_wait3A_32 = tpu.memref_slice %arg4[%add3A_24, %dma_wait3A_31] : memref<160000x128xi32, #tpu.memory_space<hbm>> -> memref<128x128xi32, #tpu.memory_space<hbm>>
    tpu.wait_dma2 semaphore(%arg13 : memref<!tpu.dma_semaphore, #tpu.memory_space<semaphore_mem>>) src(%arg6 : memref<128x128xi32, #tpu.memory_space<vmem>>) dst(%dma_wait3A_32 : memref<128x128xi32, #tpu.memory_space<hbm>>)
    %dma_start3A_33 = arith.constant 384 : i32
    %dma_start3A_34 = tpu.memref_slice %arg5[%dma_start3A_33] : memref<5000xi32, #tpu.memory_space<vmem>> -> memref<128xi32, #tpu.memory_space<vmem>>
    %dma_start3A_35 = arith.constant 0 : i32
    %dma_start3A_36 = arith.constant 0 : i32
    %dma_start3A_37 = tpu.memref_slice %arg2[%dma_start3A_35, %dma_start3A_36] : memref<10000x128xi32, #tpu.memory_space<hbm>> -> memref<10000x128xi32, #tpu.memory_space<hbm>>
    tpu.enqueue_indirect_dma source(%dma_start3A_37 : memref<10000x128xi32, #tpu.memory_space<hbm>>) target(%arg6 : memref<128x128xi32, #tpu.memory_space<vmem>>) offsets(%dma_start3A_34 : memref<128xi32, #tpu.memory_space<vmem>>) semaphore(%arg10 : memref<!tpu.dma_semaphore, #tpu.memory_space<semaphore_mem>>)
    %dma_wait3A_38 = arith.constant 128 : i32
    %dma_wait3A_39 = tpu.memref_slice %arg5[%dma_wait3A_38] : memref<5000xi32, #tpu.memory_space<vmem>> -> memref<128xi32, #tpu.memory_space<vmem>>
    %dma_wait3A_40 = arith.constant 0 : i32
    %dma_wait3A_41 = arith.constant 0 : i32
    %dma_wait3A_42 = tpu.memref_slice %arg2[%dma_wait3A_40, %dma_wait3A_41] : memref<10000x128xi32, #tpu.memory_space<hbm>> -> memref<10000x128xi32, #tpu.memory_space<hbm>>
    tpu.wait_indirect_dma semaphore(%arg11 : memref<!tpu.dma_semaphore, #tpu.memory_space<semaphore_mem>>) src(%dma_wait3A_42 : memref<10000x128xi32, #tpu.memory_space<hbm>>) dst(%arg7 : memref<128x128xi32, #tpu.memory_space<vmem>>)
    %add3A_43 = arith.constant 128 : i32
    %add3A_44 = arith.addi %mul3A_2, %add3A_43 : i32
    %dma_start3A_45 = arith.constant 0 : i32
    %dma_start3A_46 = tpu.memref_slice %arg4[%add3A_44, %dma_start3A_45] : memref<160000x128xi32, #tpu.memory_space<hbm>> -> memref<128x128xi32, #tpu.memory_space<hbm>>
    %dma_start3A_47 = arith.constant 0 : i32
    %dma_start3A_48 = tpu.memref_slice %arg4[%add3A_44, %dma_start3A_47] : memref<160000x128xi32, #tpu.memory_space<hbm>> -> memref<128x128xi32, #tpu.memory_space<hbm>>
    tpu.enqueue_dma source(%arg7 : memref<128x128xi32, #tpu.memory_space<vmem>>) target(%dma_start3A_48 : memref<128x128xi32, #tpu.memory_space<hbm>>) target_semaphore(%arg14 : memref<!tpu.dma_semaphore, #tpu.memory_space<semaphore_mem>>)
    %dma_wait3A_49 = arith.constant 0 : i32
    %dma_wait3A_50 = tpu.memref_slice %arg4[%add3A_44, %dma_wait3A_49] : memref<160000x128xi32, #tpu.memory_space<hbm>> -> memref<128x128xi32, #tpu.memory_space<hbm>>
    %dma_wait3A_51 = arith.constant 0 : i32
    %dma_wait3A_52 = tpu.memref_slice %arg4[%add3A_44, %dma_wait3A_51] : memref<160000x128xi32, #tpu.memory_space<hbm>> -> memref<128x128xi32, #tpu.memory_space<hbm>>
    tpu.wait_dma2 semaphore(%arg14 : memref<!tpu.dma_semaphore, #tpu.memory_space<semaphore_mem>>) src(%arg7 : memref<128x128xi32, #tpu.memory_space<vmem>>) dst(%dma_wait3A_52 : memref<128x128xi32, #tpu.memory_space<hbm>>)
    %dma_start3A_53 = arith.constant 512 : i32
    %dma_start3A_54 = tpu.memref_slice %arg5[%dma_start3A_53] : memref<5000xi32, #tpu.memory_space<vmem>> -> memref<128xi32, #tpu.memory_space<vmem>>
    %dma_start3A_55 = arith.constant 0 : i32
    %dma_start3A_56 = arith.constant 0 : i32
    %dma_start3A_57 = tpu.memref_slice %arg2[%dma_start3A_55, %dma_start3A_56] : memref<10000x128xi32, #tpu.memory_space<hbm>> -> memref<10000x128xi32, #tpu.memory_space<hbm>>
    tpu.enqueue_indirect_dma source(%dma_start3A_57 : memref<10000x128xi32, #tpu.memory_space<hbm>>) target(%arg7 : memref<128x128xi32, #tpu.memory_space<vmem>>) offsets(%dma_start3A_54 : memref<128xi32, #tpu.memory_space<vmem>>) semaphore(%arg11 : memref<!tpu.dma_semaphore, #tpu.memory_space<semaphore_mem>>)
    %dma_wait3A_58 = arith.constant 256 : i32
    %dma_wait3A_59 = tpu.memref_slice %arg5[%dma_wait3A_58] : memref<5000xi32, #tpu.memory_space<vmem>> -> memref<128xi32, #tpu.memory_space<vmem>>
    %dma_wait3A_60 = arith.constant 0 : i32
    %dma_wait3A_61 = arith.constant 0 : i32
    %dma_wait3A_62 = tpu.memref_slice %arg2[%dma_wait3A_60, %dma_wait3A_61] : memref<10000x128xi32, #tpu.memory_space<hbm>> -> memref<10000x128xi32, #tpu.memory_space<hbm>>
    tpu.wait_indirect_dma semaphore(%arg12 : memref<!tpu.dma_semaphore, #tpu.memory_space<semaphore_mem>>) src(%dma_wait3A_62 : memref<10000x128xi32, #tpu.memory_space<hbm>>) dst(%arg8 : memref<128x128xi32, #tpu.memory_space<vmem>>)
    %add3A_63 = arith.constant 256 : i32
    %add3A_64 = arith.addi %mul3A_2, %add3A_63 : i32
    %dma_start3A_65 = arith.constant 0 : i32
    %dma_start3A_66 = tpu.memref_slice %arg4[%add3A_64, %dma_start3A_65] : memref<160000x128xi32, #tpu.memory_space<hbm>> -> memref<128x128xi32, #tpu.memory_space<hbm>>
    %dma_start3A_67 = arith.constant 0 : i32
    %dma_start3A_68 = tpu.memref_slice %arg4[%add3A_64, %dma_start3A_67] : memref<160000x128xi32, #tpu.memory_space<hbm>> -> memref<128x128xi32, #tpu.memory_space<hbm>>
    tpu.enqueue_dma source(%arg8 : memref<128x128xi32, #tpu.memory_space<vmem>>) target(%dma_start3A_68 : memref<128x128xi32, #tpu.memory_space<hbm>>) target_semaphore(%arg15 : memref<!tpu.dma_semaphore, #tpu.memory_space<semaphore_mem>>)
    %dma_wait3A_69 = arith.constant 0 : i32
    %dma_wait3A_70 = tpu.memref_slice %arg4[%add3A_64, %dma_wait3A_69] : memref<160000x128xi32, #tpu.memory_space<hbm>> -> memref<128x128xi32, #tpu.memory_space<hbm>>
    %dma_wait3A_71 = arith.constant 0 : i32
    %dma_wait3A_72 = tpu.memref_slice %arg4[%add3A_64, %dma_wait3A_71] : memref<160000x128xi32, #tpu.memory_space<hbm>> -> memref<128x128xi32, #tpu.memory_space<hbm>>
    tpu.wait_dma2 semaphore(%arg15 : memref<!tpu.dma_semaphore, #tpu.memory_space<semaphore_mem>>) src(%arg8 : memref<128x128xi32, #tpu.memory_space<vmem>>) dst(%dma_wait3A_72 : memref<128x128xi32, #tpu.memory_space<hbm>>)
    %dma_start3A_73 = arith.constant 640 : i32
    %dma_start3A_74 = tpu.memref_slice %arg5[%dma_start3A_73] : memref<5000xi32, #tpu.memory_space<vmem>> -> memref<128xi32, #tpu.memory_space<vmem>>
    %dma_start3A_75 = arith.constant 0 : i32
    %dma_start3A_76 = arith.constant 0 : i32
    %dma_start3A_77 = tpu.memref_slice %arg2[%dma_start3A_75, %dma_start3A_76] : memref<10000x128xi32, #tpu.memory_space<hbm>> -> memref<10000x128xi32, #tpu.memory_space<hbm>>
    tpu.enqueue_indirect_dma source(%dma_start3A_77 : memref<10000x128xi32, #tpu.memory_space<hbm>>) target(%arg8 : memref<128x128xi32, #tpu.memory_space<vmem>>) offsets(%dma_start3A_74 : memref<128xi32, #tpu.memory_space<vmem>>) semaphore(%arg12 : memref<!tpu.dma_semaphore, #tpu.memory_space<semaphore_mem>>)
    %dma_wait3A_78 = arith.constant 384 : i32
    %dma_wait3A_79 = tpu.memref_slice %arg5[%dma_wait3A_78] : memref<5000xi32, #tpu.memory_space<vmem>> -> memref<128xi32, #tpu.memory_space<vmem>>
    %dma_wait3A_80 = arith.constant 0 : i32
    %dma_wait3A_81 = arith.constant 0 : i32
    %dma_wait3A_82 = tpu.memref_slice %arg2[%dma_wait3A_80, %dma_wait3A_81] : memref<10000x128xi32, #tpu.memory_space<hbm>> -> memref<10000x128xi32, #tpu.memory_space<hbm>>
    tpu.wait_indirect_dma semaphore(%arg10 : memref<!tpu.dma_semaphore, #tpu.memory_space<semaphore_mem>>) src(%dma_wait3A_82 : memref<10000x128xi32, #tpu.memory_space<hbm>>) dst(%arg6 : memref<128x128xi32, #tpu.memory_space<vmem>>)
    %add3A_83 = arith.constant 384 : i32
    %add3A_84 = arith.addi %mul3A_2, %add3A_83 : i32
    %dma_start3A_85 = arith.constant 0 : i32
    %dma_start3A_86 = tpu.memref_slice %arg4[%add3A_84, %dma_start3A_85] : memref<160000x128xi32, #tpu.memory_space<hbm>> -> memref<128x128xi32, #tpu.memory_space<hbm>>
    %dma_start3A_87 = arith.constant 0 : i32
    %dma_start3A_88 = tpu.memref_slice %arg4[%add3A_84, %dma_start3A_87] : memref<160000x128xi32, #tpu.memory_space<hbm>> -> memref<128x128xi32, #tpu.memory_space<hbm>>
    tpu.enqueue_dma source(%arg6 : memref<128x128xi32, #tpu.memory_space<vmem>>) target(%dma_start3A_88 : memref<128x128xi32, #tpu.memory_space<hbm>>) target_semaphore(%arg13 : memref<!tpu.dma_semaphore, #tpu.memory_space<semaphore_mem>>)
    %dma_wait3A_89 = arith.constant 0 : i32
    %dma_wait3A_90 = tpu.memref_slice %arg4[%add3A_84, %dma_wait3A_89] : memref<160000x128xi32, #tpu.memory_space<hbm>> -> memref<128x128xi32, #tpu.memory_space<hbm>>
    %dma_wait3A_91 = arith.constant 0 : i32
    %dma_wait3A_92 = tpu.memref_slice %arg4[%add3A_84, %dma_wait3A_91] : memref<160000x128xi32, #tpu.memory_space<hbm>> -> memref<128x128xi32, #tpu.memory_space<hbm>>
    tpu.wait_dma2 semaphore(%arg13 : memref<!tpu.dma_semaphore, #tpu.memory_space<semaphore_mem>>) src(%arg6 : memref<128x128xi32, #tpu.memory_space<vmem>>) dst(%dma_wait3A_92 : memref<128x128xi32, #tpu.memory_space<hbm>>)
    %dma_start3A_93 = arith.constant 768 : i32
    %dma_start3A_94 = tpu.memref_slice %arg5[%dma_start3A_93] : memref<5000xi32, #tpu.memory_space<vmem>> -> memref<128xi32, #tpu.memory_space<vmem>>
    %dma_start3A_95 = arith.constant 0 : i32
    %dma_start3A_96 = arith.constant 0 : i32
    %dma_start3A_97 = tpu.memref_slice %arg2[%dma_start3A_95, %dma_start3A_96] : memref<10000x128xi32, #tpu.memory_space<hbm>> -> memref<10000x128xi32, #tpu.memory_space<hbm>>
    tpu.enqueue_indirect_dma source(%dma_start3A_97 : memref<10000x128xi32, #tpu.memory_space<hbm>>) target(%arg6 : memref<128x128xi32, #tpu.memory_space<vmem>>) offsets(%dma_start3A_94 : memref<128xi32, #tpu.memory_space<vmem>>) semaphore(%arg10 : memref<!tpu.dma_semaphore, #tpu.memory_space<semaphore_mem>>)
    %dma_wait3A_98 = arith.constant 512 : i32
    %dma_wait3A_99 = tpu.memref_slice %arg5[%dma_wait3A_98] : memref<5000xi32, #tpu.memory_space<vmem>> -> memref<128xi32, #tpu.memory_space<vmem>>
    %dma_wait3A_100 = arith.constant 0 : i32
    %dma_wait3A_101 = arith.constant 0 : i32
    %dma_wait3A_102 = tpu.memref_slice %arg2[%dma_wait3A_100, %dma_wait3A_101] : memref<10000x128xi32, #tpu.memory_space<hbm>> -> memref<10000x128xi32, #tpu.memory_space<hbm>>
    tpu.wait_indirect_dma semaphore(%arg11 : memref<!tpu.dma_semaphore, #tpu.memory_space<semaphore_mem>>) src(%dma_wait3A_102 : memref<10000x128xi32, #tpu.memory_space<hbm>>) dst(%arg7 : memref<128x128xi32, #tpu.memory_space<vmem>>)
    %add3A_103 = arith.constant 512 : i32
    %add3A_104 = arith.addi %mul3A_2, %add3A_103 : i32
    %dma_start3A_105 = arith.constant 0 : i32
    %dma_start3A_106 = tpu.memref_slice %arg4[%add3A_104, %dma_start3A_105] : memref<160000x128xi32, #tpu.memory_space<hbm>> -> memref<128x128xi32, #tpu.memory_space<hbm>>
    %dma_start3A_107 = arith.constant 0 : i32
    %dma_start3A_108 = tpu.memref_slice %arg4[%add3A_104, %dma_start3A_107] : memref<160000x128xi32, #tpu.memory_space<hbm>> -> memref<128x128xi32, #tpu.memory_space<hbm>>
    tpu.enqueue_dma source(%arg7 : memref<128x128xi32, #tpu.memory_space<vmem>>) target(%dma_start3A_108 : memref<128x128xi32, #tpu.memory_space<hbm>>) target_semaphore(%arg14 : memref<!tpu.dma_semaphore, #tpu.memory_space<semaphore_mem>>)
    %dma_wait3A_109 = arith.constant 0 : i32
    %dma_wait3A_110 = tpu.memref_slice %arg4[%add3A_104, %dma_wait3A_109] : memref<160000x128xi32, #tpu.memory_space<hbm>> -> memref<128x128xi32, #tpu.memory_space<hbm>>
    %dma_wait3A_111 = arith.constant 0 : i32
    %dma_wait3A_112 = tpu.memref_slice %arg4[%add3A_104, %dma_wait3A_111] : memref<160000x128xi32, #tpu.memory_space<hbm>> -> memref<128x128xi32, #tpu.memory_space<hbm>>
    tpu.wait_dma2 semaphore(%arg14 : memref<!tpu.dma_semaphore, #tpu.memory_space<semaphore_mem>>) src(%arg7 : memref<128x128xi32, #tpu.memory_space<vmem>>) dst(%dma_wait3A_112 : memref<128x128xi32, #tpu.memory_space<hbm>>)
    %dma_start3A_113 = arith.constant 896 : i32
    %dma_start3A_114 = tpu.memref_slice %arg5[%dma_start3A_113] : memref<5000xi32, #tpu.memory_space<vmem>> -> memref<128xi32, #tpu.memory_space<vmem>>
    %dma_start3A_115 = arith.constant 0 : i32
    %dma_start3A_116 = arith.constant 0 : i32
    %dma_start3A_117 = tpu.memref_slice %arg2[%dma_start3A_115, %dma_start3A_116] : memref<10000x128xi32, #tpu.memory_space<hbm>> -> memref<10000x128xi32, #tpu.memory_space<hbm>>
    tpu.enqueue_indirect_dma source(%dma_start3A_117 : memref<10000x128xi32, #tpu.memory_space<hbm>>) target(%arg7 : memref<128x128xi32, #tpu.memory_space<vmem>>) offsets(%dma_start3A_114 : memref<128xi32, #tpu.memory_space<vmem>>) semaphore(%arg11 : memref<!tpu.dma_semaphore, #tpu.memory_space<semaphore_mem>>)
    %dma_wait3A_118 = arith.constant 640 : i32
    %dma_wait3A_119 = tpu.memref_slice %arg5[%dma_wait3A_118] : memref<5000xi32, #tpu.memory_space<vmem>> -> memref<128xi32, #tpu.memory_space<vmem>>
    %dma_wait3A_120 = arith.constant 0 : i32
    %dma_wait3A_121 = arith.constant 0 : i32
    %dma_wait3A_122 = tpu.memref_slice %arg2[%dma_wait3A_120, %dma_wait3A_121] : memref<10000x128xi32, #tpu.memory_space<hbm>> -> memref<10000x128xi32, #tpu.memory_space<hbm>>
    tpu.wait_indirect_dma semaphore(%arg12 : memref<!tpu.dma_semaphore, #tpu.memory_space<semaphore_mem>>) src(%dma_wait3A_122 : memref<10000x128xi32, #tpu.memory_space<hbm>>) dst(%arg8 : memref<128x128xi32, #tpu.memory_space<vmem>>)
    %add3A_123 = arith.constant 640 : i32
    %add3A_124 = arith.addi %mul3A_2, %add3A_123 : i32
    %dma_start3A_125 = arith.constant 0 : i32
    %dma_start3A_126 = tpu.memref_slice %arg4[%add3A_124, %dma_start3A_125] : memref<160000x128xi32, #tpu.memory_space<hbm>> -> memref<128x128xi32, #tpu.memory_space<hbm>>
    %dma_start3A_127 = arith.constant 0 : i32
    %dma_start3A_128 = tpu.memref_slice %arg4[%add3A_124, %dma_start3A_127] : memref<160000x128xi32, #tpu.memory_space<hbm>> -> memref<128x128xi32, #tpu.memory_space<hbm>>
    tpu.enqueue_dma source(%arg8 : memref<128x128xi32, #tpu.memory_space<vmem>>) target(%dma_start3A_128 : memref<128x128xi32, #tpu.memory_space<hbm>>) target_semaphore(%arg15 : memref<!tpu.dma_semaphore, #tpu.memory_space<semaphore_mem>>)
    %dma_wait3A_129 = arith.constant 0 : i32
    %dma_wait3A_130 = tpu.memref_slice %arg4[%add3A_124, %dma_wait3A_129] : memref<160000x128xi32, #tpu.memory_space<hbm>> -> memref<128x128xi32, #tpu.memory_space<hbm>>
    %dma_wait3A_131 = arith.constant 0 : i32
    %dma_wait3A_132 = tpu.memref_slice %arg4[%add3A_124, %dma_wait3A_131] : memref<160000x128xi32, #tpu.memory_space<hbm>> -> memref<128x128xi32, #tpu.memory_space<hbm>>
    tpu.wait_dma2 semaphore(%arg15 : memref<!tpu.dma_semaphore, #tpu.memory_space<semaphore_mem>>) src(%arg8 : memref<128x128xi32, #tpu.memory_space<vmem>>) dst(%dma_wait3A_132 : memref<128x128xi32, #tpu.memory_space<hbm>>)
    %dma_start3A_133 = arith.constant 1024 : i32
    %dma_start3A_134 = tpu.memref_slice %arg5[%dma_start3A_133] : memref<5000xi32, #tpu.memory_space<vmem>> -> memref<128xi32, #tpu.memory_space<vmem>>
    %dma_start3A_135 = arith.constant 0 : i32
    %dma_start3A_136 = arith.constant 0 : i32
    %dma_start3A_137 = tpu.memref_slice %arg2[%dma_start3A_135, %dma_start3A_136] : memref<10000x128xi32, #tpu.memory_space<hbm>> -> memref<10000x128xi32, #tpu.memory_space<hbm>>
    tpu.enqueue_indirect_dma source(%dma_start3A_137 : memref<10000x128xi32, #tpu.memory_space<hbm>>) target(%arg8 : memref<128x128xi32, #tpu.memory_space<vmem>>) offsets(%dma_start3A_134 : memref<128xi32, #tpu.memory_space<vmem>>) semaphore(%arg12 : memref<!tpu.dma_semaphore, #tpu.memory_space<semaphore_mem>>)
    %dma_wait3A_138 = arith.constant 768 : i32
    %dma_wait3A_139 = tpu.memref_slice %arg5[%dma_wait3A_138] : memref<5000xi32, #tpu.memory_space<vmem>> -> memref<128xi32, #tpu.memory_space<vmem>>
    %dma_wait3A_140 = arith.constant 0 : i32
    %dma_wait3A_141 = arith.constant 0 : i32
    %dma_wait3A_142 = tpu.memref_slice %arg2[%dma_wait3A_140, %dma_wait3A_141] : memref<10000x128xi32, #tpu.memory_space<hbm>> -> memref<10000x128xi32, #tpu.memory_space<hbm>>
    tpu.wait_indirect_dma semaphore(%arg10 : memref<!tpu.dma_semaphore, #tpu.memory_space<semaphore_mem>>) src(%dma_wait3A_142 : memref<10000x128xi32, #tpu.memory_space<hbm>>) dst(%arg6 : memref<128x128xi32, #tpu.memory_space<vmem>>)
    %add3A_143 = arith.constant 768 : i32
    %add3A_144 = arith.addi %mul3A_2, %add3A_143 : i32
    %dma_start3A_145 = arith.constant 0 : i32
    %dma_start3A_146 = tpu.memref_slice %arg4[%add3A_144, %dma_start3A_145] : memref<160000x128xi32, #tpu.memory_space<hbm>> -> memref<128x128xi32, #tpu.memory_space<hbm>>
    %dma_start3A_147 = arith.constant 0 : i32
    %dma_start3A_148 = tpu.memref_slice %arg4[%add3A_144, %dma_start3A_147] : memref<160000x128xi32, #tpu.memory_space<hbm>> -> memref<128x128xi32, #tpu.memory_space<hbm>>
    tpu.enqueue_dma source(%arg6 : memref<128x128xi32, #tpu.memory_space<vmem>>) target(%dma_start3A_148 : memref<128x128xi32, #tpu.memory_space<hbm>>) target_semaphore(%arg13 : memref<!tpu.dma_semaphore, #tpu.memory_space<semaphore_mem>>)
    %dma_wait3A_149 = arith.constant 0 : i32
    %dma_wait3A_150 = tpu.memref_slice %arg4[%add3A_144, %dma_wait3A_149] : memref<160000x128xi32, #tpu.memory_space<hbm>> -> memref<128x128xi32, #tpu.memory_space<hbm>>
    %dma_wait3A_151 = arith.constant 0 : i32
    %dma_wait3A_152 = tpu.memref_slice %arg4[%add3A_144, %dma_wait3A_151] : memref<160000x128xi32, #tpu.memory_space<hbm>> -> memref<128x128xi32, #tpu.memory_space<hbm>>
    tpu.wait_dma2 semaphore(%arg13 : memref<!tpu.dma_semaphore, #tpu.memory_space<semaphore_mem>>) src(%arg6 : memref<128x128xi32, #tpu.memory_space<vmem>>) dst(%dma_wait3A_152 : memref<128x128xi32, #tpu.memory_space<hbm>>)
    %dma_start3A_153 = arith.constant 1152 : i32
    %dma_start3A_154 = tpu.memref_slice %arg5[%dma_start3A_153] : memref<5000xi32, #tpu.memory_space<vmem>> -> memref<128xi32, #tpu.memory_space<vmem>>
    %dma_start3A_155 = arith.constant 0 : i32
    %dma_start3A_156 = arith.constant 0 : i32
    %dma_start3A_157 = tpu.memref_slice %arg2[%dma_start3A_155, %dma_start3A_156] : memref<10000x128xi32, #tpu.memory_space<hbm>> -> memref<10000x128xi32, #tpu.memory_space<hbm>>
    tpu.enqueue_indirect_dma source(%dma_start3A_157 : memref<10000x128xi32, #tpu.memory_space<hbm>>) target(%arg6 : memref<128x128xi32, #tpu.memory_space<vmem>>) offsets(%dma_start3A_154 : memref<128xi32, #tpu.memory_space<vmem>>) semaphore(%arg10 : memref<!tpu.dma_semaphore, #tpu.memory_space<semaphore_mem>>)
    %dma_wait3A_158 = arith.constant 896 : i32
    %dma_wait3A_159 = tpu.memref_slice %arg5[%dma_wait3A_158] : memref<5000xi32, #tpu.memory_space<vmem>> -> memref<128xi32, #tpu.memory_space<vmem>>
    %dma_wait3A_160 = arith.constant 0 : i32
    %dma_wait3A_161 = arith.constant 0 : i32
    %dma_wait3A_162 = tpu.memref_slice %arg2[%dma_wait3A_160, %dma_wait3A_161] : memref<10000x128xi32, #tpu.memory_space<hbm>> -> memref<10000x128xi32, #tpu.memory_space<hbm>>
    tpu.wait_indirect_dma semaphore(%arg11 : memref<!tpu.dma_semaphore, #tpu.memory_space<semaphore_mem>>) src(%dma_wait3A_162 : memref<10000x128xi32, #tpu.memory_space<hbm>>) dst(%arg7 : memref<128x128xi32, #tpu.memory_space<vmem>>)
    %add3A_163 = arith.constant 896 : i32
    %add3A_164 = arith.addi %mul3A_2, %add3A_163 : i32
    %dma_start3A_165 = arith.constant 0 : i32
    %dma_start3A_166 = tpu.memref_slice %arg4[%add3A_164, %dma_start3A_165] : memref<160000x128xi32, #tpu.memory_space<hbm>> -> memref<128x128xi32, #tpu.memory_space<hbm>>
    %dma_start3A_167 = arith.constant 0 : i32
    %dma_start3A_168 = tpu.memref_slice %arg4[%add3A_164, %dma_start3A_167] : memref<160000x128xi32, #tpu.memory_space<hbm>> -> memref<128x128xi32, #tpu.memory_space<hbm>>
    tpu.enqueue_dma source(%arg7 : memref<128x128xi32, #tpu.memory_space<vmem>>) target(%dma_start3A_168 : memref<128x128xi32, #tpu.memory_space<hbm>>) target_semaphore(%arg14 : memref<!tpu.dma_semaphore, #tpu.memory_space<semaphore_mem>>)
    %dma_wait3A_169 = arith.constant 0 : i32
    %dma_wait3A_170 = tpu.memref_slice %arg4[%add3A_164, %dma_wait3A_169] : memref<160000x128xi32, #tpu.memory_space<hbm>> -> memref<128x128xi32, #tpu.memory_space<hbm>>
    %dma_wait3A_171 = arith.constant 0 : i32
    %dma_wait3A_172 = tpu.memref_slice %arg4[%add3A_164, %dma_wait3A_171] : memref<160000x128xi32, #tpu.memory_space<hbm>> -> memref<128x128xi32, #tpu.memory_space<hbm>>
    tpu.wait_dma2 semaphore(%arg14 : memref<!tpu.dma_semaphore, #tpu.memory_space<semaphore_mem>>) src(%arg7 : memref<128x128xi32, #tpu.memory_space<vmem>>) dst(%dma_wait3A_172 : memref<128x128xi32, #tpu.memory_space<hbm>>)
    %dma_start3A_173 = arith.constant 1280 : i32
    %dma_start3A_174 = tpu.memref_slice %arg5[%dma_start3A_173] : memref<5000xi32, #tpu.memory_space<vmem>> -> memref<128xi32, #tpu.memory_space<vmem>>
    %dma_start3A_175 = arith.constant 0 : i32
    %dma_start3A_176 = arith.constant 0 : i32
    %dma_start3A_177 = tpu.memref_slice %arg2[%dma_start3A_175, %dma_start3A_176] : memref<10000x128xi32, #tpu.memory_space<hbm>> -> memref<10000x128xi32, #tpu.memory_space<hbm>>
    tpu.enqueue_indirect_dma source(%dma_start3A_177 : memref<10000x128xi32, #tpu.memory_space<hbm>>) target(%arg7 : memref<128x128xi32, #tpu.memory_space<vmem>>) offsets(%dma_start3A_174 : memref<128xi32, #tpu.memory_space<vmem>>) semaphore(%arg11 : memref<!tpu.dma_semaphore, #tpu.memory_space<semaphore_mem>>)
    %dma_wait3A_178 = arith.constant 1024 : i32
    %dma_wait3A_179 = tpu.memref_slice %arg5[%dma_wait3A_178] : memref<5000xi32, #tpu.memory_space<vmem>> -> memref<128xi32, #tpu.memory_space<vmem>>
    %dma_wait3A_180 = arith.constant 0 : i32
    %dma_wait3A_181 = arith.constant 0 : i32
    %dma_wait3A_182 = tpu.memref_slice %arg2[%dma_wait3A_180, %dma_wait3A_181] : memref<10000x128xi32, #tpu.memory_space<hbm>> -> memref<10000x128xi32, #tpu.memory_space<hbm>>
    tpu.wait_indirect_dma semaphore(%arg12 : memref<!tpu.dma_semaphore, #tpu.memory_space<semaphore_mem>>) src(%dma_wait3A_182 : memref<10000x128xi32, #tpu.memory_space<hbm>>) dst(%arg8 : memref<128x128xi32, #tpu.memory_space<vmem>>)
    %add3A_183 = arith.constant 1024 : i32
    %add3A_184 = arith.addi %mul3A_2, %add3A_183 : i32
    %dma_start3A_185 = arith.constant 0 : i32
    %dma_start3A_186 = tpu.memref_slice %arg4[%add3A_184, %dma_start3A_185] : memref<160000x128xi32, #tpu.memory_space<hbm>> -> memref<128x128xi32, #tpu.memory_space<hbm>>
    %dma_start3A_187 = arith.constant 0 : i32
    %dma_start3A_188 = tpu.memref_slice %arg4[%add3A_184, %dma_start3A_187] : memref<160000x128xi32, #tpu.memory_space<hbm>> -> memref<128x128xi32, #tpu.memory_space<hbm>>
    tpu.enqueue_dma source(%arg8 : memref<128x128xi32, #tpu.memory_space<vmem>>) target(%dma_start3A_188 : memref<128x128xi32, #tpu.memory_space<hbm>>) target_semaphore(%arg15 : memref<!tpu.dma_semaphore, #tpu.memory_space<semaphore_mem>>)
    %dma_wait3A_189 = arith.constant 0 : i32
    %dma_wait3A_190 = tpu.memref_slice %arg4[%add3A_184, %dma_wait3A_189] : memref<160000x128xi32, #tpu.memory_space<hbm>> -> memref<128x128xi32, #tpu.memory_space<hbm>>
    %dma_wait3A_191 = arith.constant 0 : i32
    %dma_wait3A_192 = tpu.memref_slice %arg4[%add3A_184, %dma_wait3A_191] : memref<160000x128xi32, #tpu.memory_space<hbm>> -> memref<128x128xi32, #tpu.memory_space<hbm>>
    tpu.wait_dma2 semaphore(%arg15 : memref<!tpu.dma_semaphore, #tpu.memory_space<semaphore_mem>>) src(%arg8 : memref<128x128xi32, #tpu.memory_space<vmem>>) dst(%dma_wait3A_192 : memref<128x128xi32, #tpu.memory_space<hbm>>)
    %dma_start3A_193 = arith.constant 1408 : i32
    %dma_start3A_194 = tpu.memref_slice %arg5[%dma_start3A_193] : memref<5000xi32, #tpu.memory_space<vmem>> -> memref<128xi32, #tpu.memory_space<vmem>>
    %dma_start3A_195 = arith.constant 0 : i32
    %dma_start3A_196 = arith.constant 0 : i32
    %dma_start3A_197 = tpu.memref_slice %arg2[%dma_start3A_195, %dma_start3A_196] : memref<10000x128xi32, #tpu.memory_space<hbm>> -> memref<10000x128xi32, #tpu.memory_space<hbm>>
    tpu.enqueue_indirect_dma source(%dma_start3A_197 : memref<10000x128xi32, #tpu.memory_space<hbm>>) target(%arg8 : memref<128x128xi32, #tpu.memory_space<vmem>>) offsets(%dma_start3A_194 : memref<128xi32, #tpu.memory_space<vmem>>) semaphore(%arg12 : memref<!tpu.dma_semaphore, #tpu.memory_space<semaphore_mem>>)
    %dma_wait3A_198 = arith.constant 1152 : i32
    %dma_wait3A_199 = tpu.memref_slice %arg5[%dma_wait3A_198] : memref<5000xi32, #tpu.memory_space<vmem>> -> memref<128xi32, #tpu.memory_space<vmem>>
    %dma_wait3A_200 = arith.constant 0 : i32
    %dma_wait3A_201 = arith.constant 0 : i32
    %dma_wait3A_202 = tpu.memref_slice %arg2[%dma_wait3A_200, %dma_wait3A_201] : memref<10000x128xi32, #tpu.memory_space<hbm>> -> memref<10000x128xi32, #tpu.memory_space<hbm>>
    tpu.wait_indirect_dma semaphore(%arg10 : memref<!tpu.dma_semaphore, #tpu.memory_space<semaphore_mem>>) src(%dma_wait3A_202 : memref<10000x128xi32, #tpu.memory_space<hbm>>) dst(%arg6 : memref<128x128xi32, #tpu.memory_space<vmem>>)
    %add3A_203 = arith.constant 1152 : i32
    %add3A_204 = arith.addi %mul3A_2, %add3A_203 : i32
    %dma_start3A_205 = arith.constant 0 : i32
    %dma_start3A_206 = tpu.memref_slice %arg4[%add3A_204, %dma_start3A_205] : memref<160000x128xi32, #tpu.memory_space<hbm>> -> memref<128x128xi32, #tpu.memory_space<hbm>>
    %dma_start3A_207 = arith.constant 0 : i32
    %dma_start3A_208 = tpu.memref_slice %arg4[%add3A_204, %dma_start3A_207] : memref<160000x128xi32, #tpu.memory_space<hbm>> -> memref<128x128xi32, #tpu.memory_space<hbm>>
    tpu.enqueue_dma source(%arg6 : memref<128x128xi32, #tpu.memory_space<vmem>>) target(%dma_start3A_208 : memref<128x128xi32, #tpu.memory_space<hbm>>) target_semaphore(%arg13 : memref<!tpu.dma_semaphore, #tpu.memory_space<semaphore_mem>>)
    %dma_wait3A_209 = arith.constant 0 : i32
    %dma_wait3A_210 = tpu.memref_slice %arg4[%add3A_204, %dma_wait3A_209] : memref<160000x128xi32, #tpu.memory_space<hbm>> -> memref<128x128xi32, #tpu.memory_space<hbm>>
    %dma_wait3A_211 = arith.constant 0 : i32
    %dma_wait3A_212 = tpu.memref_slice %arg4[%add3A_204, %dma_wait3A_211] : memref<160000x128xi32, #tpu.memory_space<hbm>> -> memref<128x128xi32, #tpu.memory_space<hbm>>
    tpu.wait_dma2 semaphore(%arg13 : memref<!tpu.dma_semaphore, #tpu.memory_space<semaphore_mem>>) src(%arg6 : memref<128x128xi32, #tpu.memory_space<vmem>>) dst(%dma_wait3A_212 : memref<128x128xi32, #tpu.memory_space<hbm>>)
    %dma_start3A_213 = arith.constant 1536 : i32
    %dma_start3A_214 = tpu.memref_slice %arg5[%dma_start3A_213] : memref<5000xi32, #tpu.memory_space<vmem>> -> memref<128xi32, #tpu.memory_space<vmem>>
    %dma_start3A_215 = arith.constant 0 : i32
    %dma_start3A_216 = arith.constant 0 : i32
    %dma_start3A_217 = tpu.memref_slice %arg2[%dma_start3A_215, %dma_start3A_216] : memref<10000x128xi32, #tpu.memory_space<hbm>> -> memref<10000x128xi32, #tpu.memory_space<hbm>>
    tpu.enqueue_indirect_dma source(%dma_start3A_217 : memref<10000x128xi32, #tpu.memory_space<hbm>>) target(%arg6 : memref<128x128xi32, #tpu.memory_space<vmem>>) offsets(%dma_start3A_214 : memref<128xi32, #tpu.memory_space<vmem>>) semaphore(%arg10 : memref<!tpu.dma_semaphore, #tpu.memory_space<semaphore_mem>>)
    %dma_wait3A_218 = arith.constant 1280 : i32
    %dma_wait3A_219 = tpu.memref_slice %arg5[%dma_wait3A_218] : memref<5000xi32, #tpu.memory_space<vmem>> -> memref<128xi32, #tpu.memory_space<vmem>>
    %dma_wait3A_220 = arith.constant 0 : i32
    %dma_wait3A_221 = arith.constant 0 : i32
    %dma_wait3A_222 = tpu.memref_slice %arg2[%dma_wait3A_220, %dma_wait3A_221] : memref<10000x128xi32, #tpu.memory_space<hbm>> -> memref<10000x128xi32, #tpu.memory_space<hbm>>
    tpu.wait_indirect_dma semaphore(%arg11 : memref<!tpu.dma_semaphore, #tpu.memory_space<semaphore_mem>>) src(%dma_wait3A_222 : memref<10000x128xi32, #tpu.memory_space<hbm>>) dst(%arg7 : memref<128x128xi32, #tpu.memory_space<vmem>>)
    %add3A_223 = arith.constant 1280 : i32
    %add3A_224 = arith.addi %mul3A_2, %add3A_223 : i32
    %dma_start3A_225 = arith.constant 0 : i32
    %dma_start3A_226 = tpu.memref_slice %arg4[%add3A_224, %dma_start3A_225] : memref<160000x128xi32, #tpu.memory_space<hbm>> -> memref<128x128xi32, #tpu.memory_space<hbm>>
    %dma_start3A_227 = arith.constant 0 : i32
    %dma_start3A_228 = tpu.memref_slice %arg4[%add3A_224, %dma_start3A_227] : memref<160000x128xi32, #tpu.memory_space<hbm>> -> memref<128x128xi32, #tpu.memory_space<hbm>>
    tpu.enqueue_dma source(%arg7 : memref<128x128xi32, #tpu.memory_space<vmem>>) target(%dma_start3A_228 : memref<128x128xi32, #tpu.memory_space<hbm>>) target_semaphore(%arg14 : memref<!tpu.dma_semaphore, #tpu.memory_space<semaphore_mem>>)
    %dma_wait3A_229 = arith.constant 0 : i32
    %dma_wait3A_230 = tpu.memref_slice %arg4[%add3A_224, %dma_wait3A_229] : memref<160000x128xi32, #tpu.memory_space<hbm>> -> memref<128x128xi32, #tpu.memory_space<hbm>>
    %dma_wait3A_231 = arith.constant 0 : i32
    %dma_wait3A_232 = tpu.memref_slice %arg4[%add3A_224, %dma_wait3A_231] : memref<160000x128xi32, #tpu.memory_space<hbm>> -> memref<128x128xi32, #tpu.memory_space<hbm>>
    tpu.wait_dma2 semaphore(%arg14 : memref<!tpu.dma_semaphore, #tpu.memory_space<semaphore_mem>>) src(%arg7 : memref<128x128xi32, #tpu.memory_space<vmem>>) dst(%dma_wait3A_232 : memref<128x128xi32, #tpu.memory_space<hbm>>)
    %dma_start3A_233 = arith.constant 1664 : i32
    %dma_start3A_234 = tpu.memref_slice %arg5[%dma_start3A_233] : memref<5000xi32, #tpu.memory_space<vmem>> -> memref<128xi32, #tpu.memory_space<vmem>>
    %dma_start3A_235 = arith.constant 0 : i32
    %dma_start3A_236 = arith.constant 0 : i32
    %dma_start3A_237 = tpu.memref_slice %arg2[%dma_start3A_235, %dma_start3A_236] : memref<10000x128xi32, #tpu.memory_space<hbm>> -> memref<10000x128xi32, #tpu.memory_space<hbm>>
    tpu.enqueue_indirect_dma source(%dma_start3A_237 : memref<10000x128xi32, #tpu.memory_space<hbm>>) target(%arg7 : memref<128x128xi32, #tpu.memory_space<vmem>>) offsets(%dma_start3A_234 : memref<128xi32, #tpu.memory_space<vmem>>) semaphore(%arg11 : memref<!tpu.dma_semaphore, #tpu.memory_space<semaphore_mem>>)
    %dma_wait3A_238 = arith.constant 1408 : i32
    %dma_wait3A_239 = tpu.memref_slice %arg5[%dma_wait3A_238] : memref<5000xi32, #tpu.memory_space<vmem>> -> memref<128xi32, #tpu.memory_space<vmem>>
    %dma_wait3A_240 = arith.constant 0 : i32
    %dma_wait3A_241 = arith.constant 0 : i32
    %dma_wait3A_242 = tpu.memref_slice %arg2[%dma_wait3A_240, %dma_wait3A_241] : memref<10000x128xi32, #tpu.memory_space<hbm>> -> memref<10000x128xi32, #tpu.memory_space<hbm>>
    tpu.wait_indirect_dma semaphore(%arg12 : memref<!tpu.dma_semaphore, #tpu.memory_space<semaphore_mem>>) src(%dma_wait3A_242 : memref<10000x128xi32, #tpu.memory_space<hbm>>) dst(%arg8 : memref<128x128xi32, #tpu.memory_space<vmem>>)
    %add3A_243 = arith.constant 1408 : i32
    %add3A_244 = arith.addi %mul3A_2, %add3A_243 : i32
    %dma_start3A_245 = arith.constant 0 : i32
    %dma_start3A_246 = tpu.memref_slice %arg4[%add3A_244, %dma_start3A_245] : memref<160000x128xi32, #tpu.memory_space<hbm>> -> memref<128x128xi32, #tpu.memory_space<hbm>>
    %dma_start3A_247 = arith.constant 0 : i32
    %dma_start3A_248 = tpu.memref_slice %arg4[%add3A_244, %dma_start3A_247] : memref<160000x128xi32, #tpu.memory_space<hbm>> -> memref<128x128xi32, #tpu.memory_space<hbm>>
    tpu.enqueue_dma source(%arg8 : memref<128x128xi32, #tpu.memory_space<vmem>>) target(%dma_start3A_248 : memref<128x128xi32, #tpu.memory_space<hbm>>) target_semaphore(%arg15 : memref<!tpu.dma_semaphore, #tpu.memory_space<semaphore_mem>>)
    %dma_wait3A_249 = arith.constant 0 : i32
    %dma_wait3A_250 = tpu.memref_slice %arg4[%add3A_244, %dma_wait3A_249] : memref<160000x128xi32, #tpu.memory_space<hbm>> -> memref<128x128xi32, #tpu.memory_space<hbm>>
    %dma_wait3A_251 = arith.constant 0 : i32
    %dma_wait3A_252 = tpu.memref_slice %arg4[%add3A_244, %dma_wait3A_251] : memref<160000x128xi32, #tpu.memory_space<hbm>> -> memref<128x128xi32, #tpu.memory_space<hbm>>
    tpu.wait_dma2 semaphore(%arg15 : memref<!tpu.dma_semaphore, #tpu.memory_space<semaphore_mem>>) src(%arg8 : memref<128x128xi32, #tpu.memory_space<vmem>>) dst(%dma_wait3A_252 : memref<128x128xi32, #tpu.memory_space<hbm>>)
    %dma_start3A_253 = arith.constant 1792 : i32
    %dma_start3A_254 = tpu.memref_slice %arg5[%dma_start3A_253] : memref<5000xi32, #tpu.memory_space<vmem>> -> memref<128xi32, #tpu.memory_space<vmem>>
    %dma_start3A_255 = arith.constant 0 : i32
    %dma_start3A_256 = arith.constant 0 : i32
    %dma_start3A_257 = tpu.memref_slice %arg2[%dma_start3A_255, %dma_start3A_256] : memref<10000x128xi32, #tpu.memory_space<hbm>> -> memref<10000x128xi32, #tpu.memory_space<hbm>>
    tpu.enqueue_indirect_dma source(%dma_start3A_257 : memref<10000x128xi32, #tpu.memory_space<hbm>>) target(%arg8 : memref<128x128xi32, #tpu.memory_space<vmem>>) offsets(%dma_start3A_254 : memref<128xi32, #tpu.memory_space<vmem>>) semaphore(%arg12 : memref<!tpu.dma_semaphore, #tpu.memory_space<semaphore_mem>>)
    %dma_wait3A_258 = arith.constant 1536 : i32
    %dma_wait3A_259 = tpu.memref_slice %arg5[%dma_wait3A_258] : memref<5000xi32, #tpu.memory_space<vmem>> -> memref<128xi32, #tpu.memory_space<vmem>>
    %dma_wait3A_260 = arith.constant 0 : i32
    %dma_wait3A_261 = arith.constant 0 : i32
    %dma_wait3A_262 = tpu.memref_slice %arg2[%dma_wait3A_260, %dma_wait3A_261] : memref<10000x128xi32, #tpu.memory_space<hbm>> -> memref<10000x128xi32, #tpu.memory_space<hbm>>
    tpu.wait_indirect_dma semaphore(%arg10 : memref<!tpu.dma_semaphore, #tpu.memory_space<semaphore_mem>>) src(%dma_wait3A_262 : memref<10000x128xi32, #tpu.memory_space<hbm>>) dst(%arg6 : memref<128x128xi32, #tpu.memory_space<vmem>>)
    %add3A_263 = arith.constant 1536 : i32
    %add3A_264 = arith.addi %mul3A_2, %add3A_263 : i32
    %dma_start3A_265 = arith.constant 0 : i32
    %dma_start3A_266 = tpu.memref_slice %arg4[%add3A_264, %dma_start3A_265] : memref<160000x128xi32, #tpu.memory_space<hbm>> -> memref<128x128xi32, #tpu.memory_space<hbm>>
    %dma_start3A_267 = arith.constant 0 : i32
    %dma_start3A_268 = tpu.memref_slice %arg4[%add3A_264, %dma_start3A_267] : memref<160000x128xi32, #tpu.memory_space<hbm>> -> memref<128x128xi32, #tpu.memory_space<hbm>>
    tpu.enqueue_dma source(%arg6 : memref<128x128xi32, #tpu.memory_space<vmem>>) target(%dma_start3A_268 : memref<128x128xi32, #tpu.memory_space<hbm>>) target_semaphore(%arg13 : memref<!tpu.dma_semaphore, #tpu.memory_space<semaphore_mem>>)
    %dma_wait3A_269 = arith.constant 0 : i32
    %dma_wait3A_270 = tpu.memref_slice %arg4[%add3A_264, %dma_wait3A_269] : memref<160000x128xi32, #tpu.memory_space<hbm>> -> memref<128x128xi32, #tpu.memory_space<hbm>>
    %dma_wait3A_271 = arith.constant 0 : i32
    %dma_wait3A_272 = tpu.memref_slice %arg4[%add3A_264, %dma_wait3A_271] : memref<160000x128xi32, #tpu.memory_space<hbm>> -> memref<128x128xi32, #tpu.memory_space<hbm>>
    tpu.wait_dma2 semaphore(%arg13 : memref<!tpu.dma_semaphore, #tpu.memory_space<semaphore_mem>>) src(%arg6 : memref<128x128xi32, #tpu.memory_space<vmem>>) dst(%dma_wait3A_272 : memref<128x128xi32, #tpu.memory_space<hbm>>)
    %dma_start3A_273 = arith.constant 1920 : i32
    %dma_start3A_274 = tpu.memref_slice %arg5[%dma_start3A_273] : memref<5000xi32, #tpu.memory_space<vmem>> -> memref<128xi32, #tpu.memory_space<vmem>>
    %dma_start3A_275 = arith.constant 0 : i32
    %dma_start3A_276 = arith.constant 0 : i32
    %dma_start3A_277 = tpu.memref_slice %arg2[%dma_start3A_275, %dma_start3A_276] : memref<10000x128xi32, #tpu.memory_space<hbm>> -> memref<10000x128xi32, #tpu.memory_space<hbm>>
    tpu.enqueue_indirect_dma source(%dma_start3A_277 : memref<10000x128xi32, #tpu.memory_space<hbm>>) target(%arg6 : memref<128x128xi32, #tpu.memory_space<vmem>>) offsets(%dma_start3A_274 : memref<128xi32, #tpu.memory_space<vmem>>) semaphore(%arg10 : memref<!tpu.dma_semaphore, #tpu.memory_space<semaphore_mem>>)
    %dma_wait3A_278 = arith.constant 1664 : i32
    %dma_wait3A_279 = tpu.memref_slice %arg5[%dma_wait3A_278] : memref<5000xi32, #tpu.memory_space<vmem>> -> memref<128xi32, #tpu.memory_space<vmem>>
    %dma_wait3A_280 = arith.constant 0 : i32
    %dma_wait3A_281 = arith.constant 0 : i32
    %dma_wait3A_282 = tpu.memref_slice %arg2[%dma_wait3A_280, %dma_wait3A_281] : memref<10000x128xi32, #tpu.memory_space<hbm>> -> memref<10000x128xi32, #tpu.memory_space<hbm>>
    tpu.wait_indirect_dma semaphore(%arg11 : memref<!tpu.dma_semaphore, #tpu.memory_space<semaphore_mem>>) src(%dma_wait3A_282 : memref<10000x128xi32, #tpu.memory_space<hbm>>) dst(%arg7 : memref<128x128xi32, #tpu.memory_space<vmem>>)
    %add3A_283 = arith.constant 1664 : i32
    %add3A_284 = arith.addi %mul3A_2, %add3A_283 : i32
    %dma_start3A_285 = arith.constant 0 : i32
    %dma_start3A_286 = tpu.memref_slice %arg4[%add3A_284, %dma_start3A_285] : memref<160000x128xi32, #tpu.memory_space<hbm>> -> memref<128x128xi32, #tpu.memory_space<hbm>>
    %dma_start3A_287 = arith.constant 0 : i32
    %dma_start3A_288 = tpu.memref_slice %arg4[%add3A_284, %dma_start3A_287] : memref<160000x128xi32, #tpu.memory_space<hbm>> -> memref<128x128xi32, #tpu.memory_space<hbm>>
    tpu.enqueue_dma source(%arg7 : memref<128x128xi32, #tpu.memory_space<vmem>>) target(%dma_start3A_288 : memref<128x128xi32, #tpu.memory_space<hbm>>) target_semaphore(%arg14 : memref<!tpu.dma_semaphore, #tpu.memory_space<semaphore_mem>>)
    %dma_wait3A_289 = arith.constant 0 : i32
    %dma_wait3A_290 = tpu.memref_slice %arg4[%add3A_284, %dma_wait3A_289] : memref<160000x128xi32, #tpu.memory_space<hbm>> -> memref<128x128xi32, #tpu.memory_space<hbm>>
    %dma_wait3A_291 = arith.constant 0 : i32
    %dma_wait3A_292 = tpu.memref_slice %arg4[%add3A_284, %dma_wait3A_291] : memref<160000x128xi32, #tpu.memory_space<hbm>> -> memref<128x128xi32, #tpu.memory_space<hbm>>
    tpu.wait_dma2 semaphore(%arg14 : memref<!tpu.dma_semaphore, #tpu.memory_space<semaphore_mem>>) src(%arg7 : memref<128x128xi32, #tpu.memory_space<vmem>>) dst(%dma_wait3A_292 : memref<128x128xi32, #tpu.memory_space<hbm>>)
    %dma_start3A_293 = arith.constant 2048 : i32
    %dma_start3A_294 = tpu.memref_slice %arg5[%dma_start3A_293] : memref<5000xi32, #tpu.memory_space<vmem>> -> memref<128xi32, #tpu.memory_space<vmem>>
    %dma_start3A_295 = arith.constant 0 : i32
    %dma_start3A_296 = arith.constant 0 : i32
    %dma_start3A_297 = tpu.memref_slice %arg2[%dma_start3A_295, %dma_start3A_296] : memref<10000x128xi32, #tpu.memory_space<hbm>> -> memref<10000x128xi32, #tpu.memory_space<hbm>>
    tpu.enqueue_indirect_dma source(%dma_start3A_297 : memref<10000x128xi32, #tpu.memory_space<hbm>>) target(%arg7 : memref<128x128xi32, #tpu.memory_space<vmem>>) offsets(%dma_start3A_294 : memref<128xi32, #tpu.memory_space<vmem>>) semaphore(%arg11 : memref<!tpu.dma_semaphore, #tpu.memory_space<semaphore_mem>>)
    %dma_wait3A_298 = arith.constant 1792 : i32
    %dma_wait3A_299 = tpu.memref_slice %arg5[%dma_wait3A_298] : memref<5000xi32, #tpu.memory_space<vmem>> -> memref<128xi32, #tpu.memory_space<vmem>>
    %dma_wait3A_300 = arith.constant 0 : i32
    %dma_wait3A_301 = arith.constant 0 : i32
    %dma_wait3A_302 = tpu.memref_slice %arg2[%dma_wait3A_300, %dma_wait3A_301] : memref<10000x128xi32, #tpu.memory_space<hbm>> -> memref<10000x128xi32, #tpu.memory_space<hbm>>
    tpu.wait_indirect_dma semaphore(%arg12 : memref<!tpu.dma_semaphore, #tpu.memory_space<semaphore_mem>>) src(%dma_wait3A_302 : memref<10000x128xi32, #tpu.memory_space<hbm>>) dst(%arg8 : memref<128x128xi32, #tpu.memory_space<vmem>>)
    %add3A_303 = arith.constant 1792 : i32
    %add3A_304 = arith.addi %mul3A_2, %add3A_303 : i32
    %dma_start3A_305 = arith.constant 0 : i32
    %dma_start3A_306 = tpu.memref_slice %arg4[%add3A_304, %dma_start3A_305] : memref<160000x128xi32, #tpu.memory_space<hbm>> -> memref<128x128xi32, #tpu.memory_space<hbm>>
    %dma_start3A_307 = arith.constant 0 : i32
    %dma_start3A_308 = tpu.memref_slice %arg4[%add3A_304, %dma_start3A_307] : memref<160000x128xi32, #tpu.memory_space<hbm>> -> memref<128x128xi32, #tpu.memory_space<hbm>>
    tpu.enqueue_dma source(%arg8 : memref<128x128xi32, #tpu.memory_space<vmem>>) target(%dma_start3A_308 : memref<128x128xi32, #tpu.memory_space<hbm>>) target_semaphore(%arg15 : memref<!tpu.dma_semaphore, #tpu.memory_space<semaphore_mem>>)
    %dma_wait3A_309 = arith.constant 0 : i32
    %dma_wait3A_310 = tpu.memref_slice %arg4[%add3A_304, %dma_wait3A_309] : memref<160000x128xi32, #tpu.memory_space<hbm>> -> memref<128x128xi32, #tpu.memory_space<hbm>>
    %dma_wait3A_311 = arith.constant 0 : i32
    %dma_wait3A_312 = tpu.memref_slice %arg4[%add3A_304, %dma_wait3A_311] : memref<160000x128xi32, #tpu.memory_space<hbm>> -> memref<128x128xi32, #tpu.memory_space<hbm>>
    tpu.wait_dma2 semaphore(%arg15 : memref<!tpu.dma_semaphore, #tpu.memory_space<semaphore_mem>>) src(%arg8 : memref<128x128xi32, #tpu.memory_space<vmem>>) dst(%dma_wait3A_312 : memref<128x128xi32, #tpu.memory_space<hbm>>)
    %dma_start3A_313 = arith.constant 2176 : i32
    %dma_start3A_314 = tpu.memref_slice %arg5[%dma_start3A_313] : memref<5000xi32, #tpu.memory_space<vmem>> -> memref<128xi32, #tpu.memory_space<vmem>>
    %dma_start3A_315 = arith.constant 0 : i32
    %dma_start3A_316 = arith.constant 0 : i32
    %dma_start3A_317 = tpu.memref_slice %arg2[%dma_start3A_315, %dma_start3A_316] : memref<10000x128xi32, #tpu.memory_space<hbm>> -> memref<10000x128xi32, #tpu.memory_space<hbm>>
    tpu.enqueue_indirect_dma source(%dma_start3A_317 : memref<10000x128xi32, #tpu.memory_space<hbm>>) target(%arg8 : memref<128x128xi32, #tpu.memory_space<vmem>>) offsets(%dma_start3A_314 : memref<128xi32, #tpu.memory_space<vmem>>) semaphore(%arg12 : memref<!tpu.dma_semaphore, #tpu.memory_space<semaphore_mem>>)
    %dma_wait3A_318 = arith.constant 1920 : i32
    %dma_wait3A_319 = tpu.memref_slice %arg5[%dma_wait3A_318] : memref<5000xi32, #tpu.memory_space<vmem>> -> memref<128xi32, #tpu.memory_space<vmem>>
    %dma_wait3A_320 = arith.constant 0 : i32
    %dma_wait3A_321 = arith.constant 0 : i32
    %dma_wait3A_322 = tpu.memref_slice %arg2[%dma_wait3A_320, %dma_wait3A_321] : memref<10000x128xi32, #tpu.memory_space<hbm>> -> memref<10000x128xi32, #tpu.memory_space<hbm>>
    tpu.wait_indirect_dma semaphore(%arg10 : memref<!tpu.dma_semaphore, #tpu.memory_space<semaphore_mem>>) src(%dma_wait3A_322 : memref<10000x128xi32, #tpu.memory_space<hbm>>) dst(%arg6 : memref<128x128xi32, #tpu.memory_space<vmem>>)
    %add3A_323 = arith.constant 1920 : i32
    %add3A_324 = arith.addi %mul3A_2, %add3A_323 : i32
    %dma_start3A_325 = arith.constant 0 : i32
    %dma_start3A_326 = tpu.memref_slice %arg4[%add3A_324, %dma_start3A_325] : memref<160000x128xi32, #tpu.memory_space<hbm>> -> memref<128x128xi32, #tpu.memory_space<hbm>>
    %dma_start3A_327 = arith.constant 0 : i32
    %dma_start3A_328 = tpu.memref_slice %arg4[%add3A_324, %dma_start3A_327] : memref<160000x128xi32, #tpu.memory_space<hbm>> -> memref<128x128xi32, #tpu.memory_space<hbm>>
    tpu.enqueue_dma source(%arg6 : memref<128x128xi32, #tpu.memory_space<vmem>>) target(%dma_start3A_328 : memref<128x128xi32, #tpu.memory_space<hbm>>) target_semaphore(%arg13 : memref<!tpu.dma_semaphore, #tpu.memory_space<semaphore_mem>>)
    %dma_wait3A_329 = arith.constant 0 : i32
    %dma_wait3A_330 = tpu.memref_slice %arg4[%add3A_324, %dma_wait3A_329] : memref<160000x128xi32, #tpu.memory_space<hbm>> -> memref<128x128xi32, #tpu.memory_space<hbm>>
    %dma_wait3A_331 = arith.constant 0 : i32
    %dma_wait3A_332 = tpu.memref_slice %arg4[%add3A_324, %dma_wait3A_331] : memref<160000x128xi32, #tpu.memory_space<hbm>> -> memref<128x128xi32, #tpu.memory_space<hbm>>
    tpu.wait_dma2 semaphore(%arg13 : memref<!tpu.dma_semaphore, #tpu.memory_space<semaphore_mem>>) src(%arg6 : memref<128x128xi32, #tpu.memory_space<vmem>>) dst(%dma_wait3A_332 : memref<128x128xi32, #tpu.memory_space<hbm>>)
    %dma_start3A_333 = arith.constant 2304 : i32
    %dma_start3A_334 = tpu.memref_slice %arg5[%dma_start3A_333] : memref<5000xi32, #tpu.memory_space<vmem>> -> memref<128xi32, #tpu.memory_space<vmem>>
    %dma_start3A_335 = arith.constant 0 : i32
    %dma_start3A_336 = arith.constant 0 : i32
    %dma_start3A_337 = tpu.memref_slice %arg2[%dma_start3A_335, %dma_start3A_336] : memref<10000x128xi32, #tpu.memory_space<hbm>> -> memref<10000x128xi32, #tpu.memory_space<hbm>>
    tpu.enqueue_indirect_dma source(%dma_start3A_337 : memref<10000x128xi32, #tpu.memory_space<hbm>>) target(%arg6 : memref<128x128xi32, #tpu.memory_space<vmem>>) offsets(%dma_start3A_334 : memref<128xi32, #tpu.memory_space<vmem>>) semaphore(%arg10 : memref<!tpu.dma_semaphore, #tpu.memory_space<semaphore_mem>>)
    %dma_wait3A_338 = arith.constant 2048 : i32
    %dma_wait3A_339 = tpu.memref_slice %arg5[%dma_wait3A_338] : memref<5000xi32, #tpu.memory_space<vmem>> -> memref<128xi32, #tpu.memory_space<vmem>>
    %dma_wait3A_340 = arith.constant 0 : i32
    %dma_wait3A_341 = arith.constant 0 : i32
    %dma_wait3A_342 = tpu.memref_slice %arg2[%dma_wait3A_340, %dma_wait3A_341] : memref<10000x128xi32, #tpu.memory_space<hbm>> -> memref<10000x128xi32, #tpu.memory_space<hbm>>
    tpu.wait_indirect_dma semaphore(%arg11 : memref<!tpu.dma_semaphore, #tpu.memory_space<semaphore_mem>>) src(%dma_wait3A_342 : memref<10000x128xi32, #tpu.memory_space<hbm>>) dst(%arg7 : memref<128x128xi32, #tpu.memory_space<vmem>>)
    %add3A_343 = arith.constant 2048 : i32
    %add3A_344 = arith.addi %mul3A_2, %add3A_343 : i32
    %dma_start3A_345 = arith.constant 0 : i32
    %dma_start3A_346 = tpu.memref_slice %arg4[%add3A_344, %dma_start3A_345] : memref<160000x128xi32, #tpu.memory_space<hbm>> -> memref<128x128xi32, #tpu.memory_space<hbm>>
    %dma_start3A_347 = arith.constant 0 : i32
    %dma_start3A_348 = tpu.memref_slice %arg4[%add3A_344, %dma_start3A_347] : memref<160000x128xi32, #tpu.memory_space<hbm>> -> memref<128x128xi32, #tpu.memory_space<hbm>>
    tpu.enqueue_dma source(%arg7 : memref<128x128xi32, #tpu.memory_space<vmem>>) target(%dma_start3A_348 : memref<128x128xi32, #tpu.memory_space<hbm>>) target_semaphore(%arg14 : memref<!tpu.dma_semaphore, #tpu.memory_space<semaphore_mem>>)
    %dma_wait3A_349 = arith.constant 0 : i32
    %dma_wait3A_350 = tpu.memref_slice %arg4[%add3A_344, %dma_wait3A_349] : memref<160000x128xi32, #tpu.memory_space<hbm>> -> memref<128x128xi32, #tpu.memory_space<hbm>>
    %dma_wait3A_351 = arith.constant 0 : i32
    %dma_wait3A_352 = tpu.memref_slice %arg4[%add3A_344, %dma_wait3A_351] : memref<160000x128xi32, #tpu.memory_space<hbm>> -> memref<128x128xi32, #tpu.memory_space<hbm>>
    tpu.wait_dma2 semaphore(%arg14 : memref<!tpu.dma_semaphore, #tpu.memory_space<semaphore_mem>>) src(%arg7 : memref<128x128xi32, #tpu.memory_space<vmem>>) dst(%dma_wait3A_352 : memref<128x128xi32, #tpu.memory_space<hbm>>)
    %dma_start3A_353 = arith.constant 2432 : i32
    %dma_start3A_354 = tpu.memref_slice %arg5[%dma_start3A_353] : memref<5000xi32, #tpu.memory_space<vmem>> -> memref<128xi32, #tpu.memory_space<vmem>>
    %dma_start3A_355 = arith.constant 0 : i32
    %dma_start3A_356 = arith.constant 0 : i32
    %dma_start3A_357 = tpu.memref_slice %arg2[%dma_start3A_355, %dma_start3A_356] : memref<10000x128xi32, #tpu.memory_space<hbm>> -> memref<10000x128xi32, #tpu.memory_space<hbm>>
    tpu.enqueue_indirect_dma source(%dma_start3A_357 : memref<10000x128xi32, #tpu.memory_space<hbm>>) target(%arg7 : memref<128x128xi32, #tpu.memory_space<vmem>>) offsets(%dma_start3A_354 : memref<128xi32, #tpu.memory_space<vmem>>) semaphore(%arg11 : memref<!tpu.dma_semaphore, #tpu.memory_space<semaphore_mem>>)
    %dma_wait3A_358 = arith.constant 2176 : i32
    %dma_wait3A_359 = tpu.memref_slice %arg5[%dma_wait3A_358] : memref<5000xi32, #tpu.memory_space<vmem>> -> memref<128xi32, #tpu.memory_space<vmem>>
    %dma_wait3A_360 = arith.constant 0 : i32
    %dma_wait3A_361 = arith.constant 0 : i32
    %dma_wait3A_362 = tpu.memref_slice %arg2[%dma_wait3A_360, %dma_wait3A_361] : memref<10000x128xi32, #tpu.memory_space<hbm>> -> memref<10000x128xi32, #tpu.memory_space<hbm>>
    tpu.wait_indirect_dma semaphore(%arg12 : memref<!tpu.dma_semaphore, #tpu.memory_space<semaphore_mem>>) src(%dma_wait3A_362 : memref<10000x128xi32, #tpu.memory_space<hbm>>) dst(%arg8 : memref<128x128xi32, #tpu.memory_space<vmem>>)
    %add3A_363 = arith.constant 2176 : i32
    %add3A_364 = arith.addi %mul3A_2, %add3A_363 : i32
    %dma_start3A_365 = arith.constant 0 : i32
    %dma_start3A_366 = tpu.memref_slice %arg4[%add3A_364, %dma_start3A_365] : memref<160000x128xi32, #tpu.memory_space<hbm>> -> memref<128x128xi32, #tpu.memory_space<hbm>>
    %dma_start3A_367 = arith.constant 0 : i32
    %dma_start3A_368 = tpu.memref_slice %arg4[%add3A_364, %dma_start3A_367] : memref<160000x128xi32, #tpu.memory_space<hbm>> -> memref<128x128xi32, #tpu.memory_space<hbm>>
    tpu.enqueue_dma source(%arg8 : memref<128x128xi32, #tpu.memory_space<vmem>>) target(%dma_start3A_368 : memref<128x128xi32, #tpu.memory_space<hbm>>) target_semaphore(%arg15 : memref<!tpu.dma_semaphore, #tpu.memory_space<semaphore_mem>>)
    %dma_wait3A_369 = arith.constant 0 : i32
    %dma_wait3A_370 = tpu.memref_slice %arg4[%add3A_364, %dma_wait3A_369] : memref<160000x128xi32, #tpu.memory_space<hbm>> -> memref<128x128xi32, #tpu.memory_space<hbm>>
    %dma_wait3A_371 = arith.constant 0 : i32
    %dma_wait3A_372 = tpu.memref_slice %arg4[%add3A_364, %dma_wait3A_371] : memref<160000x128xi32, #tpu.memory_space<hbm>> -> memref<128x128xi32, #tpu.memory_space<hbm>>
    tpu.wait_dma2 semaphore(%arg15 : memref<!tpu.dma_semaphore, #tpu.memory_space<semaphore_mem>>) src(%arg8 : memref<128x128xi32, #tpu.memory_space<vmem>>) dst(%dma_wait3A_372 : memref<128x128xi32, #tpu.memory_space<hbm>>)
    %dma_start3A_373 = arith.constant 2560 : i32
    %dma_start3A_374 = tpu.memref_slice %arg5[%dma_start3A_373] : memref<5000xi32, #tpu.memory_space<vmem>> -> memref<128xi32, #tpu.memory_space<vmem>>
    %dma_start3A_375 = arith.constant 0 : i32
    %dma_start3A_376 = arith.constant 0 : i32
    %dma_start3A_377 = tpu.memref_slice %arg2[%dma_start3A_375, %dma_start3A_376] : memref<10000x128xi32, #tpu.memory_space<hbm>> -> memref<10000x128xi32, #tpu.memory_space<hbm>>
    tpu.enqueue_indirect_dma source(%dma_start3A_377 : memref<10000x128xi32, #tpu.memory_space<hbm>>) target(%arg8 : memref<128x128xi32, #tpu.memory_space<vmem>>) offsets(%dma_start3A_374 : memref<128xi32, #tpu.memory_space<vmem>>) semaphore(%arg12 : memref<!tpu.dma_semaphore, #tpu.memory_space<semaphore_mem>>)
    %dma_wait3A_378 = arith.constant 2304 : i32
    %dma_wait3A_379 = tpu.memref_slice %arg5[%dma_wait3A_378] : memref<5000xi32, #tpu.memory_space<vmem>> -> memref<128xi32, #tpu.memory_space<vmem>>
    %dma_wait3A_380 = arith.constant 0 : i32
    %dma_wait3A_381 = arith.constant 0 : i32
    %dma_wait3A_382 = tpu.memref_slice %arg2[%dma_wait3A_380, %dma_wait3A_381] : memref<10000x128xi32, #tpu.memory_space<hbm>> -> memref<10000x128xi32, #tpu.memory_space<hbm>>
    tpu.wait_indirect_dma semaphore(%arg10 : memref<!tpu.dma_semaphore, #tpu.memory_space<semaphore_mem>>) src(%dma_wait3A_382 : memref<10000x128xi32, #tpu.memory_space<hbm>>) dst(%arg6 : memref<128x128xi32, #tpu.memory_space<vmem>>)
    %add3A_383 = arith.constant 2304 : i32
    %add3A_384 = arith.addi %mul3A_2, %add3A_383 : i32
    %dma_start3A_385 = arith.constant 0 : i32
    %dma_start3A_386 = tpu.memref_slice %arg4[%add3A_384, %dma_start3A_385] : memref<160000x128xi32, #tpu.memory_space<hbm>> -> memref<128x128xi32, #tpu.memory_space<hbm>>
    %dma_start3A_387 = arith.constant 0 : i32
    %dma_start3A_388 = tpu.memref_slice %arg4[%add3A_384, %dma_start3A_387] : memref<160000x128xi32, #tpu.memory_space<hbm>> -> memref<128x128xi32, #tpu.memory_space<hbm>>
    tpu.enqueue_dma source(%arg6 : memref<128x128xi32, #tpu.memory_space<vmem>>) target(%dma_start3A_388 : memref<128x128xi32, #tpu.memory_space<hbm>>) target_semaphore(%arg13 : memref<!tpu.dma_semaphore, #tpu.memory_space<semaphore_mem>>)
    %dma_wait3A_389 = arith.constant 0 : i32
    %dma_wait3A_390 = tpu.memref_slice %arg4[%add3A_384, %dma_wait3A_389] : memref<160000x128xi32, #tpu.memory_space<hbm>> -> memref<128x128xi32, #tpu.memory_space<hbm>>
    %dma_wait3A_391 = arith.constant 0 : i32
    %dma_wait3A_392 = tpu.memref_slice %arg4[%add3A_384, %dma_wait3A_391] : memref<160000x128xi32, #tpu.memory_space<hbm>> -> memref<128x128xi32, #tpu.memory_space<hbm>>
    tpu.wait_dma2 semaphore(%arg13 : memref<!tpu.dma_semaphore, #tpu.memory_space<semaphore_mem>>) src(%arg6 : memref<128x128xi32, #tpu.memory_space<vmem>>) dst(%dma_wait3A_392 : memref<128x128xi32, #tpu.memory_space<hbm>>)
    %dma_start3A_393 = arith.constant 2688 : i32
    %dma_start3A_394 = tpu.memref_slice %arg5[%dma_start3A_393] : memref<5000xi32, #tpu.memory_space<vmem>> -> memref<128xi32, #tpu.memory_space<vmem>>
    %dma_start3A_395 = arith.constant 0 : i32
    %dma_start3A_396 = arith.constant 0 : i32
    %dma_start3A_397 = tpu.memref_slice %arg2[%dma_start3A_395, %dma_start3A_396] : memref<10000x128xi32, #tpu.memory_space<hbm>> -> memref<10000x128xi32, #tpu.memory_space<hbm>>
    tpu.enqueue_indirect_dma source(%dma_start3A_397 : memref<10000x128xi32, #tpu.memory_space<hbm>>) target(%arg6 : memref<128x128xi32, #tpu.memory_space<vmem>>) offsets(%dma_start3A_394 : memref<128xi32, #tpu.memory_space<vmem>>) semaphore(%arg10 : memref<!tpu.dma_semaphore, #tpu.memory_space<semaphore_mem>>)
    %dma_wait3A_398 = arith.constant 2432 : i32
    %dma_wait3A_399 = tpu.memref_slice %arg5[%dma_wait3A_398] : memref<5000xi32, #tpu.memory_space<vmem>> -> memref<128xi32, #tpu.memory_space<vmem>>
    %dma_wait3A_400 = arith.constant 0 : i32
    %dma_wait3A_401 = arith.constant 0 : i32
    %dma_wait3A_402 = tpu.memref_slice %arg2[%dma_wait3A_400, %dma_wait3A_401] : memref<10000x128xi32, #tpu.memory_space<hbm>> -> memref<10000x128xi32, #tpu.memory_space<hbm>>
    tpu.wait_indirect_dma semaphore(%arg11 : memref<!tpu.dma_semaphore, #tpu.memory_space<semaphore_mem>>) src(%dma_wait3A_402 : memref<10000x128xi32, #tpu.memory_space<hbm>>) dst(%arg7 : memref<128x128xi32, #tpu.memory_space<vmem>>)
    %add3A_403 = arith.constant 2432 : i32
    %add3A_404 = arith.addi %mul3A_2, %add3A_403 : i32
    %dma_start3A_405 = arith.constant 0 : i32
    %dma_start3A_406 = tpu.memref_slice %arg4[%add3A_404, %dma_start3A_405] : memref<160000x128xi32, #tpu.memory_space<hbm>> -> memref<128x128xi32, #tpu.memory_space<hbm>>
    %dma_start3A_407 = arith.constant 0 : i32
    %dma_start3A_408 = tpu.memref_slice %arg4[%add3A_404, %dma_start3A_407] : memref<160000x128xi32, #tpu.memory_space<hbm>> -> memref<128x128xi32, #tpu.memory_space<hbm>>
    tpu.enqueue_dma source(%arg7 : memref<128x128xi32, #tpu.memory_space<vmem>>) target(%dma_start3A_408 : memref<128x128xi32, #tpu.memory_space<hbm>>) target_semaphore(%arg14 : memref<!tpu.dma_semaphore, #tpu.memory_space<semaphore_mem>>)
    %dma_wait3A_409 = arith.constant 0 : i32
    %dma_wait3A_410 = tpu.memref_slice %arg4[%add3A_404, %dma_wait3A_409] : memref<160000x128xi32, #tpu.memory_space<hbm>> -> memref<128x128xi32, #tpu.memory_space<hbm>>
    %dma_wait3A_411 = arith.constant 0 : i32
    %dma_wait3A_412 = tpu.memref_slice %arg4[%add3A_404, %dma_wait3A_411] : memref<160000x128xi32, #tpu.memory_space<hbm>> -> memref<128x128xi32, #tpu.memory_space<hbm>>
    tpu.wait_dma2 semaphore(%arg14 : memref<!tpu.dma_semaphore, #tpu.memory_space<semaphore_mem>>) src(%arg7 : memref<128x128xi32, #tpu.memory_space<vmem>>) dst(%dma_wait3A_412 : memref<128x128xi32, #tpu.memory_space<hbm>>)
    %dma_start3A_413 = arith.constant 2816 : i32
    %dma_start3A_414 = tpu.memref_slice %arg5[%dma_start3A_413] : memref<5000xi32, #tpu.memory_space<vmem>> -> memref<128xi32, #tpu.memory_space<vmem>>
    %dma_start3A_415 = arith.constant 0 : i32
    %dma_start3A_416 = arith.constant 0 : i32
    %dma_start3A_417 = tpu.memref_slice %arg2[%dma_start3A_415, %dma_start3A_416] : memref<10000x128xi32, #tpu.memory_space<hbm>> -> memref<10000x128xi32, #tpu.memory_space<hbm>>
    tpu.enqueue_indirect_dma source(%dma_start3A_417 : memref<10000x128xi32, #tpu.memory_space<hbm>>) target(%arg7 : memref<128x128xi32, #tpu.memory_space<vmem>>) offsets(%dma_start3A_414 : memref<128xi32, #tpu.memory_space<vmem>>) semaphore(%arg11 : memref<!tpu.dma_semaphore, #tpu.memory_space<semaphore_mem>>)
    %dma_wait3A_418 = arith.constant 2560 : i32
    %dma_wait3A_419 = tpu.memref_slice %arg5[%dma_wait3A_418] : memref<5000xi32, #tpu.memory_space<vmem>> -> memref<128xi32, #tpu.memory_space<vmem>>
    %dma_wait3A_420 = arith.constant 0 : i32
    %dma_wait3A_421 = arith.constant 0 : i32
    %dma_wait3A_422 = tpu.memref_slice %arg2[%dma_wait3A_420, %dma_wait3A_421] : memref<10000x128xi32, #tpu.memory_space<hbm>> -> memref<10000x128xi32, #tpu.memory_space<hbm>>
    tpu.wait_indirect_dma semaphore(%arg12 : memref<!tpu.dma_semaphore, #tpu.memory_space<semaphore_mem>>) src(%dma_wait3A_422 : memref<10000x128xi32, #tpu.memory_space<hbm>>) dst(%arg8 : memref<128x128xi32, #tpu.memory_space<vmem>>)
    %add3A_423 = arith.constant 2560 : i32
    %add3A_424 = arith.addi %mul3A_2, %add3A_423 : i32
    %dma_start3A_425 = arith.constant 0 : i32
    %dma_start3A_426 = tpu.memref_slice %arg4[%add3A_424, %dma_start3A_425] : memref<160000x128xi32, #tpu.memory_space<hbm>> -> memref<128x128xi32, #tpu.memory_space<hbm>>
    %dma_start3A_427 = arith.constant 0 : i32
    %dma_start3A_428 = tpu.memref_slice %arg4[%add3A_424, %dma_start3A_427] : memref<160000x128xi32, #tpu.memory_space<hbm>> -> memref<128x128xi32, #tpu.memory_space<hbm>>
    tpu.enqueue_dma source(%arg8 : memref<128x128xi32, #tpu.memory_space<vmem>>) target(%dma_start3A_428 : memref<128x128xi32, #tpu.memory_space<hbm>>) target_semaphore(%arg15 : memref<!tpu.dma_semaphore, #tpu.memory_space<semaphore_mem>>)
    %dma_wait3A_429 = arith.constant 0 : i32
    %dma_wait3A_430 = tpu.memref_slice %arg4[%add3A_424, %dma_wait3A_429] : memref<160000x128xi32, #tpu.memory_space<hbm>> -> memref<128x128xi32, #tpu.memory_space<hbm>>
    %dma_wait3A_431 = arith.constant 0 : i32
    %dma_wait3A_432 = tpu.memref_slice %arg4[%add3A_424, %dma_wait3A_431] : memref<160000x128xi32, #tpu.memory_space<hbm>> -> memref<128x128xi32, #tpu.memory_space<hbm>>
    tpu.wait_dma2 semaphore(%arg15 : memref<!tpu.dma_semaphore, #tpu.memory_space<semaphore_mem>>) src(%arg8 : memref<128x128xi32, #tpu.memory_space<vmem>>) dst(%dma_wait3A_432 : memref<128x128xi32, #tpu.memory_space<hbm>>)
    %dma_start3A_433 = arith.constant 2944 : i32
    %dma_start3A_434 = tpu.memref_slice %arg5[%dma_start3A_433] : memref<5000xi32, #tpu.memory_space<vmem>> -> memref<128xi32, #tpu.memory_space<vmem>>
    %dma_start3A_435 = arith.constant 0 : i32
    %dma_start3A_436 = arith.constant 0 : i32
    %dma_start3A_437 = tpu.memref_slice %arg2[%dma_start3A_435, %dma_start3A_436] : memref<10000x128xi32, #tpu.memory_space<hbm>> -> memref<10000x128xi32, #tpu.memory_space<hbm>>
    tpu.enqueue_indirect_dma source(%dma_start3A_437 : memref<10000x128xi32, #tpu.memory_space<hbm>>) target(%arg8 : memref<128x128xi32, #tpu.memory_space<vmem>>) offsets(%dma_start3A_434 : memref<128xi32, #tpu.memory_space<vmem>>) semaphore(%arg12 : memref<!tpu.dma_semaphore, #tpu.memory_space<semaphore_mem>>)
    %dma_wait3A_438 = arith.constant 2688 : i32
    %dma_wait3A_439 = tpu.memref_slice %arg5[%dma_wait3A_438] : memref<5000xi32, #tpu.memory_space<vmem>> -> memref<128xi32, #tpu.memory_space<vmem>>
    %dma_wait3A_440 = arith.constant 0 : i32
    %dma_wait3A_441 = arith.constant 0 : i32
    %dma_wait3A_442 = tpu.memref_slice %arg2[%dma_wait3A_440, %dma_wait3A_441] : memref<10000x128xi32, #tpu.memory_space<hbm>> -> memref<10000x128xi32, #tpu.memory_space<hbm>>
    tpu.wait_indirect_dma semaphore(%arg10 : memref<!tpu.dma_semaphore, #tpu.memory_space<semaphore_mem>>) src(%dma_wait3A_442 : memref<10000x128xi32, #tpu.memory_space<hbm>>) dst(%arg6 : memref<128x128xi32, #tpu.memory_space<vmem>>)
    %add3A_443 = arith.constant 2688 : i32
    %add3A_444 = arith.addi %mul3A_2, %add3A_443 : i32
    %dma_start3A_445 = arith.constant 0 : i32
    %dma_start3A_446 = tpu.memref_slice %arg4[%add3A_444, %dma_start3A_445] : memref<160000x128xi32, #tpu.memory_space<hbm>> -> memref<128x128xi32, #tpu.memory_space<hbm>>
    %dma_start3A_447 = arith.constant 0 : i32
    %dma_start3A_448 = tpu.memref_slice %arg4[%add3A_444, %dma_start3A_447] : memref<160000x128xi32, #tpu.memory_space<hbm>> -> memref<128x128xi32, #tpu.memory_space<hbm>>
    tpu.enqueue_dma source(%arg6 : memref<128x128xi32, #tpu.memory_space<vmem>>) target(%dma_start3A_448 : memref<128x128xi32, #tpu.memory_space<hbm>>) target_semaphore(%arg13 : memref<!tpu.dma_semaphore, #tpu.memory_space<semaphore_mem>>)
    %dma_wait3A_449 = arith.constant 0 : i32
    %dma_wait3A_450 = tpu.memref_slice %arg4[%add3A_444, %dma_wait3A_449] : memref<160000x128xi32, #tpu.memory_space<hbm>> -> memref<128x128xi32, #tpu.memory_space<hbm>>
    %dma_wait3A_451 = arith.constant 0 : i32
    %dma_wait3A_452 = tpu.memref_slice %arg4[%add3A_444, %dma_wait3A_451] : memref<160000x128xi32, #tpu.memory_space<hbm>> -> memref<128x128xi32, #tpu.memory_space<hbm>>
    tpu.wait_dma2 semaphore(%arg13 : memref<!tpu.dma_semaphore, #tpu.memory_space<semaphore_mem>>) src(%arg6 : memref<128x128xi32, #tpu.memory_space<vmem>>) dst(%dma_wait3A_452 : memref<128x128xi32, #tpu.memory_space<hbm>>)
    %dma_start3A_453 = arith.constant 3072 : i32
    %dma_start3A_454 = tpu.memref_slice %arg5[%dma_start3A_453] : memref<5000xi32, #tpu.memory_space<vmem>> -> memref<128xi32, #tpu.memory_space<vmem>>
    %dma_start3A_455 = arith.constant 0 : i32
    %dma_start3A_456 = arith.constant 0 : i32
    %dma_start3A_457 = tpu.memref_slice %arg2[%dma_start3A_455, %dma_start3A_456] : memref<10000x128xi32, #tpu.memory_space<hbm>> -> memref<10000x128xi32, #tpu.memory_space<hbm>>
    tpu.enqueue_indirect_dma source(%dma_start3A_457 : memref<10000x128xi32, #tpu.memory_space<hbm>>) target(%arg6 : memref<128x128xi32, #tpu.memory_space<vmem>>) offsets(%dma_start3A_454 : memref<128xi32, #tpu.memory_space<vmem>>) semaphore(%arg10 : memref<!tpu.dma_semaphore, #tpu.memory_space<semaphore_mem>>)
    %dma_wait3A_458 = arith.constant 2816 : i32
    %dma_wait3A_459 = tpu.memref_slice %arg5[%dma_wait3A_458] : memref<5000xi32, #tpu.memory_space<vmem>> -> memref<128xi32, #tpu.memory_space<vmem>>
    %dma_wait3A_460 = arith.constant 0 : i32
    %dma_wait3A_461 = arith.constant 0 : i32
    %dma_wait3A_462 = tpu.memref_slice %arg2[%dma_wait3A_460, %dma_wait3A_461] : memref<10000x128xi32, #tpu.memory_space<hbm>> -> memref<10000x128xi32, #tpu.memory_space<hbm>>
    tpu.wait_indirect_dma semaphore(%arg11 : memref<!tpu.dma_semaphore, #tpu.memory_space<semaphore_mem>>) src(%dma_wait3A_462 : memref<10000x128xi32, #tpu.memory_space<hbm>>) dst(%arg7 : memref<128x128xi32, #tpu.memory_space<vmem>>)
    %add3A_463 = arith.constant 2816 : i32
    %add3A_464 = arith.addi %mul3A_2, %add3A_463 : i32
    %dma_start3A_465 = arith.constant 0 : i32
    %dma_start3A_466 = tpu.memref_slice %arg4[%add3A_464, %dma_start3A_465] : memref<160000x128xi32, #tpu.memory_space<hbm>> -> memref<128x128xi32, #tpu.memory_space<hbm>>
    %dma_start3A_467 = arith.constant 0 : i32
    %dma_start3A_468 = tpu.memref_slice %arg4[%add3A_464, %dma_start3A_467] : memref<160000x128xi32, #tpu.memory_space<hbm>> -> memref<128x128xi32, #tpu.memory_space<hbm>>
    tpu.enqueue_dma source(%arg7 : memref<128x128xi32, #tpu.memory_space<vmem>>) target(%dma_start3A_468 : memref<128x128xi32, #tpu.memory_space<hbm>>) target_semaphore(%arg14 : memref<!tpu.dma_semaphore, #tpu.memory_space<semaphore_mem>>)
    %dma_wait3A_469 = arith.constant 0 : i32
    %dma_wait3A_470 = tpu.memref_slice %arg4[%add3A_464, %dma_wait3A_469] : memref<160000x128xi32, #tpu.memory_space<hbm>> -> memref<128x128xi32, #tpu.memory_space<hbm>>
    %dma_wait3A_471 = arith.constant 0 : i32
    %dma_wait3A_472 = tpu.memref_slice %arg4[%add3A_464, %dma_wait3A_471] : memref<160000x128xi32, #tpu.memory_space<hbm>> -> memref<128x128xi32, #tpu.memory_space<hbm>>
    tpu.wait_dma2 semaphore(%arg14 : memref<!tpu.dma_semaphore, #tpu.memory_space<semaphore_mem>>) src(%arg7 : memref<128x128xi32, #tpu.memory_space<vmem>>) dst(%dma_wait3A_472 : memref<128x128xi32, #tpu.memory_space<hbm>>)
    %dma_start3A_473 = arith.constant 3200 : i32
    %dma_start3A_474 = tpu.memref_slice %arg5[%dma_start3A_473] : memref<5000xi32, #tpu.memory_space<vmem>> -> memref<128xi32, #tpu.memory_space<vmem>>
    %dma_start3A_475 = arith.constant 0 : i32
    %dma_start3A_476 = arith.constant 0 : i32
    %dma_start3A_477 = tpu.memref_slice %arg2[%dma_start3A_475, %dma_start3A_476] : memref<10000x128xi32, #tpu.memory_space<hbm>> -> memref<10000x128xi32, #tpu.memory_space<hbm>>
    tpu.enqueue_indirect_dma source(%dma_start3A_477 : memref<10000x128xi32, #tpu.memory_space<hbm>>) target(%arg7 : memref<128x128xi32, #tpu.memory_space<vmem>>) offsets(%dma_start3A_474 : memref<128xi32, #tpu.memory_space<vmem>>) semaphore(%arg11 : memref<!tpu.dma_semaphore, #tpu.memory_space<semaphore_mem>>)
    %dma_wait3A_478 = arith.constant 2944 : i32
    %dma_wait3A_479 = tpu.memref_slice %arg5[%dma_wait3A_478] : memref<5000xi32, #tpu.memory_space<vmem>> -> memref<128xi32, #tpu.memory_space<vmem>>
    %dma_wait3A_480 = arith.constant 0 : i32
    %dma_wait3A_481 = arith.constant 0 : i32
    %dma_wait3A_482 = tpu.memref_slice %arg2[%dma_wait3A_480, %dma_wait3A_481] : memref<10000x128xi32, #tpu.memory_space<hbm>> -> memref<10000x128xi32, #tpu.memory_space<hbm>>
    tpu.wait_indirect_dma semaphore(%arg12 : memref<!tpu.dma_semaphore, #tpu.memory_space<semaphore_mem>>) src(%dma_wait3A_482 : memref<10000x128xi32, #tpu.memory_space<hbm>>) dst(%arg8 : memref<128x128xi32, #tpu.memory_space<vmem>>)
    %add3A_483 = arith.constant 2944 : i32
    %add3A_484 = arith.addi %mul3A_2, %add3A_483 : i32
    %dma_start3A_485 = arith.constant 0 : i32
    %dma_start3A_486 = tpu.memref_slice %arg4[%add3A_484, %dma_start3A_485] : memref<160000x128xi32, #tpu.memory_space<hbm>> -> memref<128x128xi32, #tpu.memory_space<hbm>>
    %dma_start3A_487 = arith.constant 0 : i32
    %dma_start3A_488 = tpu.memref_slice %arg4[%add3A_484, %dma_start3A_487] : memref<160000x128xi32, #tpu.memory_space<hbm>> -> memref<128x128xi32, #tpu.memory_space<hbm>>
    tpu.enqueue_dma source(%arg8 : memref<128x128xi32, #tpu.memory_space<vmem>>) target(%dma_start3A_488 : memref<128x128xi32, #tpu.memory_space<hbm>>) target_semaphore(%arg15 : memref<!tpu.dma_semaphore, #tpu.memory_space<semaphore_mem>>)
    %dma_wait3A_489 = arith.constant 0 : i32
    %dma_wait3A_490 = tpu.memref_slice %arg4[%add3A_484, %dma_wait3A_489] : memref<160000x128xi32, #tpu.memory_space<hbm>> -> memref<128x128xi32, #tpu.memory_space<hbm>>
    %dma_wait3A_491 = arith.constant 0 : i32
    %dma_wait3A_492 = tpu.memref_slice %arg4[%add3A_484, %dma_wait3A_491] : memref<160000x128xi32, #tpu.memory_space<hbm>> -> memref<128x128xi32, #tpu.memory_space<hbm>>
    tpu.wait_dma2 semaphore(%arg15 : memref<!tpu.dma_semaphore, #tpu.memory_space<semaphore_mem>>) src(%arg8 : memref<128x128xi32, #tpu.memory_space<vmem>>) dst(%dma_wait3A_492 : memref<128x128xi32, #tpu.memory_space<hbm>>)
    %dma_start3A_493 = arith.constant 3328 : i32
    %dma_start3A_494 = tpu.memref_slice %arg5[%dma_start3A_493] : memref<5000xi32, #tpu.memory_space<vmem>> -> memref<128xi32, #tpu.memory_space<vmem>>
    %dma_start3A_495 = arith.constant 0 : i32
    %dma_start3A_496 = arith.constant 0 : i32
    %dma_start3A_497 = tpu.memref_slice %arg2[%dma_start3A_495, %dma_start3A_496] : memref<10000x128xi32, #tpu.memory_space<hbm>> -> memref<10000x128xi32, #tpu.memory_space<hbm>>
    tpu.enqueue_indirect_dma source(%dma_start3A_497 : memref<10000x128xi32, #tpu.memory_space<hbm>>) target(%arg8 : memref<128x128xi32, #tpu.memory_space<vmem>>) offsets(%dma_start3A_494 : memref<128xi32, #tpu.memory_space<vmem>>) semaphore(%arg12 : memref<!tpu.dma_semaphore, #tpu.memory_space<semaphore_mem>>)
    %dma_wait3A_498 = arith.constant 3072 : i32
    %dma_wait3A_499 = tpu.memref_slice %arg5[%dma_wait3A_498] : memref<5000xi32, #tpu.memory_space<vmem>> -> memref<128xi32, #tpu.memory_space<vmem>>
    %dma_wait3A_500 = arith.constant 0 : i32
    %dma_wait3A_501 = arith.constant 0 : i32
    %dma_wait3A_502 = tpu.memref_slice %arg2[%dma_wait3A_500, %dma_wait3A_501] : memref<10000x128xi32, #tpu.memory_space<hbm>> -> memref<10000x128xi32, #tpu.memory_space<hbm>>
    tpu.wait_indirect_dma semaphore(%arg10 : memref<!tpu.dma_semaphore, #tpu.memory_space<semaphore_mem>>) src(%dma_wait3A_502 : memref<10000x128xi32, #tpu.memory_space<hbm>>) dst(%arg6 : memref<128x128xi32, #tpu.memory_space<vmem>>)
    %add3A_503 = arith.constant 3072 : i32
    %add3A_504 = arith.addi %mul3A_2, %add3A_503 : i32
    %dma_start3A_505 = arith.constant 0 : i32
    %dma_start3A_506 = tpu.memref_slice %arg4[%add3A_504, %dma_start3A_505] : memref<160000x128xi32, #tpu.memory_space<hbm>> -> memref<128x128xi32, #tpu.memory_space<hbm>>
    %dma_start3A_507 = arith.constant 0 : i32
    %dma_start3A_508 = tpu.memref_slice %arg4[%add3A_504, %dma_start3A_507] : memref<160000x128xi32, #tpu.memory_space<hbm>> -> memref<128x128xi32, #tpu.memory_space<hbm>>
    tpu.enqueue_dma source(%arg6 : memref<128x128xi32, #tpu.memory_space<vmem>>) target(%dma_start3A_508 : memref<128x128xi32, #tpu.memory_space<hbm>>) target_semaphore(%arg13 : memref<!tpu.dma_semaphore, #tpu.memory_space<semaphore_mem>>)
    %dma_wait3A_509 = arith.constant 0 : i32
    %dma_wait3A_510 = tpu.memref_slice %arg4[%add3A_504, %dma_wait3A_509] : memref<160000x128xi32, #tpu.memory_space<hbm>> -> memref<128x128xi32, #tpu.memory_space<hbm>>
    %dma_wait3A_511 = arith.constant 0 : i32
    %dma_wait3A_512 = tpu.memref_slice %arg4[%add3A_504, %dma_wait3A_511] : memref<160000x128xi32, #tpu.memory_space<hbm>> -> memref<128x128xi32, #tpu.memory_space<hbm>>
    tpu.wait_dma2 semaphore(%arg13 : memref<!tpu.dma_semaphore, #tpu.memory_space<semaphore_mem>>) src(%arg6 : memref<128x128xi32, #tpu.memory_space<vmem>>) dst(%dma_wait3A_512 : memref<128x128xi32, #tpu.memory_space<hbm>>)
    %dma_start3A_513 = arith.constant 3456 : i32
    %dma_start3A_514 = tpu.memref_slice %arg5[%dma_start3A_513] : memref<5000xi32, #tpu.memory_space<vmem>> -> memref<128xi32, #tpu.memory_space<vmem>>
    %dma_start3A_515 = arith.constant 0 : i32
    %dma_start3A_516 = arith.constant 0 : i32
    %dma_start3A_517 = tpu.memref_slice %arg2[%dma_start3A_515, %dma_start3A_516] : memref<10000x128xi32, #tpu.memory_space<hbm>> -> memref<10000x128xi32, #tpu.memory_space<hbm>>
    tpu.enqueue_indirect_dma source(%dma_start3A_517 : memref<10000x128xi32, #tpu.memory_space<hbm>>) target(%arg6 : memref<128x128xi32, #tpu.memory_space<vmem>>) offsets(%dma_start3A_514 : memref<128xi32, #tpu.memory_space<vmem>>) semaphore(%arg10 : memref<!tpu.dma_semaphore, #tpu.memory_space<semaphore_mem>>)
    %dma_wait3A_518 = arith.constant 3200 : i32
    %dma_wait3A_519 = tpu.memref_slice %arg5[%dma_wait3A_518] : memref<5000xi32, #tpu.memory_space<vmem>> -> memref<128xi32, #tpu.memory_space<vmem>>
    %dma_wait3A_520 = arith.constant 0 : i32
    %dma_wait3A_521 = arith.constant 0 : i32
    %dma_wait3A_522 = tpu.memref_slice %arg2[%dma_wait3A_520, %dma_wait3A_521] : memref<10000x128xi32, #tpu.memory_space<hbm>> -> memref<10000x128xi32, #tpu.memory_space<hbm>>
    tpu.wait_indirect_dma semaphore(%arg11 : memref<!tpu.dma_semaphore, #tpu.memory_space<semaphore_mem>>) src(%dma_wait3A_522 : memref<10000x128xi32, #tpu.memory_space<hbm>>) dst(%arg7 : memref<128x128xi32, #tpu.memory_space<vmem>>)
    %add3A_523 = arith.constant 3200 : i32
    %add3A_524 = arith.addi %mul3A_2, %add3A_523 : i32
    %dma_start3A_525 = arith.constant 0 : i32
    %dma_start3A_526 = tpu.memref_slice %arg4[%add3A_524, %dma_start3A_525] : memref<160000x128xi32, #tpu.memory_space<hbm>> -> memref<128x128xi32, #tpu.memory_space<hbm>>
    %dma_start3A_527 = arith.constant 0 : i32
    %dma_start3A_528 = tpu.memref_slice %arg4[%add3A_524, %dma_start3A_527] : memref<160000x128xi32, #tpu.memory_space<hbm>> -> memref<128x128xi32, #tpu.memory_space<hbm>>
    tpu.enqueue_dma source(%arg7 : memref<128x128xi32, #tpu.memory_space<vmem>>) target(%dma_start3A_528 : memref<128x128xi32, #tpu.memory_space<hbm>>) target_semaphore(%arg14 : memref<!tpu.dma_semaphore, #tpu.memory_space<semaphore_mem>>)
    %dma_wait3A_529 = arith.constant 0 : i32
    %dma_wait3A_530 = tpu.memref_slice %arg4[%add3A_524, %dma_wait3A_529] : memref<160000x128xi32, #tpu.memory_space<hbm>> -> memref<128x128xi32, #tpu.memory_space<hbm>>
    %dma_wait3A_531 = arith.constant 0 : i32
    %dma_wait3A_532 = tpu.memref_slice %arg4[%add3A_524, %dma_wait3A_531] : memref<160000x128xi32, #tpu.memory_space<hbm>> -> memref<128x128xi32, #tpu.memory_space<hbm>>
    tpu.wait_dma2 semaphore(%arg14 : memref<!tpu.dma_semaphore, #tpu.memory_space<semaphore_mem>>) src(%arg7 : memref<128x128xi32, #tpu.memory_space<vmem>>) dst(%dma_wait3A_532 : memref<128x128xi32, #tpu.memory_space<hbm>>)
    %dma_start3A_533 = arith.constant 3584 : i32
    %dma_start3A_534 = tpu.memref_slice %arg5[%dma_start3A_533] : memref<5000xi32, #tpu.memory_space<vmem>> -> memref<128xi32, #tpu.memory_space<vmem>>
    %dma_start3A_535 = arith.constant 0 : i32
    %dma_start3A_536 = arith.constant 0 : i32
    %dma_start3A_537 = tpu.memref_slice %arg2[%dma_start3A_535, %dma_start3A_536] : memref<10000x128xi32, #tpu.memory_space<hbm>> -> memref<10000x128xi32, #tpu.memory_space<hbm>>
    tpu.enqueue_indirect_dma source(%dma_start3A_537 : memref<10000x128xi32, #tpu.memory_space<hbm>>) target(%arg7 : memref<128x128xi32, #tpu.memory_space<vmem>>) offsets(%dma_start3A_534 : memref<128xi32, #tpu.memory_space<vmem>>) semaphore(%arg11 : memref<!tpu.dma_semaphore, #tpu.memory_space<semaphore_mem>>)
    %dma_wait3A_538 = arith.constant 3328 : i32
    %dma_wait3A_539 = tpu.memref_slice %arg5[%dma_wait3A_538] : memref<5000xi32, #tpu.memory_space<vmem>> -> memref<128xi32, #tpu.memory_space<vmem>>
    %dma_wait3A_540 = arith.constant 0 : i32
    %dma_wait3A_541 = arith.constant 0 : i32
    %dma_wait3A_542 = tpu.memref_slice %arg2[%dma_wait3A_540, %dma_wait3A_541] : memref<10000x128xi32, #tpu.memory_space<hbm>> -> memref<10000x128xi32, #tpu.memory_space<hbm>>
    tpu.wait_indirect_dma semaphore(%arg12 : memref<!tpu.dma_semaphore, #tpu.memory_space<semaphore_mem>>) src(%dma_wait3A_542 : memref<10000x128xi32, #tpu.memory_space<hbm>>) dst(%arg8 : memref<128x128xi32, #tpu.memory_space<vmem>>)
    %add3A_543 = arith.constant 3328 : i32
    %add3A_544 = arith.addi %mul3A_2, %add3A_543 : i32
    %dma_start3A_545 = arith.constant 0 : i32
    %dma_start3A_546 = tpu.memref_slice %arg4[%add3A_544, %dma_start3A_545] : memref<160000x128xi32, #tpu.memory_space<hbm>> -> memref<128x128xi32, #tpu.memory_space<hbm>>
    %dma_start3A_547 = arith.constant 0 : i32
    %dma_start3A_548 = tpu.memref_slice %arg4[%add3A_544, %dma_start3A_547] : memref<160000x128xi32, #tpu.memory_space<hbm>> -> memref<128x128xi32, #tpu.memory_space<hbm>>
    tpu.enqueue_dma source(%arg8 : memref<128x128xi32, #tpu.memory_space<vmem>>) target(%dma_start3A_548 : memref<128x128xi32, #tpu.memory_space<hbm>>) target_semaphore(%arg15 : memref<!tpu.dma_semaphore, #tpu.memory_space<semaphore_mem>>)
    %dma_wait3A_549 = arith.constant 0 : i32
    %dma_wait3A_550 = tpu.memref_slice %arg4[%add3A_544, %dma_wait3A_549] : memref<160000x128xi32, #tpu.memory_space<hbm>> -> memref<128x128xi32, #tpu.memory_space<hbm>>
    %dma_wait3A_551 = arith.constant 0 : i32
    %dma_wait3A_552 = tpu.memref_slice %arg4[%add3A_544, %dma_wait3A_551] : memref<160000x128xi32, #tpu.memory_space<hbm>> -> memref<128x128xi32, #tpu.memory_space<hbm>>
    tpu.wait_dma2 semaphore(%arg15 : memref<!tpu.dma_semaphore, #tpu.memory_space<semaphore_mem>>) src(%arg8 : memref<128x128xi32, #tpu.memory_space<vmem>>) dst(%dma_wait3A_552 : memref<128x128xi32, #tpu.memory_space<hbm>>)
    %dma_start3A_553 = arith.constant 3712 : i32
    %dma_start3A_554 = tpu.memref_slice %arg5[%dma_start3A_553] : memref<5000xi32, #tpu.memory_space<vmem>> -> memref<128xi32, #tpu.memory_space<vmem>>
    %dma_start3A_555 = arith.constant 0 : i32
    %dma_start3A_556 = arith.constant 0 : i32
    %dma_start3A_557 = tpu.memref_slice %arg2[%dma_start3A_555, %dma_start3A_556] : memref<10000x128xi32, #tpu.memory_space<hbm>> -> memref<10000x128xi32, #tpu.memory_space<hbm>>
    tpu.enqueue_indirect_dma source(%dma_start3A_557 : memref<10000x128xi32, #tpu.memory_space<hbm>>) target(%arg8 : memref<128x128xi32, #tpu.memory_space<vmem>>) offsets(%dma_start3A_554 : memref<128xi32, #tpu.memory_space<vmem>>) semaphore(%arg12 : memref<!tpu.dma_semaphore, #tpu.memory_space<semaphore_mem>>)
    %dma_wait3A_558 = arith.constant 3456 : i32
    %dma_wait3A_559 = tpu.memref_slice %arg5[%dma_wait3A_558] : memref<5000xi32, #tpu.memory_space<vmem>> -> memref<128xi32, #tpu.memory_space<vmem>>
    %dma_wait3A_560 = arith.constant 0 : i32
    %dma_wait3A_561 = arith.constant 0 : i32
    %dma_wait3A_562 = tpu.memref_slice %arg2[%dma_wait3A_560, %dma_wait3A_561] : memref<10000x128xi32, #tpu.memory_space<hbm>> -> memref<10000x128xi32, #tpu.memory_space<hbm>>
    tpu.wait_indirect_dma semaphore(%arg10 : memref<!tpu.dma_semaphore, #tpu.memory_space<semaphore_mem>>) src(%dma_wait3A_562 : memref<10000x128xi32, #tpu.memory_space<hbm>>) dst(%arg6 : memref<128x128xi32, #tpu.memory_space<vmem>>)
    %add3A_563 = arith.constant 3456 : i32
    %add3A_564 = arith.addi %mul3A_2, %add3A_563 : i32
    %dma_start3A_565 = arith.constant 0 : i32
    %dma_start3A_566 = tpu.memref_slice %arg4[%add3A_564, %dma_start3A_565] : memref<160000x128xi32, #tpu.memory_space<hbm>> -> memref<128x128xi32, #tpu.memory_space<hbm>>
    %dma_start3A_567 = arith.constant 0 : i32
    %dma_start3A_568 = tpu.memref_slice %arg4[%add3A_564, %dma_start3A_567] : memref<160000x128xi32, #tpu.memory_space<hbm>> -> memref<128x128xi32, #tpu.memory_space<hbm>>
    tpu.enqueue_dma source(%arg6 : memref<128x128xi32, #tpu.memory_space<vmem>>) target(%dma_start3A_568 : memref<128x128xi32, #tpu.memory_space<hbm>>) target_semaphore(%arg13 : memref<!tpu.dma_semaphore, #tpu.memory_space<semaphore_mem>>)
    %dma_wait3A_569 = arith.constant 0 : i32
    %dma_wait3A_570 = tpu.memref_slice %arg4[%add3A_564, %dma_wait3A_569] : memref<160000x128xi32, #tpu.memory_space<hbm>> -> memref<128x128xi32, #tpu.memory_space<hbm>>
    %dma_wait3A_571 = arith.constant 0 : i32
    %dma_wait3A_572 = tpu.memref_slice %arg4[%add3A_564, %dma_wait3A_571] : memref<160000x128xi32, #tpu.memory_space<hbm>> -> memref<128x128xi32, #tpu.memory_space<hbm>>
    tpu.wait_dma2 semaphore(%arg13 : memref<!tpu.dma_semaphore, #tpu.memory_space<semaphore_mem>>) src(%arg6 : memref<128x128xi32, #tpu.memory_space<vmem>>) dst(%dma_wait3A_572 : memref<128x128xi32, #tpu.memory_space<hbm>>)
    %dma_start3A_573 = arith.constant 3840 : i32
    %dma_start3A_574 = tpu.memref_slice %arg5[%dma_start3A_573] : memref<5000xi32, #tpu.memory_space<vmem>> -> memref<128xi32, #tpu.memory_space<vmem>>
    %dma_start3A_575 = arith.constant 0 : i32
    %dma_start3A_576 = arith.constant 0 : i32
    %dma_start3A_577 = tpu.memref_slice %arg2[%dma_start3A_575, %dma_start3A_576] : memref<10000x128xi32, #tpu.memory_space<hbm>> -> memref<10000x128xi32, #tpu.memory_space<hbm>>
    tpu.enqueue_indirect_dma source(%dma_start3A_577 : memref<10000x128xi32, #tpu.memory_space<hbm>>) target(%arg6 : memref<128x128xi32, #tpu.memory_space<vmem>>) offsets(%dma_start3A_574 : memref<128xi32, #tpu.memory_space<vmem>>) semaphore(%arg10 : memref<!tpu.dma_semaphore, #tpu.memory_space<semaphore_mem>>)
    %dma_wait3A_578 = arith.constant 3584 : i32
    %dma_wait3A_579 = tpu.memref_slice %arg5[%dma_wait3A_578] : memref<5000xi32, #tpu.memory_space<vmem>> -> memref<128xi32, #tpu.memory_space<vmem>>
    %dma_wait3A_580 = arith.constant 0 : i32
    %dma_wait3A_581 = arith.constant 0 : i32
    %dma_wait3A_582 = tpu.memref_slice %arg2[%dma_wait3A_580, %dma_wait3A_581] : memref<10000x128xi32, #tpu.memory_space<hbm>> -> memref<10000x128xi32, #tpu.memory_space<hbm>>
    tpu.wait_indirect_dma semaphore(%arg11 : memref<!tpu.dma_semaphore, #tpu.memory_space<semaphore_mem>>) src(%dma_wait3A_582 : memref<10000x128xi32, #tpu.memory_space<hbm>>) dst(%arg7 : memref<128x128xi32, #tpu.memory_space<vmem>>)
    %add3A_583 = arith.constant 3584 : i32
    %add3A_584 = arith.addi %mul3A_2, %add3A_583 : i32
    %dma_start3A_585 = arith.constant 0 : i32
    %dma_start3A_586 = tpu.memref_slice %arg4[%add3A_584, %dma_start3A_585] : memref<160000x128xi32, #tpu.memory_space<hbm>> -> memref<128x128xi32, #tpu.memory_space<hbm>>
    %dma_start3A_587 = arith.constant 0 : i32
    %dma_start3A_588 = tpu.memref_slice %arg4[%add3A_584, %dma_start3A_587] : memref<160000x128xi32, #tpu.memory_space<hbm>> -> memref<128x128xi32, #tpu.memory_space<hbm>>
    tpu.enqueue_dma source(%arg7 : memref<128x128xi32, #tpu.memory_space<vmem>>) target(%dma_start3A_588 : memref<128x128xi32, #tpu.memory_space<hbm>>) target_semaphore(%arg14 : memref<!tpu.dma_semaphore, #tpu.memory_space<semaphore_mem>>)
    %dma_wait3A_589 = arith.constant 0 : i32
    %dma_wait3A_590 = tpu.memref_slice %arg4[%add3A_584, %dma_wait3A_589] : memref<160000x128xi32, #tpu.memory_space<hbm>> -> memref<128x128xi32, #tpu.memory_space<hbm>>
    %dma_wait3A_591 = arith.constant 0 : i32
    %dma_wait3A_592 = tpu.memref_slice %arg4[%add3A_584, %dma_wait3A_591] : memref<160000x128xi32, #tpu.memory_space<hbm>> -> memref<128x128xi32, #tpu.memory_space<hbm>>
    tpu.wait_dma2 semaphore(%arg14 : memref<!tpu.dma_semaphore, #tpu.memory_space<semaphore_mem>>) src(%arg7 : memref<128x128xi32, #tpu.memory_space<vmem>>) dst(%dma_wait3A_592 : memref<128x128xi32, #tpu.memory_space<hbm>>)
    %dma_start3A_593 = arith.constant 3968 : i32
    %dma_start3A_594 = tpu.memref_slice %arg5[%dma_start3A_593] : memref<5000xi32, #tpu.memory_space<vmem>> -> memref<128xi32, #tpu.memory_space<vmem>>
    %dma_start3A_595 = arith.constant 0 : i32
    %dma_start3A_596 = arith.constant 0 : i32
    %dma_start3A_597 = tpu.memref_slice %arg2[%dma_start3A_595, %dma_start3A_596] : memref<10000x128xi32, #tpu.memory_space<hbm>> -> memref<10000x128xi32, #tpu.memory_space<hbm>>
    tpu.enqueue_indirect_dma source(%dma_start3A_597 : memref<10000x128xi32, #tpu.memory_space<hbm>>) target(%arg7 : memref<128x128xi32, #tpu.memory_space<vmem>>) offsets(%dma_start3A_594 : memref<128xi32, #tpu.memory_space<vmem>>) semaphore(%arg11 : memref<!tpu.dma_semaphore, #tpu.memory_space<semaphore_mem>>)
    %dma_wait3A_598 = arith.constant 3712 : i32
    %dma_wait3A_599 = tpu.memref_slice %arg5[%dma_wait3A_598] : memref<5000xi32, #tpu.memory_space<vmem>> -> memref<128xi32, #tpu.memory_space<vmem>>
    %dma_wait3A_600 = arith.constant 0 : i32
    %dma_wait3A_601 = arith.constant 0 : i32
    %dma_wait3A_602 = tpu.memref_slice %arg2[%dma_wait3A_600, %dma_wait3A_601] : memref<10000x128xi32, #tpu.memory_space<hbm>> -> memref<10000x128xi32, #tpu.memory_space<hbm>>
    tpu.wait_indirect_dma semaphore(%arg12 : memref<!tpu.dma_semaphore, #tpu.memory_space<semaphore_mem>>) src(%dma_wait3A_602 : memref<10000x128xi32, #tpu.memory_space<hbm>>) dst(%arg8 : memref<128x128xi32, #tpu.memory_space<vmem>>)
    %add3A_603 = arith.constant 3712 : i32
    %add3A_604 = arith.addi %mul3A_2, %add3A_603 : i32
    %dma_start3A_605 = arith.constant 0 : i32
    %dma_start3A_606 = tpu.memref_slice %arg4[%add3A_604, %dma_start3A_605] : memref<160000x128xi32, #tpu.memory_space<hbm>> -> memref<128x128xi32, #tpu.memory_space<hbm>>
    %dma_start3A_607 = arith.constant 0 : i32
    %dma_start3A_608 = tpu.memref_slice %arg4[%add3A_604, %dma_start3A_607] : memref<160000x128xi32, #tpu.memory_space<hbm>> -> memref<128x128xi32, #tpu.memory_space<hbm>>
    tpu.enqueue_dma source(%arg8 : memref<128x128xi32, #tpu.memory_space<vmem>>) target(%dma_start3A_608 : memref<128x128xi32, #tpu.memory_space<hbm>>) target_semaphore(%arg15 : memref<!tpu.dma_semaphore, #tpu.memory_space<semaphore_mem>>)
    %dma_wait3A_609 = arith.constant 0 : i32
    %dma_wait3A_610 = tpu.memref_slice %arg4[%add3A_604, %dma_wait3A_609] : memref<160000x128xi32, #tpu.memory_space<hbm>> -> memref<128x128xi32, #tpu.memory_space<hbm>>
    %dma_wait3A_611 = arith.constant 0 : i32
    %dma_wait3A_612 = tpu.memref_slice %arg4[%add3A_604, %dma_wait3A_611] : memref<160000x128xi32, #tpu.memory_space<hbm>> -> memref<128x128xi32, #tpu.memory_space<hbm>>
    tpu.wait_dma2 semaphore(%arg15 : memref<!tpu.dma_semaphore, #tpu.memory_space<semaphore_mem>>) src(%arg8 : memref<128x128xi32, #tpu.memory_space<vmem>>) dst(%dma_wait3A_612 : memref<128x128xi32, #tpu.memory_space<hbm>>)
    %dma_start3A_613 = arith.constant 4096 : i32
    %dma_start3A_614 = tpu.memref_slice %arg5[%dma_start3A_613] : memref<5000xi32, #tpu.memory_space<vmem>> -> memref<128xi32, #tpu.memory_space<vmem>>
    %dma_start3A_615 = arith.constant 0 : i32
    %dma_start3A_616 = arith.constant 0 : i32
    %dma_start3A_617 = tpu.memref_slice %arg2[%dma_start3A_615, %dma_start3A_616] : memref<10000x128xi32, #tpu.memory_space<hbm>> -> memref<10000x128xi32, #tpu.memory_space<hbm>>
    tpu.enqueue_indirect_dma source(%dma_start3A_617 : memref<10000x128xi32, #tpu.memory_space<hbm>>) target(%arg8 : memref<128x128xi32, #tpu.memory_space<vmem>>) offsets(%dma_start3A_614 : memref<128xi32, #tpu.memory_space<vmem>>) semaphore(%arg12 : memref<!tpu.dma_semaphore, #tpu.memory_space<semaphore_mem>>)
    %dma_wait3A_618 = arith.constant 3840 : i32
    %dma_wait3A_619 = tpu.memref_slice %arg5[%dma_wait3A_618] : memref<5000xi32, #tpu.memory_space<vmem>> -> memref<128xi32, #tpu.memory_space<vmem>>
    %dma_wait3A_620 = arith.constant 0 : i32
    %dma_wait3A_621 = arith.constant 0 : i32
    %dma_wait3A_622 = tpu.memref_slice %arg2[%dma_wait3A_620, %dma_wait3A_621] : memref<10000x128xi32, #tpu.memory_space<hbm>> -> memref<10000x128xi32, #tpu.memory_space<hbm>>
    tpu.wait_indirect_dma semaphore(%arg10 : memref<!tpu.dma_semaphore, #tpu.memory_space<semaphore_mem>>) src(%dma_wait3A_622 : memref<10000x128xi32, #tpu.memory_space<hbm>>) dst(%arg6 : memref<128x128xi32, #tpu.memory_space<vmem>>)
    %add3A_623 = arith.constant 3840 : i32
    %add3A_624 = arith.addi %mul3A_2, %add3A_623 : i32
    %dma_start3A_625 = arith.constant 0 : i32
    %dma_start3A_626 = tpu.memref_slice %arg4[%add3A_624, %dma_start3A_625] : memref<160000x128xi32, #tpu.memory_space<hbm>> -> memref<128x128xi32, #tpu.memory_space<hbm>>
    %dma_start3A_627 = arith.constant 0 : i32
    %dma_start3A_628 = tpu.memref_slice %arg4[%add3A_624, %dma_start3A_627] : memref<160000x128xi32, #tpu.memory_space<hbm>> -> memref<128x128xi32, #tpu.memory_space<hbm>>
    tpu.enqueue_dma source(%arg6 : memref<128x128xi32, #tpu.memory_space<vmem>>) target(%dma_start3A_628 : memref<128x128xi32, #tpu.memory_space<hbm>>) target_semaphore(%arg13 : memref<!tpu.dma_semaphore, #tpu.memory_space<semaphore_mem>>)
    %dma_wait3A_629 = arith.constant 0 : i32
    %dma_wait3A_630 = tpu.memref_slice %arg4[%add3A_624, %dma_wait3A_629] : memref<160000x128xi32, #tpu.memory_space<hbm>> -> memref<128x128xi32, #tpu.memory_space<hbm>>
    %dma_wait3A_631 = arith.constant 0 : i32
    %dma_wait3A_632 = tpu.memref_slice %arg4[%add3A_624, %dma_wait3A_631] : memref<160000x128xi32, #tpu.memory_space<hbm>> -> memref<128x128xi32, #tpu.memory_space<hbm>>
    tpu.wait_dma2 semaphore(%arg13 : memref<!tpu.dma_semaphore, #tpu.memory_space<semaphore_mem>>) src(%arg6 : memref<128x128xi32, #tpu.memory_space<vmem>>) dst(%dma_wait3A_632 : memref<128x128xi32, #tpu.memory_space<hbm>>)
    %dma_start3A_633 = arith.constant 4224 : i32
    %dma_start3A_634 = tpu.memref_slice %arg5[%dma_start3A_633] : memref<5000xi32, #tpu.memory_space<vmem>> -> memref<128xi32, #tpu.memory_space<vmem>>
    %dma_start3A_635 = arith.constant 0 : i32
    %dma_start3A_636 = arith.constant 0 : i32
    %dma_start3A_637 = tpu.memref_slice %arg2[%dma_start3A_635, %dma_start3A_636] : memref<10000x128xi32, #tpu.memory_space<hbm>> -> memref<10000x128xi32, #tpu.memory_space<hbm>>
    tpu.enqueue_indirect_dma source(%dma_start3A_637 : memref<10000x128xi32, #tpu.memory_space<hbm>>) target(%arg6 : memref<128x128xi32, #tpu.memory_space<vmem>>) offsets(%dma_start3A_634 : memref<128xi32, #tpu.memory_space<vmem>>) semaphore(%arg10 : memref<!tpu.dma_semaphore, #tpu.memory_space<semaphore_mem>>)
    %dma_wait3A_638 = arith.constant 3968 : i32
    %dma_wait3A_639 = tpu.memref_slice %arg5[%dma_wait3A_638] : memref<5000xi32, #tpu.memory_space<vmem>> -> memref<128xi32, #tpu.memory_space<vmem>>
    %dma_wait3A_640 = arith.constant 0 : i32
    %dma_wait3A_641 = arith.constant 0 : i32
    %dma_wait3A_642 = tpu.memref_slice %arg2[%dma_wait3A_640, %dma_wait3A_641] : memref<10000x128xi32, #tpu.memory_space<hbm>> -> memref<10000x128xi32, #tpu.memory_space<hbm>>
    tpu.wait_indirect_dma semaphore(%arg11 : memref<!tpu.dma_semaphore, #tpu.memory_space<semaphore_mem>>) src(%dma_wait3A_642 : memref<10000x128xi32, #tpu.memory_space<hbm>>) dst(%arg7 : memref<128x128xi32, #tpu.memory_space<vmem>>)
    %add3A_643 = arith.constant 3968 : i32
    %add3A_644 = arith.addi %mul3A_2, %add3A_643 : i32
    %dma_start3A_645 = arith.constant 0 : i32
    %dma_start3A_646 = tpu.memref_slice %arg4[%add3A_644, %dma_start3A_645] : memref<160000x128xi32, #tpu.memory_space<hbm>> -> memref<128x128xi32, #tpu.memory_space<hbm>>
    %dma_start3A_647 = arith.constant 0 : i32
    %dma_start3A_648 = tpu.memref_slice %arg4[%add3A_644, %dma_start3A_647] : memref<160000x128xi32, #tpu.memory_space<hbm>> -> memref<128x128xi32, #tpu.memory_space<hbm>>
    tpu.enqueue_dma source(%arg7 : memref<128x128xi32, #tpu.memory_space<vmem>>) target(%dma_start3A_648 : memref<128x128xi32, #tpu.memory_space<hbm>>) target_semaphore(%arg14 : memref<!tpu.dma_semaphore, #tpu.memory_space<semaphore_mem>>)
    %dma_wait3A_649 = arith.constant 0 : i32
    %dma_wait3A_650 = tpu.memref_slice %arg4[%add3A_644, %dma_wait3A_649] : memref<160000x128xi32, #tpu.memory_space<hbm>> -> memref<128x128xi32, #tpu.memory_space<hbm>>
    %dma_wait3A_651 = arith.constant 0 : i32
    %dma_wait3A_652 = tpu.memref_slice %arg4[%add3A_644, %dma_wait3A_651] : memref<160000x128xi32, #tpu.memory_space<hbm>> -> memref<128x128xi32, #tpu.memory_space<hbm>>
    tpu.wait_dma2 semaphore(%arg14 : memref<!tpu.dma_semaphore, #tpu.memory_space<semaphore_mem>>) src(%arg7 : memref<128x128xi32, #tpu.memory_space<vmem>>) dst(%dma_wait3A_652 : memref<128x128xi32, #tpu.memory_space<hbm>>)
    %dma_start3A_653 = arith.constant 4352 : i32
    %dma_start3A_654 = tpu.memref_slice %arg5[%dma_start3A_653] : memref<5000xi32, #tpu.memory_space<vmem>> -> memref<128xi32, #tpu.memory_space<vmem>>
    %dma_start3A_655 = arith.constant 0 : i32
    %dma_start3A_656 = arith.constant 0 : i32
    %dma_start3A_657 = tpu.memref_slice %arg2[%dma_start3A_655, %dma_start3A_656] : memref<10000x128xi32, #tpu.memory_space<hbm>> -> memref<10000x128xi32, #tpu.memory_space<hbm>>
    tpu.enqueue_indirect_dma source(%dma_start3A_657 : memref<10000x128xi32, #tpu.memory_space<hbm>>) target(%arg7 : memref<128x128xi32, #tpu.memory_space<vmem>>) offsets(%dma_start3A_654 : memref<128xi32, #tpu.memory_space<vmem>>) semaphore(%arg11 : memref<!tpu.dma_semaphore, #tpu.memory_space<semaphore_mem>>)
    %dma_wait3A_658 = arith.constant 4096 : i32
    %dma_wait3A_659 = tpu.memref_slice %arg5[%dma_wait3A_658] : memref<5000xi32, #tpu.memory_space<vmem>> -> memref<128xi32, #tpu.memory_space<vmem>>
    %dma_wait3A_660 = arith.constant 0 : i32
    %dma_wait3A_661 = arith.constant 0 : i32
    %dma_wait3A_662 = tpu.memref_slice %arg2[%dma_wait3A_660, %dma_wait3A_661] : memref<10000x128xi32, #tpu.memory_space<hbm>> -> memref<10000x128xi32, #tpu.memory_space<hbm>>
    tpu.wait_indirect_dma semaphore(%arg12 : memref<!tpu.dma_semaphore, #tpu.memory_space<semaphore_mem>>) src(%dma_wait3A_662 : memref<10000x128xi32, #tpu.memory_space<hbm>>) dst(%arg8 : memref<128x128xi32, #tpu.memory_space<vmem>>)
    %add3A_663 = arith.constant 4096 : i32
    %add3A_664 = arith.addi %mul3A_2, %add3A_663 : i32
    %dma_start3A_665 = arith.constant 0 : i32
    %dma_start3A_666 = tpu.memref_slice %arg4[%add3A_664, %dma_start3A_665] : memref<160000x128xi32, #tpu.memory_space<hbm>> -> memref<128x128xi32, #tpu.memory_space<hbm>>
    %dma_start3A_667 = arith.constant 0 : i32
    %dma_start3A_668 = tpu.memref_slice %arg4[%add3A_664, %dma_start3A_667] : memref<160000x128xi32, #tpu.memory_space<hbm>> -> memref<128x128xi32, #tpu.memory_space<hbm>>
    tpu.enqueue_dma source(%arg8 : memref<128x128xi32, #tpu.memory_space<vmem>>) target(%dma_start3A_668 : memref<128x128xi32, #tpu.memory_space<hbm>>) target_semaphore(%arg15 : memref<!tpu.dma_semaphore, #tpu.memory_space<semaphore_mem>>)
    %dma_wait3A_669 = arith.constant 0 : i32
    %dma_wait3A_670 = tpu.memref_slice %arg4[%add3A_664, %dma_wait3A_669] : memref<160000x128xi32, #tpu.memory_space<hbm>> -> memref<128x128xi32, #tpu.memory_space<hbm>>
    %dma_wait3A_671 = arith.constant 0 : i32
    %dma_wait3A_672 = tpu.memref_slice %arg4[%add3A_664, %dma_wait3A_671] : memref<160000x128xi32, #tpu.memory_space<hbm>> -> memref<128x128xi32, #tpu.memory_space<hbm>>
    tpu.wait_dma2 semaphore(%arg15 : memref<!tpu.dma_semaphore, #tpu.memory_space<semaphore_mem>>) src(%arg8 : memref<128x128xi32, #tpu.memory_space<vmem>>) dst(%dma_wait3A_672 : memref<128x128xi32, #tpu.memory_space<hbm>>)
    %dma_start3A_673 = arith.constant 4480 : i32
    %dma_start3A_674 = tpu.memref_slice %arg5[%dma_start3A_673] : memref<5000xi32, #tpu.memory_space<vmem>> -> memref<128xi32, #tpu.memory_space<vmem>>
    %dma_start3A_675 = arith.constant 0 : i32
    %dma_start3A_676 = arith.constant 0 : i32
    %dma_start3A_677 = tpu.memref_slice %arg2[%dma_start3A_675, %dma_start3A_676] : memref<10000x128xi32, #tpu.memory_space<hbm>> -> memref<10000x128xi32, #tpu.memory_space<hbm>>
    tpu.enqueue_indirect_dma source(%dma_start3A_677 : memref<10000x128xi32, #tpu.memory_space<hbm>>) target(%arg8 : memref<128x128xi32, #tpu.memory_space<vmem>>) offsets(%dma_start3A_674 : memref<128xi32, #tpu.memory_space<vmem>>) semaphore(%arg12 : memref<!tpu.dma_semaphore, #tpu.memory_space<semaphore_mem>>)
    %dma_wait3A_678 = arith.constant 4224 : i32
    %dma_wait3A_679 = tpu.memref_slice %arg5[%dma_wait3A_678] : memref<5000xi32, #tpu.memory_space<vmem>> -> memref<128xi32, #tpu.memory_space<vmem>>
    %dma_wait3A_680 = arith.constant 0 : i32
    %dma_wait3A_681 = arith.constant 0 : i32
    %dma_wait3A_682 = tpu.memref_slice %arg2[%dma_wait3A_680, %dma_wait3A_681] : memref<10000x128xi32, #tpu.memory_space<hbm>> -> memref<10000x128xi32, #tpu.memory_space<hbm>>
    tpu.wait_indirect_dma semaphore(%arg10 : memref<!tpu.dma_semaphore, #tpu.memory_space<semaphore_mem>>) src(%dma_wait3A_682 : memref<10000x128xi32, #tpu.memory_space<hbm>>) dst(%arg6 : memref<128x128xi32, #tpu.memory_space<vmem>>)
    %add3A_683 = arith.constant 4224 : i32
    %add3A_684 = arith.addi %mul3A_2, %add3A_683 : i32
    %dma_start3A_685 = arith.constant 0 : i32
    %dma_start3A_686 = tpu.memref_slice %arg4[%add3A_684, %dma_start3A_685] : memref<160000x128xi32, #tpu.memory_space<hbm>> -> memref<128x128xi32, #tpu.memory_space<hbm>>
    %dma_start3A_687 = arith.constant 0 : i32
    %dma_start3A_688 = tpu.memref_slice %arg4[%add3A_684, %dma_start3A_687] : memref<160000x128xi32, #tpu.memory_space<hbm>> -> memref<128x128xi32, #tpu.memory_space<hbm>>
    tpu.enqueue_dma source(%arg6 : memref<128x128xi32, #tpu.memory_space<vmem>>) target(%dma_start3A_688 : memref<128x128xi32, #tpu.memory_space<hbm>>) target_semaphore(%arg13 : memref<!tpu.dma_semaphore, #tpu.memory_space<semaphore_mem>>)
    %dma_wait3A_689 = arith.constant 0 : i32
    %dma_wait3A_690 = tpu.memref_slice %arg4[%add3A_684, %dma_wait3A_689] : memref<160000x128xi32, #tpu.memory_space<hbm>> -> memref<128x128xi32, #tpu.memory_space<hbm>>
    %dma_wait3A_691 = arith.constant 0 : i32
    %dma_wait3A_692 = tpu.memref_slice %arg4[%add3A_684, %dma_wait3A_691] : memref<160000x128xi32, #tpu.memory_space<hbm>> -> memref<128x128xi32, #tpu.memory_space<hbm>>
    tpu.wait_dma2 semaphore(%arg13 : memref<!tpu.dma_semaphore, #tpu.memory_space<semaphore_mem>>) src(%arg6 : memref<128x128xi32, #tpu.memory_space<vmem>>) dst(%dma_wait3A_692 : memref<128x128xi32, #tpu.memory_space<hbm>>)
    %dma_start3A_693 = arith.constant 4608 : i32
    %dma_start3A_694 = tpu.memref_slice %arg5[%dma_start3A_693] : memref<5000xi32, #tpu.memory_space<vmem>> -> memref<128xi32, #tpu.memory_space<vmem>>
    %dma_start3A_695 = arith.constant 0 : i32
    %dma_start3A_696 = arith.constant 0 : i32
    %dma_start3A_697 = tpu.memref_slice %arg2[%dma_start3A_695, %dma_start3A_696] : memref<10000x128xi32, #tpu.memory_space<hbm>> -> memref<10000x128xi32, #tpu.memory_space<hbm>>
    tpu.enqueue_indirect_dma source(%dma_start3A_697 : memref<10000x128xi32, #tpu.memory_space<hbm>>) target(%arg6 : memref<128x128xi32, #tpu.memory_space<vmem>>) offsets(%dma_start3A_694 : memref<128xi32, #tpu.memory_space<vmem>>) semaphore(%arg10 : memref<!tpu.dma_semaphore, #tpu.memory_space<semaphore_mem>>)
    %dma_wait3A_698 = arith.constant 4352 : i32
    %dma_wait3A_699 = tpu.memref_slice %arg5[%dma_wait3A_698] : memref<5000xi32, #tpu.memory_space<vmem>> -> memref<128xi32, #tpu.memory_space<vmem>>
    %dma_wait3A_700 = arith.constant 0 : i32
    %dma_wait3A_701 = arith.constant 0 : i32
    %dma_wait3A_702 = tpu.memref_slice %arg2[%dma_wait3A_700, %dma_wait3A_701] : memref<10000x128xi32, #tpu.memory_space<hbm>> -> memref<10000x128xi32, #tpu.memory_space<hbm>>
    tpu.wait_indirect_dma semaphore(%arg11 : memref<!tpu.dma_semaphore, #tpu.memory_space<semaphore_mem>>) src(%dma_wait3A_702 : memref<10000x128xi32, #tpu.memory_space<hbm>>) dst(%arg7 : memref<128x128xi32, #tpu.memory_space<vmem>>)
    %add3A_703 = arith.constant 4352 : i32
    %add3A_704 = arith.addi %mul3A_2, %add3A_703 : i32
    %dma_start3A_705 = arith.constant 0 : i32
    %dma_start3A_706 = tpu.memref_slice %arg4[%add3A_704, %dma_start3A_705] : memref<160000x128xi32, #tpu.memory_space<hbm>> -> memref<128x128xi32, #tpu.memory_space<hbm>>
    %dma_start3A_707 = arith.constant 0 : i32
    %dma_start3A_708 = tpu.memref_slice %arg4[%add3A_704, %dma_start3A_707] : memref<160000x128xi32, #tpu.memory_space<hbm>> -> memref<128x128xi32, #tpu.memory_space<hbm>>
    tpu.enqueue_dma source(%arg7 : memref<128x128xi32, #tpu.memory_space<vmem>>) target(%dma_start3A_708 : memref<128x128xi32, #tpu.memory_space<hbm>>) target_semaphore(%arg14 : memref<!tpu.dma_semaphore, #tpu.memory_space<semaphore_mem>>)
    %dma_wait3A_709 = arith.constant 0 : i32
    %dma_wait3A_710 = tpu.memref_slice %arg4[%add3A_704, %dma_wait3A_709] : memref<160000x128xi32, #tpu.memory_space<hbm>> -> memref<128x128xi32, #tpu.memory_space<hbm>>
    %dma_wait3A_711 = arith.constant 0 : i32
    %dma_wait3A_712 = tpu.memref_slice %arg4[%add3A_704, %dma_wait3A_711] : memref<160000x128xi32, #tpu.memory_space<hbm>> -> memref<128x128xi32, #tpu.memory_space<hbm>>
    tpu.wait_dma2 semaphore(%arg14 : memref<!tpu.dma_semaphore, #tpu.memory_space<semaphore_mem>>) src(%arg7 : memref<128x128xi32, #tpu.memory_space<vmem>>) dst(%dma_wait3A_712 : memref<128x128xi32, #tpu.memory_space<hbm>>)
    %dma_start3A_713 = arith.constant 4736 : i32
    %dma_start3A_714 = tpu.memref_slice %arg5[%dma_start3A_713] : memref<5000xi32, #tpu.memory_space<vmem>> -> memref<128xi32, #tpu.memory_space<vmem>>
    %dma_start3A_715 = arith.constant 0 : i32
    %dma_start3A_716 = arith.constant 0 : i32
    %dma_start3A_717 = tpu.memref_slice %arg2[%dma_start3A_715, %dma_start3A_716] : memref<10000x128xi32, #tpu.memory_space<hbm>> -> memref<10000x128xi32, #tpu.memory_space<hbm>>
    tpu.enqueue_indirect_dma source(%dma_start3A_717 : memref<10000x128xi32, #tpu.memory_space<hbm>>) target(%arg7 : memref<128x128xi32, #tpu.memory_space<vmem>>) offsets(%dma_start3A_714 : memref<128xi32, #tpu.memory_space<vmem>>) semaphore(%arg11 : memref<!tpu.dma_semaphore, #tpu.memory_space<semaphore_mem>>)
    %dma_wait3A_718 = arith.constant 4480 : i32
    %dma_wait3A_719 = tpu.memref_slice %arg5[%dma_wait3A_718] : memref<5000xi32, #tpu.memory_space<vmem>> -> memref<128xi32, #tpu.memory_space<vmem>>
    %dma_wait3A_720 = arith.constant 0 : i32
    %dma_wait3A_721 = arith.constant 0 : i32
    %dma_wait3A_722 = tpu.memref_slice %arg2[%dma_wait3A_720, %dma_wait3A_721] : memref<10000x128xi32, #tpu.memory_space<hbm>> -> memref<10000x128xi32, #tpu.memory_space<hbm>>
    tpu.wait_indirect_dma semaphore(%arg12 : memref<!tpu.dma_semaphore, #tpu.memory_space<semaphore_mem>>) src(%dma_wait3A_722 : memref<10000x128xi32, #tpu.memory_space<hbm>>) dst(%arg8 : memref<128x128xi32, #tpu.memory_space<vmem>>)
    %add3A_723 = arith.constant 4480 : i32
    %add3A_724 = arith.addi %mul3A_2, %add3A_723 : i32
    %dma_start3A_725 = arith.constant 0 : i32
    %dma_start3A_726 = tpu.memref_slice %arg4[%add3A_724, %dma_start3A_725] : memref<160000x128xi32, #tpu.memory_space<hbm>> -> memref<128x128xi32, #tpu.memory_space<hbm>>
    %dma_start3A_727 = arith.constant 0 : i32
    %dma_start3A_728 = tpu.memref_slice %arg4[%add3A_724, %dma_start3A_727] : memref<160000x128xi32, #tpu.memory_space<hbm>> -> memref<128x128xi32, #tpu.memory_space<hbm>>
    tpu.enqueue_dma source(%arg8 : memref<128x128xi32, #tpu.memory_space<vmem>>) target(%dma_start3A_728 : memref<128x128xi32, #tpu.memory_space<hbm>>) target_semaphore(%arg15 : memref<!tpu.dma_semaphore, #tpu.memory_space<semaphore_mem>>)
    %dma_wait3A_729 = arith.constant 0 : i32
    %dma_wait3A_730 = tpu.memref_slice %arg4[%add3A_724, %dma_wait3A_729] : memref<160000x128xi32, #tpu.memory_space<hbm>> -> memref<128x128xi32, #tpu.memory_space<hbm>>
    %dma_wait3A_731 = arith.constant 0 : i32
    %dma_wait3A_732 = tpu.memref_slice %arg4[%add3A_724, %dma_wait3A_731] : memref<160000x128xi32, #tpu.memory_space<hbm>> -> memref<128x128xi32, #tpu.memory_space<hbm>>
    tpu.wait_dma2 semaphore(%arg15 : memref<!tpu.dma_semaphore, #tpu.memory_space<semaphore_mem>>) src(%arg8 : memref<128x128xi32, #tpu.memory_space<vmem>>) dst(%dma_wait3A_732 : memref<128x128xi32, #tpu.memory_space<hbm>>)
    %dma_start3A_733 = arith.constant 4864 : i32
    %dma_start3A_734 = tpu.memref_slice %arg5[%dma_start3A_733] : memref<5000xi32, #tpu.memory_space<vmem>> -> memref<128xi32, #tpu.memory_space<vmem>>
    %dma_start3A_735 = arith.constant 0 : i32
    %dma_start3A_736 = arith.constant 0 : i32
    %dma_start3A_737 = tpu.memref_slice %arg2[%dma_start3A_735, %dma_start3A_736] : memref<10000x128xi32, #tpu.memory_space<hbm>> -> memref<10000x128xi32, #tpu.memory_space<hbm>>
    tpu.enqueue_indirect_dma source(%dma_start3A_737 : memref<10000x128xi32, #tpu.memory_space<hbm>>) target(%arg8 : memref<128x128xi32, #tpu.memory_space<vmem>>) offsets(%dma_start3A_734 : memref<128xi32, #tpu.memory_space<vmem>>) semaphore(%arg12 : memref<!tpu.dma_semaphore, #tpu.memory_space<semaphore_mem>>)
    %dma_wait3A_738 = arith.constant 4608 : i32
    %dma_wait3A_739 = tpu.memref_slice %arg5[%dma_wait3A_738] : memref<5000xi32, #tpu.memory_space<vmem>> -> memref<128xi32, #tpu.memory_space<vmem>>
    %dma_wait3A_740 = arith.constant 0 : i32
    %dma_wait3A_741 = arith.constant 0 : i32
    %dma_wait3A_742 = tpu.memref_slice %arg2[%dma_wait3A_740, %dma_wait3A_741] : memref<10000x128xi32, #tpu.memory_space<hbm>> -> memref<10000x128xi32, #tpu.memory_space<hbm>>
    tpu.wait_indirect_dma semaphore(%arg10 : memref<!tpu.dma_semaphore, #tpu.memory_space<semaphore_mem>>) src(%dma_wait3A_742 : memref<10000x128xi32, #tpu.memory_space<hbm>>) dst(%arg6 : memref<128x128xi32, #tpu.memory_space<vmem>>)
    %add3A_743 = arith.constant 4608 : i32
    %add3A_744 = arith.addi %mul3A_2, %add3A_743 : i32
    %dma_start3A_745 = arith.constant 0 : i32
    %dma_start3A_746 = tpu.memref_slice %arg4[%add3A_744, %dma_start3A_745] : memref<160000x128xi32, #tpu.memory_space<hbm>> -> memref<128x128xi32, #tpu.memory_space<hbm>>
    %dma_start3A_747 = arith.constant 0 : i32
    %dma_start3A_748 = tpu.memref_slice %arg4[%add3A_744, %dma_start3A_747] : memref<160000x128xi32, #tpu.memory_space<hbm>> -> memref<128x128xi32, #tpu.memory_space<hbm>>
    tpu.enqueue_dma source(%arg6 : memref<128x128xi32, #tpu.memory_space<vmem>>) target(%dma_start3A_748 : memref<128x128xi32, #tpu.memory_space<hbm>>) target_semaphore(%arg13 : memref<!tpu.dma_semaphore, #tpu.memory_space<semaphore_mem>>)
    %dma_wait3A_749 = arith.constant 4736 : i32
    %dma_wait3A_750 = tpu.memref_slice %arg5[%dma_wait3A_749] : memref<5000xi32, #tpu.memory_space<vmem>> -> memref<128xi32, #tpu.memory_space<vmem>>
    %dma_wait3A_751 = arith.constant 0 : i32
    %dma_wait3A_752 = arith.constant 0 : i32
    %dma_wait3A_753 = tpu.memref_slice %arg2[%dma_wait3A_751, %dma_wait3A_752] : memref<10000x128xi32, #tpu.memory_space<hbm>> -> memref<10000x128xi32, #tpu.memory_space<hbm>>
    tpu.wait_indirect_dma semaphore(%arg11 : memref<!tpu.dma_semaphore, #tpu.memory_space<semaphore_mem>>) src(%dma_wait3A_753 : memref<10000x128xi32, #tpu.memory_space<hbm>>) dst(%arg7 : memref<128x128xi32, #tpu.memory_space<vmem>>)
    %add3A_754 = arith.constant 4736 : i32
    %add3A_755 = arith.addi %mul3A_2, %add3A_754 : i32
    %dma_start3A_756 = arith.constant 0 : i32
    %dma_start3A_757 = tpu.memref_slice %arg4[%add3A_755, %dma_start3A_756] : memref<160000x128xi32, #tpu.memory_space<hbm>> -> memref<128x128xi32, #tpu.memory_space<hbm>>
    %dma_start3A_758 = arith.constant 0 : i32
    %dma_start3A_759 = tpu.memref_slice %arg4[%add3A_755, %dma_start3A_758] : memref<160000x128xi32, #tpu.memory_space<hbm>> -> memref<128x128xi32, #tpu.memory_space<hbm>>
    tpu.enqueue_dma source(%arg7 : memref<128x128xi32, #tpu.memory_space<vmem>>) target(%dma_start3A_759 : memref<128x128xi32, #tpu.memory_space<hbm>>) target_semaphore(%arg14 : memref<!tpu.dma_semaphore, #tpu.memory_space<semaphore_mem>>)
    %dma_wait3A_760 = arith.constant 4864 : i32
    %dma_wait3A_761 = tpu.memref_slice %arg5[%dma_wait3A_760] : memref<5000xi32, #tpu.memory_space<vmem>> -> memref<128xi32, #tpu.memory_space<vmem>>
    %dma_wait3A_762 = arith.constant 0 : i32
    %dma_wait3A_763 = arith.constant 0 : i32
    %dma_wait3A_764 = tpu.memref_slice %arg2[%dma_wait3A_762, %dma_wait3A_763] : memref<10000x128xi32, #tpu.memory_space<hbm>> -> memref<10000x128xi32, #tpu.memory_space<hbm>>
    tpu.wait_indirect_dma semaphore(%arg12 : memref<!tpu.dma_semaphore, #tpu.memory_space<semaphore_mem>>) src(%dma_wait3A_764 : memref<10000x128xi32, #tpu.memory_space<hbm>>) dst(%arg8 : memref<128x128xi32, #tpu.memory_space<vmem>>)
    %add3A_765 = arith.constant 4864 : i32
    %add3A_766 = arith.addi %mul3A_2, %add3A_765 : i32
    %dma_start3A_767 = arith.constant 0 : i32
    %dma_start3A_768 = tpu.memref_slice %arg4[%add3A_766, %dma_start3A_767] : memref<160000x128xi32, #tpu.memory_space<hbm>> -> memref<128x128xi32, #tpu.memory_space<hbm>>
    %dma_start3A_769 = arith.constant 0 : i32
    %dma_start3A_770 = tpu.memref_slice %arg4[%add3A_766, %dma_start3A_769] : memref<160000x128xi32, #tpu.memory_space<hbm>> -> memref<128x128xi32, #tpu.memory_space<hbm>>
    tpu.enqueue_dma source(%arg8 : memref<128x128xi32, #tpu.memory_space<vmem>>) target(%dma_start3A_770 : memref<128x128xi32, #tpu.memory_space<hbm>>) target_semaphore(%arg15 : memref<!tpu.dma_semaphore, #tpu.memory_space<semaphore_mem>>)
    %add3A_771 = arith.constant 4992 : i32
    %add3A_772 = arith.addi %mul3A_2, %add3A_771 : i32
    %dma_start3A_773 = arith.constant 4992 : i32
    %dma_start3A_774 = tpu.memref_slice %arg5[%dma_start3A_773] : memref<5000xi32, #tpu.memory_space<vmem>> -> memref<8xi32, #tpu.memory_space<vmem>>
    %dma_start3A_775 = arith.constant 0 : i32
    %dma_start3A_776 = arith.constant 0 : i32
    %dma_start3A_777 = tpu.memref_slice %arg2[%dma_start3A_775, %dma_start3A_776] : memref<10000x128xi32, #tpu.memory_space<hbm>> -> memref<10000x128xi32, #tpu.memory_space<hbm>>
    tpu.enqueue_indirect_dma source(%dma_start3A_777 : memref<10000x128xi32, #tpu.memory_space<hbm>>) target(%arg9 : memref<8x128xi32, #tpu.memory_space<vmem>>) offsets(%dma_start3A_774 : memref<8xi32, #tpu.memory_space<vmem>>) semaphore(%arg16 : memref<!tpu.dma_semaphore, #tpu.memory_space<semaphore_mem>>)
    %dma_wait3A_778 = arith.constant 4992 : i32
    %dma_wait3A_779 = tpu.memref_slice %arg5[%dma_wait3A_778] : memref<5000xi32, #tpu.memory_space<vmem>> -> memref<8xi32, #tpu.memory_space<vmem>>
    %dma_wait3A_780 = arith.constant 0 : i32
    %dma_wait3A_781 = arith.constant 0 : i32
    %dma_wait3A_782 = tpu.memref_slice %arg2[%dma_wait3A_780, %dma_wait3A_781] : memref<10000x128xi32, #tpu.memory_space<hbm>> -> memref<10000x128xi32, #tpu.memory_space<hbm>>
    tpu.wait_indirect_dma semaphore(%arg16 : memref<!tpu.dma_semaphore, #tpu.memory_space<semaphore_mem>>) src(%dma_wait3A_782 : memref<10000x128xi32, #tpu.memory_space<hbm>>) dst(%arg9 : memref<8x128xi32, #tpu.memory_space<vmem>>)
    "tpu.region"() ({
      %run_scoped3A = tpu.sem_alloc : memref<!tpu.dma_semaphore, #tpu.memory_space<semaphore_mem>>
      %dma_start3A_795 = arith.constant 0 : i32
      %dma_start3A_796 = tpu.memref_slice %arg4[%add3A_772, %dma_start3A_795] : memref<160000x128xi32, #tpu.memory_space<hbm>> -> memref<8x128xi32, #tpu.memory_space<hbm>>
      %dma_start3A_797 = arith.constant 0 : i32
      %dma_start3A_798 = tpu.memref_slice %arg4[%add3A_772, %dma_start3A_797] : memref<160000x128xi32, #tpu.memory_space<hbm>> -> memref<8x128xi32, #tpu.memory_space<hbm>>
      tpu.enqueue_dma source(%arg9 : memref<8x128xi32, #tpu.memory_space<vmem>>) target(%dma_start3A_798 : memref<8x128xi32, #tpu.memory_space<hbm>>) target_semaphore(%run_scoped3A : memref<!tpu.dma_semaphore, #tpu.memory_space<semaphore_mem>>)
      %dma_wait3A_799 = arith.constant 0 : i32
      %dma_wait3A_800 = tpu.memref_slice %arg4[%add3A_772, %dma_wait3A_799] : memref<160000x128xi32, #tpu.memory_space<hbm>> -> memref<8x128xi32, #tpu.memory_space<hbm>>
      %dma_wait3A_801 = arith.constant 0 : i32
      %dma_wait3A_802 = tpu.memref_slice %arg4[%add3A_772, %dma_wait3A_801] : memref<160000x128xi32, #tpu.memory_space<hbm>> -> memref<8x128xi32, #tpu.memory_space<hbm>>
      tpu.wait_dma2 semaphore(%run_scoped3A : memref<!tpu.dma_semaphore, #tpu.memory_space<semaphore_mem>>) src(%arg9 : memref<8x128xi32, #tpu.memory_space<vmem>>) dst(%dma_wait3A_802 : memref<8x128xi32, #tpu.memory_space<hbm>>)
      tpu.yield
    }) : () -> ()
    %dma_wait3A_783 = arith.constant 0 : i32
    %dma_wait3A_784 = tpu.memref_slice %arg4[%add3A_744, %dma_wait3A_783] : memref<160000x128xi32, #tpu.memory_space<hbm>> -> memref<128x128xi32, #tpu.memory_space<hbm>>
    %dma_wait3A_785 = arith.constant 0 : i32
    %dma_wait3A_786 = tpu.memref_slice %arg4[%add3A_744, %dma_wait3A_785] : memref<160000x128xi32, #tpu.memory_space<hbm>> -> memref<128x128xi32, #tpu.memory_space<hbm>>
    tpu.wait_dma2 semaphore(%arg13 : memref<!tpu.dma_semaphore, #tpu.memory_space<semaphore_mem>>) src(%arg6 : memref<128x128xi32, #tpu.memory_space<vmem>>) dst(%dma_wait3A_786 : memref<128x128xi32, #tpu.memory_space<hbm>>)
    %dma_wait3A_787 = arith.constant 0 : i32
    %dma_wait3A_788 = tpu.memref_slice %arg4[%add3A_755, %dma_wait3A_787] : memref<160000x128xi32, #tpu.memory_space<hbm>> -> memref<128x128xi32, #tpu.memory_space<hbm>>
    %dma_wait3A_789 = arith.constant 0 : i32
    %dma_wait3A_790 = tpu.memref_slice %arg4[%add3A_755, %dma_wait3A_789] : memref<160000x128xi32, #tpu.memory_space<hbm>> -> memref<128x128xi32, #tpu.memory_space<hbm>>
    tpu.wait_dma2 semaphore(%arg14 : memref<!tpu.dma_semaphore, #tpu.memory_space<semaphore_mem>>) src(%arg7 : memref<128x128xi32, #tpu.memory_space<vmem>>) dst(%dma_wait3A_790 : memref<128x128xi32, #tpu.memory_space<hbm>>)
    %dma_wait3A_791 = arith.constant 0 : i32
    %dma_wait3A_792 = tpu.memref_slice %arg4[%add3A_766, %dma_wait3A_791] : memref<160000x128xi32, #tpu.memory_space<hbm>> -> memref<128x128xi32, #tpu.memory_space<hbm>>
    %dma_wait3A_793 = arith.constant 0 : i32
    %dma_wait3A_794 = tpu.memref_slice %arg4[%add3A_766, %dma_wait3A_793] : memref<160000x128xi32, #tpu.memory_space<hbm>> -> memref<128x128xi32, #tpu.memory_space<hbm>>
    tpu.wait_dma2 semaphore(%arg15 : memref<!tpu.dma_semaphore, #tpu.memory_space<semaphore_mem>>) src(%arg8 : memref<128x128xi32, #tpu.memory_space<vmem>>) dst(%dma_wait3A_794 : memref<128x128xi32, #tpu.memory_space<hbm>>)
    return
  }
}

module attributes {stable_mosaic.version = 14 : i64} {
  func.func @_pre_body(%arg0: i32, %arg1: memref<400x256xf32, #tpu.memory_space<vmem>>, %arg2: memref<400x256xf32, #tpu.memory_space<vmem>>, %arg3: memref<256x256xf32, #tpu.memory_space<vmem>>, %arg4: memref<256x256xf32, #tpu.memory_space<vmem>>, %arg5: memref<1x256xf32, #tpu.memory_space<vmem>>, %arg6: memref<256x8xf32, #tpu.memory_space<vmem>>, %arg7: memref<1x8xf32, #tpu.memory_space<vmem>>, %arg8: memref<400x128xi32, #tpu.memory_space<vmem>>, %arg9: memref<400x256xf32, #tpu.memory_space<vmem>>, %arg10: memref<400x8xf32, #tpu.memory_space<vmem>>) attributes {dimension_semantics = [#tpu.dimension_semantics<arbitrary>], iteration_bounds = array<i64: 25>, scalar_prefetch = 0 : i64, scratch_operands = 0 : i64, tpu.core_type = #tpu.core_type<tc>, window_params = [{transform_indices = @transform_0, window_bounds = array<i64: 400, 256>}, {transform_indices = @transform_1, window_bounds = array<i64: 400, 256>}, {pipeline_mode = #tpu.pipeline_mode<synchronous>, transform_indices = @transform_2, window_bounds = array<i64: 256, 256>}, {pipeline_mode = #tpu.pipeline_mode<synchronous>, transform_indices = @transform_3, window_bounds = array<i64: 256, 256>}, {pipeline_mode = #tpu.pipeline_mode<synchronous>, transform_indices = @transform_4, window_bounds = array<i64: 1, 256>}, {pipeline_mode = #tpu.pipeline_mode<synchronous>, transform_indices = @transform_5, window_bounds = array<i64: 256, 8>}, {pipeline_mode = #tpu.pipeline_mode<synchronous>, transform_indices = @transform_6, window_bounds = array<i64: 1, 8>}, {transform_indices = @transform_7, window_bounds = array<i64: 400, 128>}, {transform_indices = @transform_8, window_bounds = array<i64: 400, 256>}, {transform_indices = @transform_9, window_bounds = array<i64: 400, 8>}]} {
    %get3A = arith.constant 0 : index
    %get3A_0 = arith.constant 0 : index
    %get3A_1 = vector.load %arg1[%get3A, %get3A_0] : memref<400x256xf32, #tpu.memory_space<vmem>>, vector<400x256xf32>
    %get3A_2 = arith.constant 0 : index
    %get3A_3 = arith.constant 0 : index
    %get3A_4 = vector.load %arg2[%get3A_2, %get3A_3] : memref<400x256xf32, #tpu.memory_space<vmem>>, vector<400x256xf32>
    %get3A_5 = arith.constant 0 : index
    %get3A_6 = arith.constant 0 : index
    %get3A_7 = vector.load %arg3[%get3A_5, %get3A_6] : memref<256x256xf32, #tpu.memory_space<vmem>>, vector<256x256xf32>
    %dot_general3A = arith.constant dense<0.000000e+00> : vector<400x256xf32>
    %dot_general3A_8 = tpu.matmul %get3A_1, %get3A_7, %dot_general3A {dimension_numbers = #tpu.dot_dimension_numbers<[1], [0], [0], [1], [0, 0, 1, 1], [], []>, transpose_lhs_hint = false} : vector<400x256xf32>, vector<256x256xf32>, vector<400x256xf32> -> vector<400x256xf32>
    %slice3A = vector.extract_strided_slice %dot_general3A_8 {offsets = [0, 128], sizes = [400, 128], strides = [1, 1]} : vector<400x256xf32> to vector<400x128xf32>
    %convert_element_type3A = arith.truncf %slice3A : vector<400x128xf32> to vector<400x128xbf16>
    %convert_element_type3A_9 = arith.extf %convert_element_type3A : vector<400x128xbf16> to vector<400x128xf32>
    %bitcast_convert_type3A = tpu.bitcast %convert_element_type3A_9 : vector<400x128xf32> -> vector<400x128xi32>
    %slice3A_10 = vector.extract_strided_slice %dot_general3A_8 {offsets = [0, 0], sizes = [400, 128], strides = [1, 1]} : vector<400x256xf32> to vector<400x128xf32>
    %convert_element_type3A_11 = arith.truncf %slice3A_10 : vector<400x128xf32> to vector<400x128xbf16>
    %convert_element_type3A_12 = arith.extf %convert_element_type3A_11 : vector<400x128xbf16> to vector<400x128xf32>
    %bitcast_convert_type3A_13 = tpu.bitcast %convert_element_type3A_12 : vector<400x128xf32> -> vector<400x128xi32>
    %shift_right_logical3A = arith.constant 16 : i32
    %shift_right_logical3A_14 = vector.broadcast %shift_right_logical3A : i32 to vector<400x128xi32>
    %shift_right_logical3A_15 = arith.shrui %bitcast_convert_type3A_13, %shift_right_logical3A_14 : vector<400x128xi32>
    %or3A = arith.ori %bitcast_convert_type3A, %shift_right_logical3A_15 : vector<400x128xi32>
    %swap3A = arith.constant 0 : index
    %swap3A_16 = arith.constant 0 : index
    %swap3A_17 = vector.load %arg8[%swap3A, %swap3A_16] : memref<400x128xi32, #tpu.memory_space<vmem>>, vector<400x128xi32>
    tpu.vector_store %arg8[%swap3A, %swap3A_16], %or3A {strides = array<i32>} : memref<400x128xi32, #tpu.memory_space<vmem>>, vector<400x128xi32>,
    %get3A_18 = arith.constant 0 : index
    %get3A_19 = arith.constant 0 : index
    %get3A_20 = vector.load %arg4[%get3A_18, %get3A_19] : memref<256x256xf32, #tpu.memory_space<vmem>>, vector<256x256xf32>
    %dot_general3A_21 = arith.constant dense<0.000000e+00> : vector<400x256xf32>
    %dot_general3A_22 = tpu.matmul %get3A_4, %get3A_20, %dot_general3A_21 {dimension_numbers = #tpu.dot_dimension_numbers<[1], [0], [0], [1], [0, 0, 1, 1], [], []>, transpose_lhs_hint = false} : vector<400x256xf32>, vector<256x256xf32>, vector<400x256xf32> -> vector<400x256xf32>
    %get3A_23 = arith.constant 0 : index
    %get3A_24 = arith.constant 0 : index
    %get3A_25 = vector.load %arg5[%get3A_23, %get3A_24] : memref<1x256xf32, #tpu.memory_space<vmem>>, vector<1x256xf32>
    %add3A = vector.broadcast %get3A_25 : vector<1x256xf32> to vector<400x256xf32>
    %add3A_26 = arith.addf %dot_general3A_22, %add3A : vector<400x256xf32>
    %swap3A_27 = arith.constant 0 : index
    %swap3A_28 = arith.constant 0 : index
    %swap3A_29 = vector.load %arg9[%swap3A_27, %swap3A_28] : memref<400x256xf32, #tpu.memory_space<vmem>>, vector<400x256xf32>
    tpu.vector_store %arg9[%swap3A_27, %swap3A_28], %add3A_26 {strides = array<i32>} : memref<400x256xf32, #tpu.memory_space<vmem>>, vector<400x256xf32>,
    %get3A_30 = arith.constant 0 : index
    %get3A_31 = arith.constant 0 : index
    %get3A_32 = vector.load %arg6[%get3A_30, %get3A_31] : memref<256x8xf32, #tpu.memory_space<vmem>>, vector<256x8xf32>
    %dot_general3A_33 = arith.constant dense<0.000000e+00> : vector<400x8xf32>
    %dot_general3A_34 = tpu.matmul %get3A_4, %get3A_32, %dot_general3A_33 {dimension_numbers = #tpu.dot_dimension_numbers<[1], [0], [0], [1], [0, 0, 1, 1], [], []>, transpose_lhs_hint = false} : vector<400x256xf32>, vector<256x8xf32>, vector<400x8xf32> -> vector<400x8xf32>
    %get3A_35 = arith.constant 0 : index
    %get3A_36 = arith.constant 0 : index
    %get3A_37 = vector.load %arg7[%get3A_35, %get3A_36] : memref<1x8xf32, #tpu.memory_space<vmem>>, vector<1x8xf32>
    %add3A_38 = vector.broadcast %get3A_37 : vector<1x8xf32> to vector<400x8xf32>
    %add3A_39 = arith.addf %dot_general3A_34, %add3A_38 : vector<400x8xf32>
    %swap3A_40 = arith.constant 0 : index
    %swap3A_41 = arith.constant 0 : index
    %swap3A_42 = vector.load %arg10[%swap3A_40, %swap3A_41] : memref<400x8xf32, #tpu.memory_space<vmem>>, vector<400x8xf32>
    tpu.vector_store %arg10[%swap3A_40, %swap3A_41], %add3A_39 {strides = array<i32>} : memref<400x8xf32, #tpu.memory_space<vmem>>, vector<400x8xf32>,
    return
  }
  func.func @transform_0(%arg0: i32) -> (i32, i32) {
    %c0_i32 = arith.constant 0 : i32
    %c0_i32_0 = arith.constant 0 : i32
    return %arg0, %c0_i32 : i32, i32
  }
  func.func @transform_1(%arg0: i32) -> (i32, i32) {
    %c0_i32 = arith.constant 0 : i32
    %c0_i32_0 = arith.constant 0 : i32
    return %arg0, %c0_i32 : i32, i32
  }
  func.func @transform_2(%arg0: i32) -> (i32, i32) {
    %c0_i32 = arith.constant 0 : i32
    %c0_i32_0 = arith.constant 0 : i32
    %c0_i32_1 = arith.constant 0 : i32
    return %c0_i32, %c0_i32_0 : i32, i32
  }
  func.func @transform_3(%arg0: i32) -> (i32, i32) {
    %c0_i32 = arith.constant 0 : i32
    %c0_i32_0 = arith.constant 0 : i32
    %c0_i32_1 = arith.constant 0 : i32
    return %c0_i32, %c0_i32_0 : i32, i32
  }
  func.func @transform_4(%arg0: i32) -> (i32, i32) {
    %c0_i32 = arith.constant 0 : i32
    %c0_i32_0 = arith.constant 0 : i32
    %c0_i32_1 = arith.constant 0 : i32
    return %c0_i32, %c0_i32_0 : i32, i32
  }
  func.func @transform_5(%arg0: i32) -> (i32, i32) {
    %c0_i32 = arith.constant 0 : i32
    %c0_i32_0 = arith.constant 0 : i32
    %c0_i32_1 = arith.constant 0 : i32
    return %c0_i32, %c0_i32_0 : i32, i32
  }
  func.func @transform_6(%arg0: i32) -> (i32, i32) {
    %c0_i32 = arith.constant 0 : i32
    %c0_i32_0 = arith.constant 0 : i32
    %c0_i32_1 = arith.constant 0 : i32
    return %c0_i32, %c0_i32_0 : i32, i32
  }
  func.func @transform_7(%arg0: i32) -> (i32, i32) {
    %c0_i32 = arith.constant 0 : i32
    %c0_i32_0 = arith.constant 0 : i32
    return %arg0, %c0_i32 : i32, i32
  }
  func.func @transform_8(%arg0: i32) -> (i32, i32) {
    %c0_i32 = arith.constant 0 : i32
    %c0_i32_0 = arith.constant 0 : i32
    return %arg0, %c0_i32 : i32, i32
  }
  func.func @transform_9(%arg0: i32) -> (i32, i32) {
    %c0_i32 = arith.constant 0 : i32
    %c0_i32_0 = arith.constant 0 : i32
    return %arg0, %c0_i32 : i32, i32
  }
}

module attributes {stable_mosaic.version = 14 : i64} {
  func.func @_mlp_body(%arg0: i32, %arg1: memref<3200x128xi32, #tpu.memory_space<vmem>>, %arg2: memref<200x256xf32, #tpu.memory_space<vmem>>, %arg3: memref<200x8xf32, #tpu.memory_space<vmem>>, %arg4: memref<128x128xf32, #tpu.memory_space<vmem>>, %arg5: memref<128x128xf32, #tpu.memory_space<vmem>>, %arg6: memref<1x128xf32, #tpu.memory_space<vmem>>, %arg7: memref<200x264xf32, #tpu.memory_space<vmem>>) attributes {dimension_semantics = [#tpu.dimension_semantics<arbitrary>], iteration_bounds = array<i64: 50>, scalar_prefetch = 0 : i64, scratch_operands = 0 : i64, tpu.core_type = #tpu.core_type<tc>, window_params = [{transform_indices = @transform_0, window_bounds = array<i64: 3200, 128>}, {transform_indices = @transform_1, window_bounds = array<i64: 200, 256>}, {transform_indices = @transform_2, window_bounds = array<i64: 200, 8>}, {pipeline_mode = #tpu.pipeline_mode<synchronous>, transform_indices = @transform_3, window_bounds = array<i64: 128, 128>}, {pipeline_mode = #tpu.pipeline_mode<synchronous>, transform_indices = @transform_4, window_bounds = array<i64: 128, 128>}, {pipeline_mode = #tpu.pipeline_mode<synchronous>, transform_indices = @transform_5, window_bounds = array<i64: 1, 128>}, {transform_indices = @transform_6, window_bounds = array<i64: 200, 264>}]} {
    %get3A = arith.constant 0 : index
    %get3A_0 = arith.constant 0 : index
    %get3A_1 = vector.load %arg1[%get3A, %get3A_0] : memref<3200x128xi32, #tpu.memory_space<vmem>>, vector<3200x128xi32>
    %get3A_2 = arith.constant 0 : index
    %get3A_3 = arith.constant 0 : index
    %get3A_4 = vector.load %arg2[%get3A_2, %get3A_3] : memref<200x256xf32, #tpu.memory_space<vmem>>, vector<200x256xf32>
    %shift_left3A = arith.constant 16 : i32
    %shift_left3A_5 = vector.broadcast %shift_left3A : i32 to vector<3200x128xi32>
    %shift_left3A_6 = arith.shli %get3A_1, %shift_left3A_5 : vector<3200x128xi32>
    %bitcast_convert_type3A = tpu.bitcast %shift_left3A_6 : vector<3200x128xi32> -> vector<3200x128xf32>
    %and3A = arith.constant -65536 : i32
    %and3A_7 = vector.broadcast %and3A : i32 to vector<3200x128xi32>
    %and3A_8 = arith.andi %get3A_1, %and3A_7 : vector<3200x128xi32>
    %bitcast_convert_type3A_9 = tpu.bitcast %and3A_8 : vector<3200x128xi32> -> vector<3200x128xf32>
    %reshape3A = vector.shape_cast %bitcast_convert_type3A : vector<3200x128xf32> to vector<200x16x128xf32>
    %slice3A = vector.extract_strided_slice %get3A_4 {offsets = [0, 0], sizes = [200, 128], strides = [1, 1]} : vector<200x256xf32> to vector<200x128xf32>
    %broadcast_in_dim3A = vector.shape_cast %slice3A : vector<200x128xf32> to vector<200x1x128xf32>
    %add3A = vector.broadcast %broadcast_in_dim3A : vector<200x1x128xf32> to vector<200x16x128xf32>
    %add3A_10 = arith.addf %reshape3A, %add3A : vector<200x16x128xf32>
    %max3A = arith.constant 0.000000e+00 : f32
    %max3A_11 = vector.broadcast %max3A : f32 to vector<200x16x128xf32>
    %max3A_12 = arith.maximumf %add3A_10, %max3A_11 : vector<200x16x128xf32>
    %reshape3A_13 = vector.shape_cast %max3A_12 : vector<200x16x128xf32> to vector<3200x128xf32>
    %reshape3A_14 = vector.shape_cast %bitcast_convert_type3A_9 : vector<3200x128xf32> to vector<200x16x128xf32>
    %slice3A_15 = vector.extract_strided_slice %get3A_4 {offsets = [0, 128], sizes = [200, 128], strides = [1, 1]} : vector<200x256xf32> to vector<200x128xf32>
    %broadcast_in_dim3A_16 = vector.shape_cast %slice3A_15 : vector<200x128xf32> to vector<200x1x128xf32>
    %add3A_17 = vector.broadcast %broadcast_in_dim3A_16 : vector<200x1x128xf32> to vector<200x16x128xf32>
    %add3A_18 = arith.addf %reshape3A_14, %add3A_17 : vector<200x16x128xf32>
    %max3A_19 = arith.constant 0.000000e+00 : f32
    %max3A_20 = vector.broadcast %max3A_19 : f32 to vector<200x16x128xf32>
    %max3A_21 = arith.maximumf %add3A_18, %max3A_20 : vector<200x16x128xf32>
    %reshape3A_22 = vector.shape_cast %max3A_21 : vector<200x16x128xf32> to vector<3200x128xf32>
    %get3A_23 = arith.constant 0 : index
    %get3A_24 = arith.constant 0 : index
    %get3A_25 = vector.load %arg4[%get3A_23, %get3A_24] : memref<128x128xf32, #tpu.memory_space<vmem>>, vector<128x128xf32>
    %dot_general3A = arith.constant dense<0.000000e+00> : vector<3200x128xf32>
    %dot_general3A_26 = tpu.matmul %reshape3A_13, %get3A_25, %dot_general3A {dimension_numbers = #tpu.dot_dimension_numbers<[1], [0], [0], [1], [0, 0, 1, 1], [], []>, transpose_lhs_hint = false} : vector<3200x128xf32>, vector<128x128xf32>, vector<3200x128xf32> -> vector<3200x128xf32>
    %get3A_27 = arith.constant 0 : index
    %get3A_28 = arith.constant 0 : index
    %get3A_29 = vector.load %arg5[%get3A_27, %get3A_28] : memref<128x128xf32, #tpu.memory_space<vmem>>, vector<128x128xf32>
    %dot_general3A_30 = arith.constant dense<0.000000e+00> : vector<3200x128xf32>
    %dot_general3A_31 = tpu.matmul %reshape3A_22, %get3A_29, %dot_general3A_30 {dimension_numbers = #tpu.dot_dimension_numbers<[1], [0], [0], [1], [0, 0, 1, 1], [], []>, transpose_lhs_hint = false} : vector<3200x128xf32>, vector<128x128xf32>, vector<3200x128xf32> -> vector<3200x128xf32>
    %add3A_32 = arith.addf %dot_general3A_26, %dot_general3A_31 : vector<3200x128xf32>
    %get3A_33 = arith.constant 0 : index
    %get3A_34 = arith.constant 0 : index
    %get3A_35 = vector.load %arg6[%get3A_33, %get3A_34] : memref<1x128xf32, #tpu.memory_space<vmem>>, vector<1x128xf32>
    %add3A_36 = vector.broadcast %get3A_35 : vector<1x128xf32> to vector<3200x128xf32>
    %add3A_37 = arith.addf %add3A_32, %add3A_36 : vector<3200x128xf32>
    %reshape3A_38 = vector.shape_cast %add3A_37 : vector<3200x128xf32> to vector<200x16x128xf32>
    %iota3A = tpu.iota {dimensions = array<i32: 1>} : vector<16x128xi32>
    %jit3A = arith.constant 8 : i32
    %div3A = vector.broadcast %jit3A : i32 to vector<16x128xi32>
    %div3A_39 = arith.divsi %iota3A, %div3A : vector<16x128xi32>
    %sign3A = arith.constant 0 : i32
    %sign3A_40 = vector.broadcast %sign3A : i32 to vector<16x128xi32>
    %sign3A_41 = arith.cmpi sgt, %iota3A, %sign3A_40 : vector<16x128xi32>
    %sign3A_42 = arith.extui %sign3A_41 : vector<16x128xi1> to vector<16x128xi32>
    %sign3A_43 = arith.constant 0 : i32
    %sign3A_44 = vector.broadcast %sign3A_43 : i32 to vector<16x128xi32>
    %sign3A_45 = arith.cmpi slt, %iota3A, %sign3A_44 : vector<16x128xi32>
    %sign3A_46 = arith.extui %sign3A_45 : vector<16x128xi1> to vector<16x128xi32>
    %sign3A_47 = arith.subi %sign3A_42, %sign3A_46 : vector<16x128xi32>
    %sign3A_48 = arith.constant 0 : i32
    %sign3A_49 = arith.cmpi sgt, %jit3A, %sign3A_48 : i32
    %sign3A_50 = arith.extui %sign3A_49 : i1 to i32
    %sign3A_51 = arith.constant 0 : i32
    %sign3A_52 = arith.cmpi slt, %jit3A, %sign3A_51 : i32
    %sign3A_53 = arith.extui %sign3A_52 : i1 to i32
    %sign3A_54 = arith.subi %sign3A_50, %sign3A_53 : i32
    %ne3A = vector.broadcast %sign3A_54 : i32 to vector<16x128xi32>
    %ne3A_55 = arith.cmpi ne, %sign3A_47, %ne3A : vector<16x128xi32>
    %rem3A = vector.broadcast %jit3A : i32 to vector<16x128xi32>
    %rem3A_56 = arith.remsi %iota3A, %rem3A : vector<16x128xi32>
    %ne3A_57 = arith.constant 0 : i32
    %ne3A_58 = vector.broadcast %ne3A_57 : i32 to vector<16x128xi32>
    %ne3A_59 = arith.cmpi ne, %rem3A_56, %ne3A_58 : vector<16x128xi32>
    %and3A_60 = arith.andi %ne3A_55, %ne3A_59 : vector<16x128xi1>
    %sub3A = arith.constant 1 : i32
    %sub3A_61 = vector.broadcast %sub3A : i32 to vector<16x128xi32>
    %sub3A_62 = arith.subi %div3A_39, %sub3A_61 : vector<16x128xi32>
    %select_n3A = arith.select %and3A_60, %sub3A_62, %div3A_39 : vector<16x128xi1>, vector<16x128xi32>
    %iota3A_63 = tpu.iota {dimensions = array<i32: 0>} : vector<16x128xi32>
    %eq3A = arith.cmpi eq, %select_n3A, %iota3A_63 : vector<16x128xi32>
    %convert_element_type3A = arith.extui %eq3A : vector<16x128xi1> to vector<16x128xi32>
    %convert_element_type3A_64 = arith.sitofp %convert_element_type3A : vector<16x128xi32> to vector<16x128xf32>
    %broadcast_in_dim3A_65 = vector.shape_cast %convert_element_type3A_64 : vector<16x128xf32> to vector<1x16x128xf32>
    %mul3A = vector.broadcast %broadcast_in_dim3A_65 : vector<1x16x128xf32> to vector<200x16x128xf32>
    %mul3A_66 = arith.mulf %reshape3A_38, %mul3A : vector<200x16x128xf32>
    %reduce_sum3A = arith.constant dense<0.000000e+00> : vector<200x128xf32>
    %reduce_sum3A_67 = vector.multi_reduction <add>, %mul3A_66, %reduce_sum3A [1] : vector<200x16x128xf32> to vector<200x128xf32>
    %broadcast_in_dim3A_68 = arith.constant 0.000000e+00 : f32
    %broadcast_in_dim3A_69 = vector.broadcast %broadcast_in_dim3A_68 : f32 to vector<200x128xf32>
    %get3A_70 = arith.constant 0 : index
    %get3A_71 = arith.constant 0 : index
    %get3A_72 = vector.load %arg3[%get3A_70, %get3A_71] : memref<200x8xf32, #tpu.memory_space<vmem>>, vector<200x8xf32>
    %concatenate3A = tpu.concatenate %reduce_sum3A_67, %broadcast_in_dim3A_69, %get3A_72 in 1 : vector<200x128xf32>, vector<200x128xf32>, vector<200x8xf32> -> vector<200x264xf32>
    %swap3A = arith.constant 0 : index
    %swap3A_73 = arith.constant 0 : index
    %swap3A_74 = vector.load %arg7[%swap3A, %swap3A_73] : memref<200x264xf32, #tpu.memory_space<vmem>>, vector<200x264xf32>
    tpu.vector_store %arg7[%swap3A, %swap3A_73], %concatenate3A {strides = array<i32>} : memref<200x264xf32, #tpu.memory_space<vmem>>, vector<200x264xf32>,
    return
  }
  func.func @transform_0(%arg0: i32) -> (i32, i32) {
    %c0_i32 = arith.constant 0 : i32
    %c0_i32_0 = arith.constant 0 : i32
    return %arg0, %c0_i32 : i32, i32
  }
  func.func @transform_1(%arg0: i32) -> (i32, i32) {
    %add3A = arith.constant 0 : i32
    %add3A_0 = arith.addi %arg0, %add3A : i32
    %c0_i32 = arith.constant 0 : i32
    %c0_i32_1 = arith.constant 0 : i32
    return %add3A_0, %c0_i32 : i32, i32
  }
  func.func @transform_2(%arg0: i32) -> (i32, i32) {
    %add3A = arith.constant 0 : i32
    %add3A_0 = arith.addi %arg0, %add3A : i32
    %c0_i32 = arith.constant 0 : i32
    %c0_i32_1 = arith.constant 0 : i32
    return %add3A_0, %c0_i32 : i32, i32
  }
  func.func @transform_3(%arg0: i32) -> (i32, i32) {
    %c0_i32 = arith.constant 0 : i32
    %c0_i32_0 = arith.constant 0 : i32
    %c0_i32_1 = arith.constant 0 : i32
    return %c0_i32, %c0_i32_0 : i32, i32
  }
  func.func @transform_4(%arg0: i32) -> (i32, i32) {
    %c0_i32 = arith.constant 0 : i32
    %c0_i32_0 = arith.constant 0 : i32
    %c0_i32_1 = arith.constant 0 : i32
    return %c0_i32, %c0_i32_0 : i32, i32
  }
  func.func @transform_5(%arg0: i32) -> (i32, i32) {
    %c0_i32 = arith.constant 0 : i32
    %c0_i32_0 = arith.constant 0 : i32
    %c0_i32_1 = arith.constant 0 : i32
    return %c0_i32, %c0_i32_0 : i32, i32
  }
  func.func @transform_6(%arg0: i32) -> (i32, i32) {
    %c0_i32 = arith.constant 0 : i32
    %c0_i32_0 = arith.constant 0 : i32
    return %arg0, %c0_i32 : i32, i32
  }
}

</mosaic_0001>

<sc_bundles>
// kernel: kernel.5.cloned.1.call-start
scs
__scs_entry_jumppad:
0x0: {  	(pc) =	sbr.rel $0x88, $3  }
0x1: {  	(tag) =	ssettag $0x0;
	lr =	simm.s32 $0x1  }
0x2: {  	[smem:$0x3F98] =	sst lr;
	_ =	strace $0xD0000000  }
0x3: {  	_ = 	snop  }
0x4: {  	_ = 	snop  }
0x5: {  	_ = 	snop  }
0x6: {  	_ = 	snop  }
0x7: {  	_ = 	snop  }
__scs_overlays_trampoline_lowered:
0x8: {  	[smem:$0x3FA7] =	sst s0  }
0x9: {  	[smem:$0x3FA8] =	sst s1  }
0xa: {  	[smem:$0x3FA9] =	sst s2  }
0xb: {  	[smem:$0x3FAA] =	sst s3  }
0xc: {  	[smem:$0x3FAB] =	sst s4  }
0xd: {  	[smem:$0x3FAC] =	sst s5  }
0xe: {  	[smem:$0x3FAD] =	sst s6  }
0xf: {  	[smem:$0x3FAE] =	sst s7  }
0x10: {  	[smem:$0x3FAF] =	sst s8  }
0x11: {  	[smem:$0x3FB0] =	sst s9;
	s0 =	simm.s32 @!p0 $0x0  }
0x12: {  	s1 =	sld [smem:$0x3F96];
	s0 =	simm.s32 @p0 $0x1  }
0x13: {  	[smem:$0x3FB1] =	sst s0;
	s0 =	simm.s32 @!p1 $0x0  }
0x14: {  	s2 =	sld [smem:$0x3F95];
	s0 =	simm.s32 @p1 $0x1  }
0x15: {  	[smem:$0x3FB2] =	sst s0;
	s0 =	simm.s32 @!p2 $0x0  }
0x16: {  	s3 =	sld [smem:$0x3FDB];
	s0 =	simm.s32 @p2 $0x1  }
0x17: {  	s4 =	simm.s32 $0x1BF5;
	[smem:$0x3FB4] =	sst s0  }
0x18: {  	s0 =	sld [smem:$0x3F97];
	_ =	swait.ge [sflag:s4], $0x0  }
0x19: {  	s7 =	sld [smem:$0x3F98]  }
0x1a: {  	s8 =	sadd.s32 $0xFFFFE003, lr  }
0x1b: {  	s9 =	sadd.s32 $0xFFFFFEF7, lr;
	s5 =	simm.s32 $0xFFFFFFFF;
	p2 =	slt.u32 s8, $0xFFFFF086  }
0x1c: {  	p1 =	slt.u32 s9, $0xF7A;
	s5 =	simm.s32 @!p2 $0x0  }
0x1d: {  	s5 =	simm.s32 @p1 $0x1;
	p0 =	seq.s32 s7, s2  }
0x1e: {  	s7 =	smul.u32 @!p0 $0xF7A, s2;
	p2 =	seq.s32 @!p0 s5, $0x0  }
0x1f: {  	s9 =	smul.u32 $0xF7A, s1;
	s8 =	simm.s32 @!p0 $0x1BF5;
	p2 =	por !p2, p0  }
0x20: {  	[sflag:s8] =	ssyncset.s32 @!p0 $0xFFFFF086;
	s6 =	sadd.s32 @!p0 s3, s7;
	s7 =	simm.s32 @!p0 $0x108  }
0x21: {  	s3 =	sadd.s32 s3, s9;
	s6 =	sadd.s32 @!p0 $0x88, s6;
	s7 =	simm.s32 @p2 $0x1082  }
0x22: {  	[simem:s7], [sflag:s8] =	dma.local @!p0 [hbm:s6], $0xF7A  }
0x23: {  	s9 =	sor.u32 $0xD0000000, s2;
	s6 =	simm.s32 $0x108;
	_ =	swait.ge @!p0 [sflag:s8], $0x0  }
0x24: {  	s3 =	sadd.s32 $0x88, s3;
	s6 =	simm.s32 @!p1 $0x1082;
	[sflag:s4] =	ssyncset.s32 $0xFFFFF086  }
0x25: {  	[simem:s6], [sflag:s4] =	dma.local [hbm:s3], $0xF7A  }
0x26: {  	[smem:$0x3F98] =	sst s1;
	(tag) =	ssettag s2;
	_ =	strace s9  }
0x27: {  	s1 =	sld [smem:$0x3FA8]  }
0x28: {  	s2 =	sld [smem:$0x3FA9]  }
0x29: {  	s4 =	sld [smem:$0x3FAB]  }
0x2a: {  	p0 =	seq.s32 s5, $0x0;
	s5 =	sld [smem:$0x3FAC]  }
0x2b: {  	s6 =	sld [smem:$0x3FAD]  }
0x2c: {  	s7 =	sld [smem:$0x3FAE]  }
0x2d: {  	s3 =	simm.s32 $0x108;
	s8 =	sld [smem:$0x3FAF]  }
0x2e: {  	s3 =	simm.s32 @!p0 $0x1082;
	s9 =	sld [smem:$0x3FB0]  }
0x2f: {  	lr =	sadd.s32 s0, s3;
	s0 =	sld [smem:$0x3FA7]  }
0x30: {  	s3 =	sld [smem:$0x3FAA]  }
0x31: {  	[smem:$0x3FB3] =	sst s10  }
0x32: {  	s10 =	sld [smem:$0x3FB1];
	_ =	sdelay $0x3  }
0x33: {  	p0 =	seq.s32 s10, $0x1;
	s10 =	sld [smem:$0x3FB3];
	_ =	sdelay $0x3  }
0x34: {  	[smem:$0x3FB3] =	sst s10  }
0x35: {  	s10 =	sld [smem:$0x3FB2];
	_ =	sdelay $0x3  }
0x36: {  	p1 =	seq.s32 s10, $0x1;
	s10 =	sld [smem:$0x3FB3];
	_ =	sdelay $0x3  }
0x37: {  	[smem:$0x3FB3] =	sst s10  }
0x38: {  	s10 =	sld [smem:$0x3FB4]  }
0x39: {  	_ = 	snop;
	(pc) =	sbr.ind lr, $3  }
0x3a: {  	_ = 	snop  }
0x3b: {  	_ = 	snop  }
0x3c: {  	p2 =	seq.s32 s10, $0x1;
	s10 =	sld [smem:$0x3FB3]  }
0x3d: {  	_ =	shalt  }
0x3e: {  	_ =	shalt  }
0x3f: {  	_ =	shalt  }
0x40: {  	_ =	shalt  }
0x41: {  	_ =	shalt  }
0x42: {  	_ =	shalt  }
0x43: {  	_ =	shalt  }
0x44: {  	_ =	shalt  }
0x45: {  	_ =	shalt  }
0x46: {  	_ =	shalt  }
0x47: {  	_ =	shalt  }
0x48: {  	_ =	shalt  }
0x49: {  	_ =	shalt  }
0x4a: {  	_ =	shalt  }
0x4b: {  	_ =	shalt  }
0x4c: {  	_ =	shalt  }
0x4d: {  	_ =	shalt  }
0x4e: {  	_ =	shalt  }
0x4f: {  	_ =	shalt  }
0x50: {  	_ =	shalt  }
0x51: {  	_ =	shalt  }
0x52: {  	_ =	shalt  }
0x53: {  	_ =	shalt  }
0x54: {  	_ =	shalt  }
0x55: {  	_ =	shalt  }
0x56: {  	_ =	shalt  }
0x57: {  	_ =	shalt  }
0x58: {  	_ =	shalt  }
0x59: {  	_ =	shalt  }
0x5a: {  	_ =	shalt  }
0x5b: {  	_ =	shalt  }
0x5c: {  	_ =	shalt  }
0x5d: {  	_ =	shalt  }
0x5e: {  	_ =	shalt  }
0x5f: {  	_ =	shalt  }
0x60: {  	_ =	shalt  }
0x61: {  	_ =	shalt  }
0x62: {  	_ =	shalt  }
0x63: {  	_ =	shalt  }
0x64: {  	_ =	shalt  }
0x65: {  	_ =	shalt  }
0x66: {  	_ =	shalt  }
0x67: {  	_ =	shalt  }
0x68: {  	_ =	shalt  }
0x69: {  	_ =	shalt  }
0x6a: {  	_ =	shalt  }
0x6b: {  	_ =	shalt  }
0x6c: {  	_ =	shalt  }
0x6d: {  	_ =	shalt  }
0x6e: {  	_ =	shalt  }
0x6f: {  	_ =	shalt  }
0x70: {  	_ =	shalt  }
0x71: {  	_ =	shalt  }
0x72: {  	_ =	shalt  }
0x73: {  	_ =	shalt  }
0x74: {  	_ =	shalt  }
0x75: {  	_ =	shalt  }
0x76: {  	_ =	shalt  }
0x77: {  	_ =	shalt  }
0x78: {  	_ =	shalt  }
0x79: {  	_ =	shalt  }
0x7a: {  	_ =	shalt  }
0x7b: {  	_ =	shalt  }
0x7c: {  	_ =	shalt  }
0x7d: {  	_ =	shalt  }
0x7e: {  	_ =	shalt  }
0x7f: {  	_ =	shalt  }
0x80: {  	_ =	shalt  }
0x81: {  	_ =	shalt  }
0x82: {  	_ =	shalt  }
0x83: {  	_ =	shalt  }
0x84: {  	_ =	shalt  }
0x85: {  	_ =	shalt  }
0x86: {  	_ =	shalt  }
0x87: {  	_ =	shalt  }
.Lfunc_end0:
.L_simem_size_0:
called_computation_lowered:
.L_overlay_start_0:
0x88: {  	s2 =	sld [smem:$0x3FD9]  }
0x89: {  	s3 =	sld [smem:$0x3FFE];
	_ =	sdelay $0x1  }
0x8a: {  	s1 =	srdreg.scid  }
0x8b: {  	s0 =	sand.u32 $0x1, s1  }
0x8c: {  	s17 =	sshll.u32 s0, $0xA;
	s2 =	sadd.s32 s3, s2  }
0x8d: {  	s2 =	sadd.s32 s2, s17  }
0x8e: {  	[smem:$0x3FBF] =	sst s2  }
0x8f: {  	_ = 	snop  }
0x90: {  	s2 =	sld [smem:$0x3FC7]  }
0x91: {  	s18 =	sld [smem:$0x3FD0];
	(tm) =	ssettm $0x1  }
0x92: {  	s4 =	sld [smem:$0x3FFB];
	_ =	sdelay $0x3  }
0x93: {  	_ =	strace s4  }
0x94: {  	s4 =	sld [smem:$0x3FFC];
	_ =	sdelay $0x3  }
0x95: {  	_ =	strace s4  }
0x96: {  	s4 =	sld [smem:$0x3FFD];
	_ =	sdelay $0x3  }
0x97: {  	_ =	strace s4  }
0x98: {  	_ =	strace $0x8FFFFFFF  }
0x99: {  	s19 =	sld [smem:$0x3FDB];
	_ =	sdelay $0x1  }
0x9a: {  	s5 =	simm.s32 $_scs_section_size  }
0x9b: {  	s6 =	simm.s32 $_size__tile_overlayer_lowered;
	s7 =	simm.s32 $_tile_overlayer_lowered  }
0x9c: {  	s22 =	simm.s32 $0x1BFF;
	s21 =	sshll.u32 s7, $0x1;
	s4 =	sadd.s32 s5, s19  }
0x9d: {  	s8 =	simm.s32 $0x0;
	s20 =	sshll.u32 s6, $0x1;
	s6 =	sadd.s32 s21, s4  }
0x9e: {  	[timem:s8], [sflag:s22] =	dma.local [hbm:s6], s20  }
0x9f: {  	_ =	swait.ge [sflag:s22], s20  }
0xa0: {  	s5 =	ssub.s32 $0x0, s20;
	[sflag:s22] =	ssyncset.done $0x0  }
0xa1: {  	[sflag:s22] =	ssyncadd.s32 s5;
	_ =	sdelay $0x1  }
0xa2: {  	s23 =	simm.s32 $0x1B8B  }
0xa3: {  	_ =	swait.ge [sflag:s23], $0x1  }
0xa4: {  	[sflag:s23] =	ssyncset.done $0x0  }
0xa5: {  	s25 =	simm.s32 $0x1B8E;
	s24 =	sld [smem:$0x3FFE];
	[sflag:s23] =	ssyncadd.s32 $0xFFFFFFFF  }
0xa6: {  	s26 =	simm.s32 $execute0_lowered;
	[smem:$0x3FD2] =	sst s25  }
0xa7: {  	s6 =	sshll.u32 s26, $0x1;
	_ =	strace $0x80000046;
	[dreg:$0x1] =	wrdreg $0xFFFFFFFF  }
0xa8: {  	s28 =	simm.s32 $_size_execute0_lowered;
	s4 =	sadd.s32 s4, s6;
	[dreg:$0x0] =	wrdreg $0x0  }
0xa9: {  	s6 =	sshll.u32 s28, $0x1;
	[dreg:$0x2] =	wrdreg s4  }
0xaa: {  	[dreg:$0x3] =	wrdreg s6  }
0xab: {  	[dreg:$0x4] =	wrdreg $0xC0  }
0xac: {  	_ =	task [dreg:s8], $0x5FFFF  }
0xad: {  	[dreg:$0x1] =	wrdreg $0xFFFFFFFF  }
0xae: {  	[dreg:$0x0] =	wrdreg $0x60  }
0xaf: {  	[dreg:$0x2] =	wrdreg s18  }
0xb0: {  	[dreg:$0x3] =	wrdreg s2  }
0xb1: {  	[dreg:$0x4] =	wrdreg s24  }
0xb2: {  	[dreg:$0x5] =	wrdreg $0x9  }
0xb3: {  	_ =	task.clear_ibuf [dreg:s8], $0x6FFFF;
	_ =	strace $0x90000046  }
0xb4: {  	s29 =	simm.s32 $0x9;
	_ =	strace $0x80000048  }
0xb5: {  	_ =	swait.ge [sflag:s29], $0x1  }
0xb6: {  	[sflag:s29] =	ssyncadd.s32 $0xFFFFFFFF  }
0xb7: {  	_ =	strace $0x90000048  }
0xb8: {  	_ =	sfence  }
0xb9: {  	s30 =	sld [smem:$0x0];
	_ =	sdelay $0x2  }
0xba: {  	s31 =	sshll.u32 s1, $0xD;
	s1 =	sshrl.u32 s1, $0x2  }
0xbb: {  	s3 =	sand.u32 $0x4000, s31;
	s1 =	sadd.s32 s1, s30  }
0xbc: {  	s0 =	sor.u32 s3, s0;
	s1 =	sshll.u32 s1, $0x11  }
0xbd: {  	s0 =	sor.u32 s1, s0  }
0xbe: {  	s0 =	sadd.s32 $0x8F2B, s0  }
0xbf: {  	[sflag:s0] =	ssyncadd.remote.s32 $0x1  }
0xc0: {  	_ =	sfence.sel $0xFFFF  }
0xc1: {  	[dreg:$0x0] =	wrdreg $0xFFFFFFFF;
	(pc) =	sbr.abs _section_cstart, $3  }
0xc2: {  	[dreg:$0x1] =	wrdreg $0xFFFFFFFF  }
0xc3: {  	_ =	task.clear_ibuf [dreg:s8], $0x2FFFF;
	_ =	strace $0x9FFFFFFF  }
0xc4: {  	(tm) =	ssettm $0x7FFFFFFF  }
0xc5: {  	_ =	shalt  }
tec
execute0_lowered:
.L_overlay_start_1:
0x0: {  	(tag) =	ssettag $0x1  }
0x1: {  	s0 =	srdreg.scid;
	s3 =	stileid.u32  }
0x2: {  	s1 =	sand.u32 $0x1, s0;
	s6 =	sshll.u32 s3, $0x1  }
0x3: {  	s2 =	rddreg [dreg:$0x0];
	s0 =	sor.u32 s1, s6  }
0x4: {  	s4 =	rddreg [dreg:$0x1];
	s6 =	smul.u32 $0x271, s0  }
0x5: {  	s5 =	rddreg [dreg:$0x2];
	s3 =	simm.s32 $0x0;
	s7 =	smul.u32 $0x9C400, s0  }
0x6: {  	[smem:$0x7FF] =	sst s3;
	s0 =	smul.u32 $0x13880, s0  }
0x7: {  	s5 =	sadd.s32 $0x1600, s5;
	_ =	strace $0x80000047;
	s4 =	sadd.s32 s4, s6  }
0x8: {  	s7 =	sshrl.u32 s7, $0x3;
	s0 =	sadd.s32 s5, s0;
	[dreg:$0x4] =	wrdreg s4  }
0x9: {  	s4 =	sadd.s32 s5, s7;
	[dreg:$0x5] =	wrdreg s0  }
0xa: {  	s8 =	sadd.s32 $0x800, s4;
	s0 =	rddreg [dreg:$0x4]  }
0xb: {  	s9 =	sadd.s32 $0x1000, s4;
	[dreg:$0x6] =	wrdreg s8  }
0xc: {  	s10 =	sadd.s32 $0x1800, s4;
	[dreg:$0x7] =	wrdreg s9  }
0xd: {  	s11 =	sadd.s32 $0x2000, s4;
	[dreg:$0x8] =	wrdreg s10  }
0xe: {  	s12 =	sadd.s32 $0x2800, s4;
	[dreg:$0x9] =	wrdreg s11  }
0xf: {  	s13 =	sadd.s32 $0x3000, s4;
	[dreg:$0xa] =	wrdreg s12  }
0x10: {  	s14 =	sadd.s32 $0x3800, s4;
	[dreg:$0xb] =	wrdreg s13  }
0x11: {  	s15 =	sadd.s32 $0x4000, s4;
	[dreg:$0xc] =	wrdreg s14  }
0x12: {  	s16 =	sadd.s32 $0x4800, s4;
	[dreg:$0xd] =	wrdreg s15  }
0x13: {  	s17 =	sadd.s32 $0x5000, s4;
	[dreg:$0xe] =	wrdreg s16  }
0x14: {  	s18 =	sadd.s32 $0x5800, s4;
	[dreg:$0xf] =	wrdreg s17  }
0x15: {  	s19 =	sadd.s32 $0x6000, s4;
	[dreg:$0x10] =	wrdreg s18  }
0x16: {  	s20 =	sadd.s32 $0x6800, s4;
	[dreg:$0x11] =	wrdreg s19  }
0x17: {  	s21 =	sadd.s32 $0x7000, s4;
	[dreg:$0x12] =	wrdreg s20  }
0x18: {  	s22 =	sadd.s32 $0x7800, s4;
	[dreg:$0x13] =	wrdreg s21  }
0x19: {  	s23 =	sadd.s32 $0x8000, s4;
	[dreg:$0x14] =	wrdreg s22  }
0x1a: {  	s24 =	sadd.s32 $0x8800, s4;
	[dreg:$0x15] =	wrdreg s23  }
0x1b: {  	s25 =	sadd.s32 $0x9000, s4;
	[dreg:$0x16] =	wrdreg s24  }
0x1c: {  	s26 =	sadd.s32 $0x9800, s4;
	[dreg:$0x17] =	wrdreg s25  }
0x1d: {  	s5 =	sadd.s32 $0xA000, s4;
	[dreg:$0x18] =	wrdreg s26  }
0x1e: {  	s6 =	sadd.s32 $0xA800, s4;
	[dreg:$0x19] =	wrdreg s5  }
0x1f: {  	s7 =	sadd.s32 $0xB000, s4;
	[dreg:$0x1a] =	wrdreg s6  }
0x20: {  	[dreg:$0x1b] =	wrdreg s7;
	s8 =	sadd.s32 $0xB800, s4  }
0x21: {  	s9 =	sadd.s32 $0xC000, s4;
	[dreg:$0x1c] =	wrdreg s8  }
0x22: {  	s10 =	sadd.s32 $0xC800, s4;
	[dreg:$0x1d] =	wrdreg s9  }
0x23: {  	s11 =	sadd.s32 $0xD000, s4;
	[dreg:$0x1e] =	wrdreg s10  }
0x24: {  	s12 =	sadd.s32 $0xD800, s4;
	[dreg:$0x1f] =	wrdreg s11  }
0x25: {  	s13 =	sadd.s32 $0xE000, s4;
	[smem:$0x7D9] =	sst s12  }
0x26: {  	s14 =	sadd.s32 $0xE800, s4;
	[smem:$0x7DA] =	sst s13  }
0x27: {  	s15 =	sadd.s32 $0xF000, s4;
	[smem:$0x7DB] =	sst s14  }
0x28: {  	s16 =	sadd.s32 $0xF800, s4;
	[smem:$0x7DC] =	sst s15  }
0x29: {  	s17 =	sadd.s32 $0x10000, s4;
	[smem:$0x7DD] =	sst s16  }
0x2a: {  	s18 =	sadd.s32 $0x10800, s4;
	[smem:$0x7DE] =	sst s17  }
0x2b: {  	s19 =	sadd.s32 $0x11000, s4;
	[smem:$0x7DF] =	sst s18  }
0x2c: {  	s20 =	sadd.s32 $0x11800, s4;
	[smem:$0x7E0] =	sst s19  }
0x2d: {  	s21 =	sadd.s32 $0x12000, s4;
	[smem:$0x7E1] =	sst s20  }
0x2e: {  	s22 =	sadd.s32 $0x12800, s4;
	[smem:$0x7E2] =	sst s21  }
0x2f: {  	s23 =	sadd.s32 $0x13000, s4;
	[smem:$0x7E3] =	sst s22  }
0x30: {  	s24 =	sadd.s32 $0x13800, s4;
	[smem:$0x7E4] =	sst s23  }
0x31: {  	s25 =	simm.s32 $0x100;
	[smem:$0x7E5] =	sst s24  }
0x32: {  	s26 =	simm.s32 $0x180;
	[smem:$0x7E6] =	sst s25  }
0x33: {  	s4 =	simm.s32 $0x200;
	[smem:$0x7E7] =	sst s26  }
0x34: {  	s31 =	simm.s32 $0xD00;
	s5 =	simm.s32 $0x280;
	[smem:$0x7E8] =	sst s4  }
0x35: {  	s30 =	simm.s32 $0xD80;
	s6 =	simm.s32 $0x300;
	[smem:$0x7E9] =	sst s5  }
0x36: {  	s29 =	simm.s32 $0xE00;
	s7 =	simm.s32 $0x380;
	[smem:$0x7EA] =	sst s6  }
0x37: {  	s28 =	simm.s32 $0xE80;
	[smem:$0x7EB] =	sst s7;
	s8 =	simm.s32 $0x400  }
0x38: {  	p0 =	por $0x0, $0x0;
	s9 =	simm.s32 $0x480;
	[smem:$0x7EC] =	sst s8  }
0x39: {  	s1 =	ssub.s32 $0x2, s1;
	s10 =	simm.s32 $0x500;
	[smem:$0x7ED] =	sst s9  }
0x3a: {  	s11 =	simm.s32 $0x580;
	s12 =	sshrl.u32 s1, $0x1;
	[smem:$0x7EE] =	sst s10  }
0x3b: {  	s13 =	simm.s32 $0x600;
	s14 =	simm.s32 $0x680;
	[smem:$0x7EF] =	sst s11  }
0x3c: {  	s15 =	simm.s32 $0x700;
	s4 =	simm.s32 $0x8;
	[smem:$0x7F0] =	sst s13  }
0x3d: {  	s16 =	simm.s32 $0x780;
	s17 =	simm.s32 $0x800;
	[smem:$0x7F1] =	sst s14  }
0x3e: {  	s18 =	simm.s32 $0x880;
	s19 =	simm.s32 $0x900;
	[smem:$0x7F2] =	sst s15  }
0x3f: {  	s7 =	simm.s32 $0x9400;
	s20 =	simm.s32 $0x980;
	[smem:$0x7F3] =	sst s16  }
0x40: {  	s21 =	simm.s32 $0xA00;
	s5 =	simm.s32 $0x4;
	[smem:$0x7F4] =	sst s17  }
0x41: {  	s22 =	simm.s32 $0xA80;
	s23 =	simm.s32 $0xB00;
	[smem:$0x7F5] =	sst s18  }
0x42: {  	s6 =	simm.s32 $0x5;
	s24 =	simm.s32 $0xB80;
	[smem:$0x7F6] =	sst s19  }
0x43: {  	s25 =	simm.s32 $0xC00;
	s26 =	simm.s32 $0xC80;
	[smem:$0x7F7] =	sst s20  }
0x44: {  	s1 =	ssub.s32 s1, s12;
	s11 =	simm.s32 $0x80;
	[smem:$0x7F8] =	sst s21  }
0x45: {  	s10 =	simm.s32 $0x1400;
	s9 =	simm.s32 $0x5400;
	[smem:$0x7F9] =	sst s22  }
0x46: {  	s12 =	simm.s32 $0x1;
	s13 =	simm.s32 $0x2;
	[smem:$0x7FA] =	sst s23  }
0x47: {  	s14 =	simm.s32 $0x3;
	[smem:$0x7FB] =	sst s24;
	s1 =	smax.u32 s1, $0x1  }
0x48: {  	s8 =	simm.s32 $0x6;
	[smem:$0x7FC] =	sst s25;
	p1 =	sne.s32 s1, $0x1  }
.Ltmp0:
0x49: {  	[smem:$0x7FD] =	sst s26;
	s26 =	simm.s32 $0xF00;
	(pc) =	sbr.rel @!p1 .LBB2_3-.Ltmp0, $4  }
0x4a: {  	s25 =	simm.s32 $0xF80;
	s24 =	simm.s32 $0x1000;
	s23 =	simm.s32 $0x1080  }
0x4b: {  	s22 =	simm.s32 $0x1100;
	s21 =	simm.s32 $0x1180;
	s20 =	simm.s32 $0x1200  }
0x4c: {  	s19 =	simm.s32 $0x1280;
	s18 =	simm.s32 $0x1300;
	s17 =	simm.s32 $0x1380  }
0x4d: {  	s15 =	simm.s32 $0xD400;
	s16 =	simm.s32 $0x7;
	s1 =	sadd.s32 $0xFFFFFFFF, s1  }
0x4e: {  	[tilespmem:s3], [sflag:$0x8] =	stream.linear.gather [hbm4b:s0+s3], $0x1388, $0x38;
	[tilespmem:$0xD800] =	vst v63  }
0x4f: {  	_ =	swait.ge [sflag:s4], $0x1388  }
0x50: {  	[sflag:s4] =	ssyncset.done $0x0  }
0x51: {  	[sflag:s4] =	ssyncadd.s32 $0xFFFFEC78  }
0x52: {  	[tilespmem:s10], [sflag:$0x1] =	stream.indirect.gather [hbm4b:s2+s11], $0x80, s3, s11, $0xb8;
	[tilespmem:$0xD800] =	vst v63  }
0x53: {  	s0 =	sld [smem:$0x7E6]  }
0x54: {  	[tilespmem:s9], [sflag:$0x2] =	stream.indirect.gather [hbm4b:s2+s11], $0x80, s11, s11, $0xb8;
	[tilespmem:$0xD800] =	vst v63  }
0x55: {  	_ = 	snop  }
0x56: {  	[tilespmem:s7], [sflag:$0x3] =	stream.indirect.gather [hbm4b:s2+s11], $0x80, s0, s11, $0xb8;
	[tilespmem:$0xD800] =	vst v63  }
0x57: {  	_ =	swait.ge [sflag:s12], $0x4000  }
0x58: {  	[sflag:s12] =	ssyncset.done $0x0  }
0x59: {  	s0 =	rddreg [dreg:$0x5];
	[sflag:s12] =	ssyncadd.s32 $0xFFFFC000  }
0x5a: {  	[hbm4b:s0+s3] =	stream.linear.scatter [tilespmem:s10], [sflag:$0x4], $0x4000, $0x38;
	[tilespmem:$0xD800] =	vst v63  }
0x5b: {  	_ =	swait.ge [sflag:s5], $0x4000  }
0x5c: {  	s0 =	sld [smem:$0x7E7]  }
0x5d: {  	[sflag:s5] =	ssyncset.done $0x0  }
0x5e: {  	[sflag:s5] =	ssyncadd.s32 $0xFFFFC000  }
0x5f: {  	[tilespmem:s10], [sflag:$0x1] =	stream.indirect.gather [hbm4b:s2+s11], $0x80, s0, s11, $0xb8;
	[tilespmem:$0xD800] =	vst v63  }
0x60: {  	_ =	swait.ge [sflag:s13], $0x4000  }
0x61: {  	[sflag:s13] =	ssyncset.done $0x0  }
0x62: {  	s0 =	rddreg [dreg:$0x6];
	[sflag:s13] =	ssyncadd.s32 $0xFFFFC000  }
0x63: {  	[hbm4b:s0+s3] =	stream.linear.scatter [tilespmem:s9], [sflag:$0x5], $0x4000, $0x38;
	[tilespmem:$0xD800] =	vst v63  }
0x64: {  	_ =	swait.ge [sflag:s6], $0x4000  }
0x65: {  	s0 =	sld [smem:$0x7E8]  }
0x66: {  	[sflag:s6] =	ssyncset.done $0x0  }
0x67: {  	[sflag:s6] =	ssyncadd.s32 $0xFFFFC000  }
0x68: {  	[tilespmem:s9], [sflag:$0x2] =	stream.indirect.gather [hbm4b:s2+s11], $0x80, s0, s11, $0xb8;
	[tilespmem:$0xD800] =	vst v63  }
0x69: {  	_ =	swait.ge [sflag:s14], $0x4000  }
0x6a: {  	[sflag:s14] =	ssyncset.done $0x0  }
0x6b: {  	s0 =	rddreg [dreg:$0x7];
	[sflag:s14] =	ssyncadd.s32 $0xFFFFC000  }
0x6c: {  	[hbm4b:s0+s3] =	stream.linear.scatter [tilespmem:s7], [sflag:$0x6], $0x4000, $0x38;
	[tilespmem:$0xD800] =	vst v63  }
0x6d: {  	_ =	swait.ge [sflag:s8], $0x4000  }
0x6e: {  	s0 =	sld [smem:$0x7E9]  }
0x6f: {  	[sflag:s8] =	ssyncset.done $0x0  }
0x70: {  	[sflag:s8] =	ssyncadd.s32 $0xFFFFC000  }
0x71: {  	[tilespmem:s7], [sflag:$0x3] =	stream.indirect.gather [hbm4b:s2+s11], $0x80, s0, s11, $0xb8;
	[tilespmem:$0xD800] =	vst v63  }
0x72: {  	_ =	swait.ge [sflag:s12], $0x4000  }
0x73: {  	[sflag:s12] =	ssyncset.done $0x0  }
0x74: {  	s0 =	rddreg [dreg:$0x8];
	[sflag:s12] =	ssyncadd.s32 $0xFFFFC000  }
0x75: {  	[hbm4b:s0+s3] =	stream.linear.scatter [tilespmem:s10], [sflag:$0x4], $0x4000, $0x38;
	[tilespmem:$0xD800] =	vst v63  }
0x76: {  	_ =	swait.ge [sflag:s5], $0x4000  }
0x77: {  	s0 =	sld [smem:$0x7EA]  }
0x78: {  	[sflag:s5] =	ssyncset.done $0x0  }
0x79: {  	[sflag:s5] =	ssyncadd.s32 $0xFFFFC000  }
0x7a: {  	[tilespmem:s10], [sflag:$0x1] =	stream.indirect.gather [hbm4b:s2+s11], $0x80, s0, s11, $0xb8;
	[tilespmem:$0xD800] =	vst v63  }
0x7b: {  	_ =	swait.ge [sflag:s13], $0x4000  }
0x7c: {  	[sflag:s13] =	ssyncset.done $0x0  }
0x7d: {  	s0 =	rddreg [dreg:$0x9];
	[sflag:s13] =	ssyncadd.s32 $0xFFFFC000  }
0x7e: {  	[hbm4b:s0+s3] =	stream.linear.scatter [tilespmem:s9], [sflag:$0x5], $0x4000, $0x38;
	[tilespmem:$0xD800] =	vst v63  }
0x7f: {  	_ =	swait.ge [sflag:s6], $0x4000  }
0x80: {  	s0 =	sld [smem:$0x7EB]  }
0x81: {  	[sflag:s6] =	ssyncset.done $0x0  }
0x82: {  	[sflag:s6] =	ssyncadd.s32 $0xFFFFC000  }
0x83: {  	[tilespmem:s9], [sflag:$0x2] =	stream.indirect.gather [hbm4b:s2+s11], $0x80, s0, s11, $0xb8;
	[tilespmem:$0xD800] =	vst v63  }
0x84: {  	_ =	swait.ge [sflag:s14], $0x4000  }
0x85: {  	[sflag:s14] =	ssyncset.done $0x0  }
0x86: {  	s0 =	rddreg [dreg:$0xa];
	[sflag:s14] =	ssyncadd.s32 $0xFFFFC000  }
0x87: {  	[hbm4b:s0+s3] =	stream.linear.scatter [tilespmem:s7], [sflag:$0x6], $0x4000, $0x38;
	[tilespmem:$0xD800] =	vst v63  }
0x88: {  	_ =	swait.ge [sflag:s8], $0x4000  }
0x89: {  	s0 =	sld [smem:$0x7EC]  }
0x8a: {  	[sflag:s8] =	ssyncset.done $0x0  }
0x8b: {  	[sflag:s8] =	ssyncadd.s32 $0xFFFFC000  }
0x8c: {  	[tilespmem:s7], [sflag:$0x3] =	stream.indirect.gather [hbm4b:s2+s11], $0x80, s0, s11, $0xb8;
	[tilespmem:$0xD800] =	vst v63  }
0x8d: {  	_ =	swait.ge [sflag:s12], $0x4000  }
0x8e: {  	[sflag:s12] =	ssyncset.done $0x0  }
0x8f: {  	s0 =	rddreg [dreg:$0xb];
	[sflag:s12] =	ssyncadd.s32 $0xFFFFC000  }
0x90: {  	[hbm4b:s0+s3] =	stream.linear.scatter [tilespmem:s10], [sflag:$0x4], $0x4000, $0x38;
	[tilespmem:$0xD800] =	vst v63  }
0x91: {  	_ =	swait.ge [sflag:s5], $0x4000  }
0x92: {  	s0 =	sld [smem:$0x7ED]  }
0x93: {  	[sflag:s5] =	ssyncset.done $0x0  }
0x94: {  	[sflag:s5] =	ssyncadd.s32 $0xFFFFC000  }
0x95: {  	[tilespmem:s10], [sflag:$0x1] =	stream.indirect.gather [hbm4b:s2+s11], $0x80, s0, s11, $0xb8;
	[tilespmem:$0xD800] =	vst v63  }
0x96: {  	_ =	swait.ge [sflag:s13], $0x4000  }
0x97: {  	[sflag:s13] =	ssyncset.done $0x0  }
0x98: {  	s0 =	rddreg [dreg:$0xc];
	[sflag:s13] =	ssyncadd.s32 $0xFFFFC000  }
0x99: {  	[hbm4b:s0+s3] =	stream.linear.scatter [tilespmem:s9], [sflag:$0x5], $0x4000, $0x38;
	[tilespmem:$0xD800] =	vst v63  }
0x9a: {  	_ =	swait.ge [sflag:s6], $0x4000  }
0x9b: {  	s0 =	sld [smem:$0x7EE]  }
0x9c: {  	[sflag:s6] =	ssyncset.done $0x0  }
0x9d: {  	[sflag:s6] =	ssyncadd.s32 $0xFFFFC000  }
0x9e: {  	[tilespmem:s9], [sflag:$0x2] =	stream.indirect.gather [hbm4b:s2+s11], $0x80, s0, s11, $0xb8;
	[tilespmem:$0xD800] =	vst v63  }
0x9f: {  	_ =	swait.ge [sflag:s14], $0x4000  }
0xa0: {  	[sflag:s14] =	ssyncset.done $0x0  }
0xa1: {  	s0 =	rddreg [dreg:$0xd];
	[sflag:s14] =	ssyncadd.s32 $0xFFFFC000  }
0xa2: {  	[hbm4b:s0+s3] =	stream.linear.scatter [tilespmem:s7], [sflag:$0x6], $0x4000, $0x38;
	[tilespmem:$0xD800] =	vst v63  }
0xa3: {  	_ =	swait.ge [sflag:s8], $0x4000  }
0xa4: {  	s0 =	sld [smem:$0x7EF]  }
0xa5: {  	[sflag:s8] =	ssyncset.done $0x0  }
0xa6: {  	[sflag:s8] =	ssyncadd.s32 $0xFFFFC000  }
0xa7: {  	[tilespmem:s7], [sflag:$0x3] =	stream.indirect.gather [hbm4b:s2+s11], $0x80, s0, s11, $0xb8;
	[tilespmem:$0xD800] =	vst v63  }
0xa8: {  	_ =	swait.ge [sflag:s12], $0x4000  }
0xa9: {  	[sflag:s12] =	ssyncset.done $0x0  }
0xaa: {  	s0 =	rddreg [dreg:$0xe];
	[sflag:s12] =	ssyncadd.s32 $0xFFFFC000  }
0xab: {  	[hbm4b:s0+s3] =	stream.linear.scatter [tilespmem:s10], [sflag:$0x4], $0x4000, $0x38;
	[tilespmem:$0xD800] =	vst v63  }
0xac: {  	_ =	swait.ge [sflag:s5], $0x4000  }
0xad: {  	s0 =	sld [smem:$0x7F0]  }
0xae: {  	[sflag:s5] =	ssyncset.done $0x0  }
0xaf: {  	[sflag:s5] =	ssyncadd.s32 $0xFFFFC000  }
0xb0: {  	[tilespmem:s10], [sflag:$0x1] =	stream.indirect.gather [hbm4b:s2+s11], $0x80, s0, s11, $0xb8;
	[tilespmem:$0xD800] =	vst v63  }
0xb1: {  	_ =	swait.ge [sflag:s13], $0x4000  }
0xb2: {  	[sflag:s13] =	ssyncset.done $0x0  }
0xb3: {  	s0 =	rddreg [dreg:$0xf];
	[sflag:s13] =	ssyncadd.s32 $0xFFFFC000  }
0xb4: {  	[hbm4b:s0+s3] =	stream.linear.scatter [tilespmem:s9], [sflag:$0x5], $0x4000, $0x38;
	[tilespmem:$0xD800] =	vst v63  }
0xb5: {  	_ =	swait.ge [sflag:s6], $0x4000  }
0xb6: {  	s0 =	sld [smem:$0x7F1]  }
0xb7: {  	[sflag:s6] =	ssyncset.done $0x0  }
0xb8: {  	[sflag:s6] =	ssyncadd.s32 $0xFFFFC000  }
0xb9: {  	[tilespmem:s9], [sflag:$0x2] =	stream.indirect.gather [hbm4b:s2+s11], $0x80, s0, s11, $0xb8;
	[tilespmem:$0xD800] =	vst v63  }
0xba: {  	_ =	swait.ge [sflag:s14], $0x4000  }
0xbb: {  	[sflag:s14] =	ssyncset.done $0x0  }
0xbc: {  	s0 =	rddreg [dreg:$0x10];
	[sflag:s14] =	ssyncadd.s32 $0xFFFFC000  }
0xbd: {  	[hbm4b:s0+s3] =	stream.linear.scatter [tilespmem:s7], [sflag:$0x6], $0x4000, $0x38;
	[tilespmem:$0xD800] =	vst v63  }
0xbe: {  	_ =	swait.ge [sflag:s8], $0x4000  }
0xbf: {  	s0 =	sld [smem:$0x7F2]  }
0xc0: {  	[sflag:s8] =	ssyncset.done $0x0  }
0xc1: {  	[sflag:s8] =	ssyncadd.s32 $0xFFFFC000  }
0xc2: {  	[tilespmem:s7], [sflag:$0x3] =	stream.indirect.gather [hbm4b:s2+s11], $0x80, s0, s11, $0xb8;
	[tilespmem:$0xD800] =	vst v63  }
0xc3: {  	_ =	swait.ge [sflag:s12], $0x4000  }
0xc4: {  	[sflag:s12] =	ssyncset.done $0x0  }
0xc5: {  	s0 =	rddreg [dreg:$0x11];
	[sflag:s12] =	ssyncadd.s32 $0xFFFFC000  }
0xc6: {  	[hbm4b:s0+s3] =	stream.linear.scatter [tilespmem:s10], [sflag:$0x4], $0x4000, $0x38;
	[tilespmem:$0xD800] =	vst v63  }
0xc7: {  	_ =	swait.ge [sflag:s5], $0x4000  }
0xc8: {  	s0 =	sld [smem:$0x7F3]  }
0xc9: {  	[sflag:s5] =	ssyncset.done $0x0  }
0xca: {  	[sflag:s5] =	ssyncadd.s32 $0xFFFFC000  }
0xcb: {  	[tilespmem:s10], [sflag:$0x1] =	stream.indirect.gather [hbm4b:s2+s11], $0x80, s0, s11, $0xb8;
	[tilespmem:$0xD800] =	vst v63  }
0xcc: {  	_ =	swait.ge [sflag:s13], $0x4000  }
0xcd: {  	[sflag:s13] =	ssyncset.done $0x0  }
0xce: {  	s0 =	rddreg [dreg:$0x12];
	[sflag:s13] =	ssyncadd.s32 $0xFFFFC000  }
0xcf: {  	[hbm4b:s0+s3] =	stream.linear.scatter [tilespmem:s9], [sflag:$0x5], $0x4000, $0x38;
	[tilespmem:$0xD800] =	vst v63  }
0xd0: {  	_ =	swait.ge [sflag:s6], $0x4000  }
0xd1: {  	s0 =	sld [smem:$0x7F4]  }
0xd2: {  	[sflag:s6] =	ssyncset.done $0x0  }
0xd3: {  	[sflag:s6] =	ssyncadd.s32 $0xFFFFC000  }
0xd4: {  	[tilespmem:s9], [sflag:$0x2] =	stream.indirect.gather [hbm4b:s2+s11], $0x80, s0, s11, $0xb8;
	[tilespmem:$0xD800] =	vst v63  }
0xd5: {  	_ =	swait.ge [sflag:s14], $0x4000  }
0xd6: {  	[sflag:s14] =	ssyncset.done $0x0  }
0xd7: {  	s0 =	rddreg [dreg:$0x13];
	[sflag:s14] =	ssyncadd.s32 $0xFFFFC000  }
0xd8: {  	[hbm4b:s0+s3] =	stream.linear.scatter [tilespmem:s7], [sflag:$0x6], $0x4000, $0x38;
	[tilespmem:$0xD800] =	vst v63  }
0xd9: {  	_ =	swait.ge [sflag:s8], $0x4000  }
0xda: {  	s0 =	sld [smem:$0x7F5]  }
0xdb: {  	[sflag:s8] =	ssyncset.done $0x0  }
0xdc: {  	[sflag:s8] =	ssyncadd.s32 $0xFFFFC000  }
0xdd: {  	[tilespmem:s7], [sflag:$0x3] =	stream.indirect.gather [hbm4b:s2+s11], $0x80, s0, s11, $0xb8;
	[tilespmem:$0xD800] =	vst v63  }
0xde: {  	_ =	swait.ge [sflag:s12], $0x4000  }
0xdf: {  	[sflag:s12] =	ssyncset.done $0x0  }
0xe0: {  	s0 =	rddreg [dreg:$0x14];
	[sflag:s12] =	ssyncadd.s32 $0xFFFFC000  }
0xe1: {  	[hbm4b:s0+s3] =	stream.linear.scatter [tilespmem:s10], [sflag:$0x4], $0x4000, $0x38;
	[tilespmem:$0xD800] =	vst v63  }
0xe2: {  	_ =	swait.ge [sflag:s5], $0x4000  }
0xe3: {  	s0 =	sld [smem:$0x7F6]  }
0xe4: {  	[sflag:s5] =	ssyncset.done $0x0  }
0xe5: {  	[sflag:s5] =	ssyncadd.s32 $0xFFFFC000  }
0xe6: {  	[tilespmem:s10], [sflag:$0x1] =	stream.indirect.gather [hbm4b:s2+s11], $0x80, s0, s11, $0xb8;
	[tilespmem:$0xD800] =	vst v63  }
0xe7: {  	_ =	swait.ge [sflag:s13], $0x4000  }
0xe8: {  	[sflag:s13] =	ssyncset.done $0x0  }
0xe9: {  	s0 =	rddreg [dreg:$0x15];
	[sflag:s13] =	ssyncadd.s32 $0xFFFFC000  }
0xea: {  	[hbm4b:s0+s3] =	stream.linear.scatter [tilespmem:s9], [sflag:$0x5], $0x4000, $0x38;
	[tilespmem:$0xD800] =	vst v63  }
0xeb: {  	_ =	swait.ge [sflag:s6], $0x4000  }
0xec: {  	s0 =	sld [smem:$0x7F7]  }
0xed: {  	[sflag:s6] =	ssyncset.done $0x0  }
0xee: {  	[sflag:s6] =	ssyncadd.s32 $0xFFFFC000  }
0xef: {  	[tilespmem:s9], [sflag:$0x2] =	stream.indirect.gather [hbm4b:s2+s11], $0x80, s0, s11, $0xb8;
	[tilespmem:$0xD800] =	vst v63  }
0xf0: {  	_ =	swait.ge [sflag:s14], $0x4000  }
0xf1: {  	[sflag:s14] =	ssyncset.done $0x0  }
0xf2: {  	s0 =	rddreg [dreg:$0x16];
	[sflag:s14] =	ssyncadd.s32 $0xFFFFC000  }
0xf3: {  	[hbm4b:s0+s3] =	stream.linear.scatter [tilespmem:s7], [sflag:$0x6], $0x4000, $0x38;
	[tilespmem:$0xD800] =	vst v63  }
0xf4: {  	_ =	swait.ge [sflag:s8], $0x4000  }
0xf5: {  	s0 =	sld [smem:$0x7F8]  }
0xf6: {  	[sflag:s8] =	ssyncset.done $0x0  }
0xf7: {  	[sflag:s8] =	ssyncadd.s32 $0xFFFFC000  }
0xf8: {  	[tilespmem:s7], [sflag:$0x3] =	stream.indirect.gather [hbm4b:s2+s11], $0x80, s0, s11, $0xb8;
	[tilespmem:$0xD800] =	vst v63  }
0xf9: {  	_ =	swait.ge [sflag:s12], $0x4000  }
0xfa: {  	[sflag:s12] =	ssyncset.done $0x0  }
0xfb: {  	s0 =	rddreg [dreg:$0x17];
	[sflag:s12] =	ssyncadd.s32 $0xFFFFC000  }
0xfc: {  	[hbm4b:s0+s3] =	stream.linear.scatter [tilespmem:s10], [sflag:$0x4], $0x4000, $0x38;
	[tilespmem:$0xD800] =	vst v63  }
0xfd: {  	_ =	swait.ge [sflag:s5], $0x4000  }
0xfe: {  	s0 =	sld [smem:$0x7F9]  }
0xff: {  	[sflag:s5] =	ssyncset.done $0x0  }
0x100: {  	[sflag:s5] =	ssyncadd.s32 $0xFFFFC000  }
0x101: {  	[tilespmem:s10], [sflag:$0x1] =	stream.indirect.gather [hbm4b:s2+s11], $0x80, s0, s11, $0xb8;
	[tilespmem:$0xD800] =	vst v63  }
0x102: {  	_ =	swait.ge [sflag:s13], $0x4000  }
0x103: {  	[sflag:s13] =	ssyncset.done $0x0  }
0x104: {  	s0 =	rddreg [dreg:$0x18];
	[sflag:s13] =	ssyncadd.s32 $0xFFFFC000  }
0x105: {  	[hbm4b:s0+s3] =	stream.linear.scatter [tilespmem:s9], [sflag:$0x5], $0x4000, $0x38;
	[tilespmem:$0xD800] =	vst v63  }
0x106: {  	_ =	swait.ge [sflag:s6], $0x4000  }
0x107: {  	s0 =	sld [smem:$0x7FA]  }
0x108: {  	[sflag:s6] =	ssyncset.done $0x0  }
0x109: {  	[sflag:s6] =	ssyncadd.s32 $0xFFFFC000  }
0x10a: {  	[tilespmem:s9], [sflag:$0x2] =	stream.indirect.gather [hbm4b:s2+s11], $0x80, s0, s11, $0xb8;
	[tilespmem:$0xD800] =	vst v63  }
0x10b: {  	_ =	swait.ge [sflag:s14], $0x4000  }
0x10c: {  	[sflag:s14] =	ssyncset.done $0x0  }
0x10d: {  	s0 =	rddreg [dreg:$0x19];
	[sflag:s14] =	ssyncadd.s32 $0xFFFFC000  }
0x10e: {  	[hbm4b:s0+s3] =	stream.linear.scatter [tilespmem:s7], [sflag:$0x6], $0x4000, $0x38;
	[tilespmem:$0xD800] =	vst v63  }
0x10f: {  	_ =	swait.ge [sflag:s8], $0x4000  }
0x110: {  	s0 =	sld [smem:$0x7FB]  }
0x111: {  	[sflag:s8] =	ssyncset.done $0x0  }
0x112: {  	[sflag:s8] =	ssyncadd.s32 $0xFFFFC000  }
0x113: {  	[tilespmem:s7], [sflag:$0x3] =	stream.indirect.gather [hbm4b:s2+s11], $0x80, s0, s11, $0xb8;
	[tilespmem:$0xD800] =	vst v63  }
0x114: {  	_ =	swait.ge [sflag:s12], $0x4000  }
0x115: {  	[sflag:s12] =	ssyncset.done $0x0  }
0x116: {  	s0 =	rddreg [dreg:$0x1a];
	[sflag:s12] =	ssyncadd.s32 $0xFFFFC000  }
0x117: {  	[hbm4b:s0+s3] =	stream.linear.scatter [tilespmem:s10], [sflag:$0x4], $0x4000, $0x38;
	[tilespmem:$0xD800] =	vst v63  }
0x118: {  	_ =	swait.ge [sflag:s5], $0x4000  }
0x119: {  	s0 =	sld [smem:$0x7FC]  }
0x11a: {  	[sflag:s5] =	ssyncset.done $0x0  }
0x11b: {  	[sflag:s5] =	ssyncadd.s32 $0xFFFFC000  }
0x11c: {  	[tilespmem:s10], [sflag:$0x1] =	stream.indirect.gather [hbm4b:s2+s11], $0x80, s0, s11, $0xb8;
	[tilespmem:$0xD800] =	vst v63  }
0x11d: {  	_ =	swait.ge [sflag:s13], $0x4000  }
0x11e: {  	[sflag:s13] =	ssyncset.done $0x0  }
0x11f: {  	s0 =	rddreg [dreg:$0x1b];
	[sflag:s13] =	ssyncadd.s32 $0xFFFFC000  }
0x120: {  	[hbm4b:s0+s3] =	stream.linear.scatter [tilespmem:s9], [sflag:$0x5], $0x4000, $0x38;
	[tilespmem:$0xD800] =	vst v63  }
0x121: {  	_ =	swait.ge [sflag:s6], $0x4000  }
0x122: {  	s0 =	sld [smem:$0x7FD]  }
0x123: {  	[sflag:s6] =	ssyncset.done $0x0  }
0x124: {  	[sflag:s6] =	ssyncadd.s32 $0xFFFFC000  }
0x125: {  	[tilespmem:s9], [sflag:$0x2] =	stream.indirect.gather [hbm4b:s2+s11], $0x80, s0, s11, $0xb8;
	[tilespmem:$0xD800] =	vst v63  }
0x126: {  	_ =	swait.ge [sflag:s14], $0x4000  }
0x127: {  	[sflag:s14] =	ssyncset.done $0x0  }
0x128: {  	s0 =	rddreg [dreg:$0x1c];
	[sflag:s14] =	ssyncadd.s32 $0xFFFFC000  }
0x129: {  	[hbm4b:s0+s3] =	stream.linear.scatter [tilespmem:s7], [sflag:$0x6], $0x4000, $0x38;
	[tilespmem:$0xD800] =	vst v63  }
0x12a: {  	_ =	swait.ge [sflag:s8], $0x4000  }
0x12b: {  	[sflag:s8] =	ssyncset.done $0x0  }
0x12c: {  	[sflag:s8] =	ssyncadd.s32 $0xFFFFC000  }
0x12d: {  	[tilespmem:s7], [sflag:$0x3] =	stream.indirect.gather [hbm4b:s2+s11], $0x80, s31, s11, $0xb8;
	[tilespmem:$0xD800] =	vst v63  }
0x12e: {  	_ =	swait.ge [sflag:s12], $0x4000  }
0x12f: {  	[sflag:s12] =	ssyncset.done $0x0  }
0x130: {  	s0 =	rddreg [dreg:$0x1d];
	[sflag:s12] =	ssyncadd.s32 $0xFFFFC000  }
0x131: {  	[hbm4b:s0+s3] =	stream.linear.scatter [tilespmem:s10], [sflag:$0x4], $0x4000, $0x38;
	[tilespmem:$0xD800] =	vst v63  }
0x132: {  	_ =	swait.ge [sflag:s5], $0x4000  }
0x133: {  	[sflag:s5] =	ssyncset.done $0x0  }
0x134: {  	[sflag:s5] =	ssyncadd.s32 $0xFFFFC000  }
0x135: {  	[tilespmem:s10], [sflag:$0x1] =	stream.indirect.gather [hbm4b:s2+s11], $0x80, s30, s11, $0xb8;
	[tilespmem:$0xD800] =	vst v63  }
0x136: {  	_ =	swait.ge [sflag:s13], $0x4000  }
0x137: {  	[sflag:s13] =	ssyncset.done $0x0  }
0x138: {  	s0 =	rddreg [dreg:$0x1e];
	[sflag:s13] =	ssyncadd.s32 $0xFFFFC000  }
0x139: {  	[hbm4b:s0+s3] =	stream.linear.scatter [tilespmem:s9], [sflag:$0x5], $0x4000, $0x38;
	[tilespmem:$0xD800] =	vst v63  }
0x13a: {  	_ =	swait.ge [sflag:s6], $0x4000  }
0x13b: {  	[sflag:s6] =	ssyncset.done $0x0  }
0x13c: {  	[sflag:s6] =	ssyncadd.s32 $0xFFFFC000  }
0x13d: {  	[tilespmem:s9], [sflag:$0x2] =	stream.indirect.gather [hbm4b:s2+s11], $0x80, s29, s11, $0xb8;
	[tilespmem:$0xD800] =	vst v63  }
0x13e: {  	_ =	swait.ge [sflag:s14], $0x4000  }
0x13f: {  	[sflag:s14] =	ssyncset.done $0x0  }
0x140: {  	s0 =	rddreg [dreg:$0x1f];
	[sflag:s14] =	ssyncadd.s32 $0xFFFFC000  }
0x141: {  	[hbm4b:s0+s3] =	stream.linear.scatter [tilespmem:s7], [sflag:$0x6], $0x4000, $0x38;
	[tilespmem:$0xD800] =	vst v63  }
0x142: {  	_ =	swait.ge [sflag:s8], $0x4000  }
0x143: {  	[sflag:s8] =	ssyncset.done $0x0  }
0x144: {  	[sflag:s8] =	ssyncadd.s32 $0xFFFFC000  }
0x145: {  	[tilespmem:s7], [sflag:$0x3] =	stream.indirect.gather [hbm4b:s2+s11], $0x80, s28, s11, $0xb8;
	[tilespmem:$0xD800] =	vst v63  }
0x146: {  	_ =	swait.ge [sflag:s12], $0x4000  }
0x147: {  	s0 =	sld [smem:$0x7D9]  }
0x148: {  	[sflag:s12] =	ssyncset.done $0x0  }
0x149: {  	[sflag:s12] =	ssyncadd.s32 $0xFFFFC000  }
0x14a: {  	[hbm4b:s0+s3] =	stream.linear.scatter [tilespmem:s10], [sflag:$0x4], $0x4000, $0x38;
	[tilespmem:$0xD800] =	vst v63  }
0x14b: {  	_ =	swait.ge [sflag:s5], $0x4000  }
0x14c: {  	[sflag:s5] =	ssyncset.done $0x0  }
0x14d: {  	[sflag:s5] =	ssyncadd.s32 $0xFFFFC000  }
0x14e: {  	[tilespmem:s10], [sflag:$0x1] =	stream.indirect.gather [hbm4b:s2+s11], $0x80, s26, s11, $0xb8;
	[tilespmem:$0xD800] =	vst v63  }
0x14f: {  	_ =	swait.ge [sflag:s13], $0x4000  }
0x150: {  	s0 =	sld [smem:$0x7DA]  }
0x151: {  	[sflag:s13] =	ssyncset.done $0x0  }
0x152: {  	[sflag:s13] =	ssyncadd.s32 $0xFFFFC000  }
0x153: {  	[hbm4b:s0+s3] =	stream.linear.scatter [tilespmem:s9], [sflag:$0x5], $0x4000, $0x38;
	[tilespmem:$0xD800] =	vst v63  }
0x154: {  	_ =	swait.ge [sflag:s6], $0x4000  }
0x155: {  	[sflag:s6] =	ssyncset.done $0x0  }
0x156: {  	[sflag:s6] =	ssyncadd.s32 $0xFFFFC000  }
0x157: {  	[tilespmem:s9], [sflag:$0x2] =	stream.indirect.gather [hbm4b:s2+s11], $0x80, s25, s11, $0xb8;
	[tilespmem:$0xD800] =	vst v63  }
0x158: {  	_ =	swait.ge [sflag:s14], $0x4000  }
0x159: {  	s0 =	sld [smem:$0x7DB]  }
0x15a: {  	[sflag:s14] =	ssyncset.done $0x0  }
0x15b: {  	[sflag:s14] =	ssyncadd.s32 $0xFFFFC000  }
0x15c: {  	[hbm4b:s0+s3] =	stream.linear.scatter [tilespmem:s7], [sflag:$0x6], $0x4000, $0x38;
	[tilespmem:$0xD800] =	vst v63  }
0x15d: {  	_ =	swait.ge [sflag:s8], $0x4000  }
0x15e: {  	[sflag:s8] =	ssyncset.done $0x0  }
0x15f: {  	[sflag:s8] =	ssyncadd.s32 $0xFFFFC000  }
0x160: {  	[tilespmem:s7], [sflag:$0x3] =	stream.indirect.gather [hbm4b:s2+s11], $0x80, s24, s11, $0xb8;
	[tilespmem:$0xD800] =	vst v63  }
0x161: {  	_ =	swait.ge [sflag:s12], $0x4000  }
0x162: {  	s0 =	sld [smem:$0x7DC]  }
0x163: {  	[sflag:s12] =	ssyncset.done $0x0  }
0x164: {  	[sflag:s12] =	ssyncadd.s32 $0xFFFFC000  }
0x165: {  	[hbm4b:s0+s3] =	stream.linear.scatter [tilespmem:s10], [sflag:$0x4], $0x4000, $0x38;
	[tilespmem:$0xD800] =	vst v63  }
0x166: {  	_ =	swait.ge [sflag:s5], $0x4000  }
0x167: {  	[sflag:s5] =	ssyncset.done $0x0  }
0x168: {  	[sflag:s5] =	ssyncadd.s32 $0xFFFFC000  }
0x169: {  	[tilespmem:s10], [sflag:$0x1] =	stream.indirect.gather [hbm4b:s2+s11], $0x80, s23, s11, $0xb8;
	[tilespmem:$0xD800] =	vst v63  }
0x16a: {  	_ =	swait.ge [sflag:s13], $0x4000  }
0x16b: {  	s0 =	sld [smem:$0x7DD]  }
0x16c: {  	[sflag:s13] =	ssyncset.done $0x0  }
0x16d: {  	[sflag:s13] =	ssyncadd.s32 $0xFFFFC000  }
0x16e: {  	[hbm4b:s0+s3] =	stream.linear.scatter [tilespmem:s9], [sflag:$0x5], $0x4000, $0x38;
	[tilespmem:$0xD800] =	vst v63  }
0x16f: {  	_ =	swait.ge [sflag:s6], $0x4000  }
0x170: {  	[sflag:s6] =	ssyncset.done $0x0  }
0x171: {  	[sflag:s6] =	ssyncadd.s32 $0xFFFFC000  }
0x172: {  	[tilespmem:s9], [sflag:$0x2] =	stream.indirect.gather [hbm4b:s2+s11], $0x80, s22, s11, $0xb8;
	[tilespmem:$0xD800] =	vst v63  }
0x173: {  	_ =	swait.ge [sflag:s14], $0x4000  }
0x174: {  	s0 =	sld [smem:$0x7DE]  }
0x175: {  	[sflag:s14] =	ssyncset.done $0x0  }
0x176: {  	[sflag:s14] =	ssyncadd.s32 $0xFFFFC000  }
0x177: {  	[hbm4b:s0+s3] =	stream.linear.scatter [tilespmem:s7], [sflag:$0x6], $0x4000, $0x38;
	[tilespmem:$0xD800] =	vst v63  }
0x178: {  	_ =	swait.ge [sflag:s8], $0x4000  }
0x179: {  	[sflag:s8] =	ssyncset.done $0x0  }
0x17a: {  	[sflag:s8] =	ssyncadd.s32 $0xFFFFC000  }
0x17b: {  	[tilespmem:s7], [sflag:$0x3] =	stream.indirect.gather [hbm4b:s2+s11], $0x80, s21, s11, $0xb8;
	[tilespmem:$0xD800] =	vst v63  }
0x17c: {  	_ =	swait.ge [sflag:s12], $0x4000  }
0x17d: {  	s0 =	sld [smem:$0x7DF]  }
0x17e: {  	[sflag:s12] =	ssyncset.done $0x0  }
0x17f: {  	[sflag:s12] =	ssyncadd.s32 $0xFFFFC000  }
0x180: {  	[hbm4b:s0+s3] =	stream.linear.scatter [tilespmem:s10], [sflag:$0x4], $0x4000, $0x38;
	[tilespmem:$0xD800] =	vst v63  }
0x181: {  	_ =	swait.ge [sflag:s5], $0x4000  }
0x182: {  	[sflag:s5] =	ssyncset.done $0x0  }
0x183: {  	[sflag:s5] =	ssyncadd.s32 $0xFFFFC000  }
0x184: {  	[tilespmem:s10], [sflag:$0x1] =	stream.indirect.gather [hbm4b:s2+s11], $0x80, s20, s11, $0xb8;
	[tilespmem:$0xD800] =	vst v63  }
0x185: {  	_ =	swait.ge [sflag:s13], $0x4000  }
0x186: {  	s0 =	sld [smem:$0x7E0]  }
0x187: {  	[sflag:s13] =	ssyncset.done $0x0  }
0x188: {  	[sflag:s13] =	ssyncadd.s32 $0xFFFFC000  }
0x189: {  	[hbm4b:s0+s3] =	stream.linear.scatter [tilespmem:s9], [sflag:$0x5], $0x4000, $0x38;
	[tilespmem:$0xD800] =	vst v63  }
0x18a: {  	_ =	swait.ge [sflag:s6], $0x4000  }
0x18b: {  	[sflag:s6] =	ssyncset.done $0x0  }
0x18c: {  	[sflag:s6] =	ssyncadd.s32 $0xFFFFC000  }
0x18d: {  	[tilespmem:s9], [sflag:$0x2] =	stream.indirect.gather [hbm4b:s2+s11], $0x80, s19, s11, $0xb8;
	[tilespmem:$0xD800] =	vst v63  }
0x18e: {  	_ =	swait.ge [sflag:s14], $0x4000  }
0x18f: {  	s0 =	sld [smem:$0x7E1]  }
0x190: {  	[sflag:s14] =	ssyncset.done $0x0  }
0x191: {  	[sflag:s14] =	ssyncadd.s32 $0xFFFFC000  }
0x192: {  	[hbm4b:s0+s3] =	stream.linear.scatter [tilespmem:s7], [sflag:$0x6], $0x4000, $0x38;
	[tilespmem:$0xD800] =	vst v63  }
0x193: {  	_ =	swait.ge [sflag:s8], $0x4000  }
0x194: {  	[sflag:s8] =	ssyncset.done $0x0  }
0x195: {  	[sflag:s8] =	ssyncadd.s32 $0xFFFFC000  }
0x196: {  	[tilespmem:s7], [sflag:$0x3] =	stream.indirect.gather [hbm4b:s2+s11], $0x80, s18, s11, $0xb8;
	[tilespmem:$0xD800] =	vst v63  }
0x197: {  	_ =	swait.ge [sflag:s12], $0x4000  }
0x198: {  	s0 =	sld [smem:$0x7E2]  }
0x199: {  	[sflag:s12] =	ssyncset.done $0x0  }
0x19a: {  	[sflag:s12] =	ssyncadd.s32 $0xFFFFC000  }
0x19b: {  	[hbm4b:s0+s3] =	stream.linear.scatter [tilespmem:s10], [sflag:$0x4], $0x4000, $0x38;
	[tilespmem:$0xD800] =	vst v63  }
0x19c: {  	_ =	swait.ge [sflag:s13], $0x4000  }
0x19d: {  	s0 =	sld [smem:$0x7E3]  }
0x19e: {  	[sflag:s13] =	ssyncset.done $0x0  }
0x19f: {  	[sflag:s13] =	ssyncadd.s32 $0xFFFFC000  }
0x1a0: {  	[hbm4b:s0+s3] =	stream.linear.scatter [tilespmem:s9], [sflag:$0x5], $0x4000, $0x38;
	[tilespmem:$0xD800] =	vst v63  }
0x1a1: {  	_ =	swait.ge [sflag:s14], $0x4000  }
0x1a2: {  	s0 =	sld [smem:$0x7E4]  }
0x1a3: {  	[sflag:s14] =	ssyncset.done $0x0  }
0x1a4: {  	[sflag:s14] =	ssyncadd.s32 $0xFFFFC000  }
0x1a5: {  	[hbm4b:s0+s3] =	stream.linear.scatter [tilespmem:s7], [sflag:$0x6], $0x4000, $0x38;
	[tilespmem:$0xD800] =	vst v63  }
0x1a6: {  	_ = 	snop  }
0x1a7: {  	[tilespmem:s15], [sflag:$0x7] =	stream.indirect.gather [hbm4b:s2+s4], $0x80, s17, s4, $0xb8;
	[tilespmem:$0xD800] =	vst v63  }
0x1a8: {  	_ =	swait.ge [sflag:s16], $0x400  }
0x1a9: {  	s0 =	sld [smem:$0x7E5]  }
0x1aa: {  	[sflag:s16] =	ssyncset.done $0x0  }
0x1ab: {  	[sflag:s16] =	ssyncadd.s32 $0xFFFFFC00  }
0x1ac: {  	[hbm4b:s0+s3] =	stream.linear.scatter [tilespmem:s15], [sflag:$0x8], $0x400, $0x38;
	[tilespmem:$0xD800] =	vst v63  }
0x1ad: {  	_ =	swait.ge [sflag:s4], $0x400  }
0x1ae: {  	[sflag:s4] =	ssyncset.done $0x0  }
0x1af: {  	[sflag:s4] =	ssyncadd.s32 $0xFFFFFC00  }
0x1b0: {  	_ =	swait.ge [sflag:s5], $0x4000  }
0x1b1: {  	[sflag:s5] =	ssyncset.done $0x0  }
0x1b2: {  	p1 =	sne.s32 s1, $0x1;
	[sflag:s5] =	ssyncadd.s32 $0xFFFFC000  }
.Ltmp1:
0x1b3: {  	_ =	swait.ge [sflag:s6], $0x4000;
	(pc) =	sbr.rel @!p1 .LBB2_3-.Ltmp1, $4  }
0x1b4: {  	[sflag:s6] =	ssyncset.done $0x0  }
0x1b5: {  	[sflag:s6] =	ssyncadd.s32 $0xFFFFC000  }
0x1b6: {  	s1 =	sadd.s32 $0xFFFFFFFF, s1;
	_ =	swait.ge [sflag:s8], $0x4000  }
0x1b7: {  	p0 =	por $0x1, $0x1;
	s0 =	rddreg [dreg:$0x4];
	[sflag:s8] =	ssyncset.done $0x0  }
.LBB2_2:
0x1b8: {  	[sflag:s8] =	ssyncadd.s32 $0xFFFFC000  }
0x1b9: {  	[tilespmem:s3], [sflag:$0x8] =	stream.linear.gather [hbm4b:s0+s3], $0x1388, $0x38;
	[tilespmem:$0xD800] =	vst v63  }
0x1ba: {  	_ =	swait.ge [sflag:s4], $0x1388  }
0x1bb: {  	[sflag:s4] =	ssyncset.done $0x0  }
0x1bc: {  	[sflag:s4] =	ssyncadd.s32 $0xFFFFEC78  }
0x1bd: {  	[tilespmem:s10], [sflag:$0x1] =	stream.indirect.gather [hbm4b:s2+s11], $0x80, s3, s11, $0xb8;
	[tilespmem:$0xD800] =	vst v63  }
0x1be: {  	s0 =	sld [smem:$0x7E6]  }
0x1bf: {  	[tilespmem:s9], [sflag:$0x2] =	stream.indirect.gather [hbm4b:s2+s11], $0x80, s11, s11, $0xb8;
	[tilespmem:$0xD800] =	vst v63  }
0x1c0: {  	_ = 	snop  }
0x1c1: {  	[tilespmem:s7], [sflag:$0x3] =	stream.indirect.gather [hbm4b:s2+s11], $0x80, s0, s11, $0xb8;
	[tilespmem:$0xD800] =	vst v63  }
0x1c2: {  	_ =	swait.ge [sflag:s12], $0x4000  }
0x1c3: {  	[sflag:s12] =	ssyncset.done $0x0  }
0x1c4: {  	s0 =	rddreg [dreg:$0x5];
	[sflag:s12] =	ssyncadd.s32 $0xFFFFC000  }
0x1c5: {  	[hbm4b:s0+s3] =	stream.linear.scatter [tilespmem:s10], [sflag:$0x4], $0x4000, $0x38;
	[tilespmem:$0xD800] =	vst v63  }
0x1c6: {  	_ =	swait.ge [sflag:s5], $0x4000  }
0x1c7: {  	s0 =	sld [smem:$0x7E7]  }
0x1c8: {  	[sflag:s5] =	ssyncset.done $0x0  }
0x1c9: {  	[sflag:s5] =	ssyncadd.s32 $0xFFFFC000  }
0x1ca: {  	[tilespmem:s10], [sflag:$0x1] =	stream.indirect.gather [hbm4b:s2+s11], $0x80, s0, s11, $0xb8;
	[tilespmem:$0xD800] =	vst v63  }
0x1cb: {  	_ =	swait.ge [sflag:s13], $0x4000  }
0x1cc: {  	[sflag:s13] =	ssyncset.done $0x0  }
0x1cd: {  	s0 =	rddreg [dreg:$0x6];
	[sflag:s13] =	ssyncadd.s32 $0xFFFFC000  }
0x1ce: {  	[hbm4b:s0+s3] =	stream.linear.scatter [tilespmem:s9], [sflag:$0x5], $0x4000, $0x38;
	[tilespmem:$0xD800] =	vst v63  }
0x1cf: {  	_ =	swait.ge [sflag:s6], $0x4000  }
0x1d0: {  	s0 =	sld [smem:$0x7E8]  }
0x1d1: {  	[sflag:s6] =	ssyncset.done $0x0  }
0x1d2: {  	[sflag:s6] =	ssyncadd.s32 $0xFFFFC000  }
0x1d3: {  	[tilespmem:s9], [sflag:$0x2] =	stream.indirect.gather [hbm4b:s2+s11], $0x80, s0, s11, $0xb8;
	[tilespmem:$0xD800] =	vst v63  }
0x1d4: {  	_ =	swait.ge [sflag:s14], $0x4000  }
0x1d5: {  	[sflag:s14] =	ssyncset.done $0x0  }
0x1d6: {  	s0 =	rddreg [dreg:$0x7];
	[sflag:s14] =	ssyncadd.s32 $0xFFFFC000  }
0x1d7: {  	[hbm4b:s0+s3] =	stream.linear.scatter [tilespmem:s7], [sflag:$0x6], $0x4000, $0x38;
	[tilespmem:$0xD800] =	vst v63  }
0x1d8: {  	_ =	swait.ge [sflag:s8], $0x4000  }
0x1d9: {  	s0 =	sld [smem:$0x7E9]  }
0x1da: {  	[sflag:s8] =	ssyncset.done $0x0  }
0x1db: {  	[sflag:s8] =	ssyncadd.s32 $0xFFFFC000  }
0x1dc: {  	[tilespmem:s7], [sflag:$0x3] =	stream.indirect.gather [hbm4b:s2+s11], $0x80, s0, s11, $0xb8;
	[tilespmem:$0xD800] =	vst v63  }
0x1dd: {  	_ =	swait.ge [sflag:s12], $0x4000  }
0x1de: {  	[sflag:s12] =	ssyncset.done $0x0  }
0x1df: {  	s0 =	rddreg [dreg:$0x8];
	[sflag:s12] =	ssyncadd.s32 $0xFFFFC000  }
0x1e0: {  	[hbm4b:s0+s3] =	stream.linear.scatter [tilespmem:s10], [sflag:$0x4], $0x4000, $0x38;
	[tilespmem:$0xD800] =	vst v63  }
0x1e1: {  	_ =	swait.ge [sflag:s5], $0x4000  }
0x1e2: {  	s0 =	sld [smem:$0x7EA]  }
0x1e3: {  	[sflag:s5] =	ssyncset.done $0x0  }
0x1e4: {  	[sflag:s5] =	ssyncadd.s32 $0xFFFFC000  }
0x1e5: {  	[tilespmem:s10], [sflag:$0x1] =	stream.indirect.gather [hbm4b:s2+s11], $0x80, s0, s11, $0xb8;
	[tilespmem:$0xD800] =	vst v63  }
0x1e6: {  	_ =	swait.ge [sflag:s13], $0x4000  }
0x1e7: {  	[sflag:s13] =	ssyncset.done $0x0  }
0x1e8: {  	s0 =	rddreg [dreg:$0x9];
	[sflag:s13] =	ssyncadd.s32 $0xFFFFC000  }
0x1e9: {  	[hbm4b:s0+s3] =	stream.linear.scatter [tilespmem:s9], [sflag:$0x5], $0x4000, $0x38;
	[tilespmem:$0xD800] =	vst v63  }
0x1ea: {  	_ =	swait.ge [sflag:s6], $0x4000  }
0x1eb: {  	s0 =	sld [smem:$0x7EB]  }
0x1ec: {  	[sflag:s6] =	ssyncset.done $0x0  }
0x1ed: {  	[sflag:s6] =	ssyncadd.s32 $0xFFFFC000  }
0x1ee: {  	[tilespmem:s9], [sflag:$0x2] =	stream.indirect.gather [hbm4b:s2+s11], $0x80, s0, s11, $0xb8;
	[tilespmem:$0xD800] =	vst v63  }
0x1ef: {  	_ =	swait.ge [sflag:s14], $0x4000  }
0x1f0: {  	[sflag:s14] =	ssyncset.done $0x0  }
0x1f1: {  	s0 =	rddreg [dreg:$0xa];
	[sflag:s14] =	ssyncadd.s32 $0xFFFFC000  }
0x1f2: {  	[hbm4b:s0+s3] =	stream.linear.scatter [tilespmem:s7], [sflag:$0x6], $0x4000, $0x38;
	[tilespmem:$0xD800] =	vst v63  }
0x1f3: {  	_ =	swait.ge [sflag:s8], $0x4000  }
0x1f4: {  	s0 =	sld [smem:$0x7EC]  }
0x1f5: {  	[sflag:s8] =	ssyncset.done $0x0  }
0x1f6: {  	[sflag:s8] =	ssyncadd.s32 $0xFFFFC000  }
0x1f7: {  	[tilespmem:s7], [sflag:$0x3] =	stream.indirect.gather [hbm4b:s2+s11], $0x80, s0, s11, $0xb8;
	[tilespmem:$0xD800] =	vst v63  }
0x1f8: {  	_ =	swait.ge [sflag:s12], $0x4000  }
0x1f9: {  	[sflag:s12] =	ssyncset.done $0x0  }
0x1fa: {  	s0 =	rddreg [dreg:$0xb];
	[sflag:s12] =	ssyncadd.s32 $0xFFFFC000  }
0x1fb: {  	[hbm4b:s0+s3] =	stream.linear.scatter [tilespmem:s10], [sflag:$0x4], $0x4000, $0x38;
	[tilespmem:$0xD800] =	vst v63  }
0x1fc: {  	_ =	swait.ge [sflag:s5], $0x4000  }
0x1fd: {  	s0 =	sld [smem:$0x7ED]  }
0x1fe: {  	[sflag:s5] =	ssyncset.done $0x0  }
0x1ff: {  	[sflag:s5] =	ssyncadd.s32 $0xFFFFC000  }
0x200: {  	[tilespmem:s10], [sflag:$0x1] =	stream.indirect.gather [hbm4b:s2+s11], $0x80, s0, s11, $0xb8;
	[tilespmem:$0xD800] =	vst v63  }
0x201: {  	_ =	swait.ge [sflag:s13], $0x4000  }
0x202: {  	[sflag:s13] =	ssyncset.done $0x0  }
0x203: {  	s0 =	rddreg [dreg:$0xc];
	[sflag:s13] =	ssyncadd.s32 $0xFFFFC000  }
0x204: {  	[hbm4b:s0+s3] =	stream.linear.scatter [tilespmem:s9], [sflag:$0x5], $0x4000, $0x38;
	[tilespmem:$0xD800] =	vst v63  }
0x205: {  	_ =	swait.ge [sflag:s6], $0x4000  }
0x206: {  	s0 =	sld [smem:$0x7EE]  }
0x207: {  	[sflag:s6] =	ssyncset.done $0x0  }
0x208: {  	[sflag:s6] =	ssyncadd.s32 $0xFFFFC000  }
0x209: {  	[tilespmem:s9], [sflag:$0x2] =	stream.indirect.gather [hbm4b:s2+s11], $0x80, s0, s11, $0xb8;
	[tilespmem:$0xD800] =	vst v63  }
0x20a: {  	_ =	swait.ge [sflag:s14], $0x4000  }
0x20b: {  	[sflag:s14] =	ssyncset.done $0x0  }
0x20c: {  	s0 =	rddreg [dreg:$0xd];
	[sflag:s14] =	ssyncadd.s32 $0xFFFFC000  }
0x20d: {  	[hbm4b:s0+s3] =	stream.linear.scatter [tilespmem:s7], [sflag:$0x6], $0x4000, $0x38;
	[tilespmem:$0xD800] =	vst v63  }
0x20e: {  	_ =	swait.ge [sflag:s8], $0x4000  }
0x20f: {  	s0 =	sld [smem:$0x7EF]  }
0x210: {  	[sflag:s8] =	ssyncset.done $0x0  }
0x211: {  	[sflag:s8] =	ssyncadd.s32 $0xFFFFC000  }
0x212: {  	[tilespmem:s7], [sflag:$0x3] =	stream.indirect.gather [hbm4b:s2+s11], $0x80, s0, s11, $0xb8;
	[tilespmem:$0xD800] =	vst v63  }
0x213: {  	_ =	swait.ge [sflag:s12], $0x4000  }
0x214: {  	[sflag:s12] =	ssyncset.done $0x0  }
0x215: {  	s0 =	rddreg [dreg:$0xe];
	[sflag:s12] =	ssyncadd.s32 $0xFFFFC000  }
0x216: {  	[hbm4b:s0+s3] =	stream.linear.scatter [tilespmem:s10], [sflag:$0x4], $0x4000, $0x38;
	[tilespmem:$0xD800] =	vst v63  }
0x217: {  	_ =	swait.ge [sflag:s5], $0x4000  }
0x218: {  	s0 =	sld [smem:$0x7F0]  }
0x219: {  	[sflag:s5] =	ssyncset.done $0x0  }
0x21a: {  	[sflag:s5] =	ssyncadd.s32 $0xFFFFC000  }
0x21b: {  	[tilespmem:s10], [sflag:$0x1] =	stream.indirect.gather [hbm4b:s2+s11], $0x80, s0, s11, $0xb8;
	[tilespmem:$0xD800] =	vst v63  }
0x21c: {  	_ =	swait.ge [sflag:s13], $0x4000  }
0x21d: {  	[sflag:s13] =	ssyncset.done $0x0  }
0x21e: {  	s0 =	rddreg [dreg:$0xf];
	[sflag:s13] =	ssyncadd.s32 $0xFFFFC000  }
0x21f: {  	[hbm4b:s0+s3] =	stream.linear.scatter [tilespmem:s9], [sflag:$0x5], $0x4000, $0x38;
	[tilespmem:$0xD800] =	vst v63  }
0x220: {  	_ =	swait.ge [sflag:s6], $0x4000  }
0x221: {  	s0 =	sld [smem:$0x7F1]  }
0x222: {  	[sflag:s6] =	ssyncset.done $0x0  }
0x223: {  	[sflag:s6] =	ssyncadd.s32 $0xFFFFC000  }
0x224: {  	[tilespmem:s9], [sflag:$0x2] =	stream.indirect.gather [hbm4b:s2+s11], $0x80, s0, s11, $0xb8;
	[tilespmem:$0xD800] =	vst v63  }
0x225: {  	_ =	swait.ge [sflag:s14], $0x4000  }
0x226: {  	[sflag:s14] =	ssyncset.done $0x0  }
0x227: {  	s0 =	rddreg [dreg:$0x10];
	[sflag:s14] =	ssyncadd.s32 $0xFFFFC000  }
0x228: {  	[hbm4b:s0+s3] =	stream.linear.scatter [tilespmem:s7], [sflag:$0x6], $0x4000, $0x38;
	[tilespmem:$0xD800] =	vst v63  }
0x229: {  	_ =	swait.ge [sflag:s8], $0x4000  }
0x22a: {  	s0 =	sld [smem:$0x7F2]  }
0x22b: {  	[sflag:s8] =	ssyncset.done $0x0  }
0x22c: {  	[sflag:s8] =	ssyncadd.s32 $0xFFFFC000  }
0x22d: {  	[tilespmem:s7], [sflag:$0x3] =	stream.indirect.gather [hbm4b:s2+s11], $0x80, s0, s11, $0xb8;
	[tilespmem:$0xD800] =	vst v63  }
0x22e: {  	_ =	swait.ge [sflag:s12], $0x4000  }
0x22f: {  	[sflag:s12] =	ssyncset.done $0x0  }
0x230: {  	s0 =	rddreg [dreg:$0x11];
	[sflag:s12] =	ssyncadd.s32 $0xFFFFC000  }
0x231: {  	[hbm4b:s0+s3] =	stream.linear.scatter [tilespmem:s10], [sflag:$0x4], $0x4000, $0x38;
	[tilespmem:$0xD800] =	vst v63  }
0x232: {  	_ =	swait.ge [sflag:s5], $0x4000  }
0x233: {  	s0 =	sld [smem:$0x7F3]  }
0x234: {  	[sflag:s5] =	ssyncset.done $0x0  }
0x235: {  	[sflag:s5] =	ssyncadd.s32 $0xFFFFC000  }
0x236: {  	[tilespmem:s10], [sflag:$0x1] =	stream.indirect.gather [hbm4b:s2+s11], $0x80, s0, s11, $0xb8;
	[tilespmem:$0xD800] =	vst v63  }
0x237: {  	_ =	swait.ge [sflag:s13], $0x4000  }
0x238: {  	[sflag:s13] =	ssyncset.done $0x0  }
0x239: {  	s0 =	rddreg [dreg:$0x12];
	[sflag:s13] =	ssyncadd.s32 $0xFFFFC000  }
0x23a: {  	[hbm4b:s0+s3] =	stream.linear.scatter [tilespmem:s9], [sflag:$0x5], $0x4000, $0x38;
	[tilespmem:$0xD800] =	vst v63  }
0x23b: {  	_ =	swait.ge [sflag:s6], $0x4000  }
0x23c: {  	s0 =	sld [smem:$0x7F4]  }
0x23d: {  	[sflag:s6] =	ssyncset.done $0x0  }
0x23e: {  	[sflag:s6] =	ssyncadd.s32 $0xFFFFC000  }
0x23f: {  	[tilespmem:s9], [sflag:$0x2] =	stream.indirect.gather [hbm4b:s2+s11], $0x80, s0, s11, $0xb8;
	[tilespmem:$0xD800] =	vst v63  }
0x240: {  	_ =	swait.ge [sflag:s14], $0x4000  }
0x241: {  	[sflag:s14] =	ssyncset.done $0x0  }
0x242: {  	s0 =	rddreg [dreg:$0x13];
	[sflag:s14] =	ssyncadd.s32 $0xFFFFC000  }
0x243: {  	[hbm4b:s0+s3] =	stream.linear.scatter [tilespmem:s7], [sflag:$0x6], $0x4000, $0x38;
	[tilespmem:$0xD800] =	vst v63  }
0x244: {  	_ =	swait.ge [sflag:s8], $0x4000  }
0x245: {  	s0 =	sld [smem:$0x7F5]  }
0x246: {  	[sflag:s8] =	ssyncset.done $0x0  }
0x247: {  	[sflag:s8] =	ssyncadd.s32 $0xFFFFC000  }
0x248: {  	[tilespmem:s7], [sflag:$0x3] =	stream.indirect.gather [hbm4b:s2+s11], $0x80, s0, s11, $0xb8;
	[tilespmem:$0xD800] =	vst v63  }
0x249: {  	_ =	swait.ge [sflag:s12], $0x4000  }
0x24a: {  	[sflag:s12] =	ssyncset.done $0x0  }
0x24b: {  	s0 =	rddreg [dreg:$0x14];
	[sflag:s12] =	ssyncadd.s32 $0xFFFFC000  }
0x24c: {  	[hbm4b:s0+s3] =	stream.linear.scatter [tilespmem:s10], [sflag:$0x4], $0x4000, $0x38;
	[tilespmem:$0xD800] =	vst v63  }
0x24d: {  	_ =	swait.ge [sflag:s5], $0x4000  }
0x24e: {  	s0 =	sld [smem:$0x7F6]  }
0x24f: {  	[sflag:s5] =	ssyncset.done $0x0  }
0x250: {  	[sflag:s5] =	ssyncadd.s32 $0xFFFFC000  }
0x251: {  	[tilespmem:s10], [sflag:$0x1] =	stream.indirect.gather [hbm4b:s2+s11], $0x80, s0, s11, $0xb8;
	[tilespmem:$0xD800] =	vst v63  }
0x252: {  	_ =	swait.ge [sflag:s13], $0x4000  }
0x253: {  	[sflag:s13] =	ssyncset.done $0x0  }
0x254: {  	s0 =	rddreg [dreg:$0x15];
	[sflag:s13] =	ssyncadd.s32 $0xFFFFC000  }
0x255: {  	[hbm4b:s0+s3] =	stream.linear.scatter [tilespmem:s9], [sflag:$0x5], $0x4000, $0x38;
	[tilespmem:$0xD800] =	vst v63  }
0x256: {  	_ =	swait.ge [sflag:s6], $0x4000  }
0x257: {  	s0 =	sld [smem:$0x7F7]  }
0x258: {  	[sflag:s6] =	ssyncset.done $0x0  }
0x259: {  	[sflag:s6] =	ssyncadd.s32 $0xFFFFC000  }
0x25a: {  	[tilespmem:s9], [sflag:$0x2] =	stream.indirect.gather [hbm4b:s2+s11], $0x80, s0, s11, $0xb8;
	[tilespmem:$0xD800] =	vst v63  }
0x25b: {  	_ =	swait.ge [sflag:s14], $0x4000  }
0x25c: {  	[sflag:s14] =	ssyncset.done $0x0  }
0x25d: {  	s0 =	rddreg [dreg:$0x16];
	[sflag:s14] =	ssyncadd.s32 $0xFFFFC000  }
0x25e: {  	[hbm4b:s0+s3] =	stream.linear.scatter [tilespmem:s7], [sflag:$0x6], $0x4000, $0x38;
	[tilespmem:$0xD800] =	vst v63  }
0x25f: {  	_ =	swait.ge [sflag:s8], $0x4000  }
0x260: {  	s0 =	sld [smem:$0x7F8]  }
0x261: {  	[sflag:s8] =	ssyncset.done $0x0  }
0x262: {  	[sflag:s8] =	ssyncadd.s32 $0xFFFFC000  }
0x263: {  	[tilespmem:s7], [sflag:$0x3] =	stream.indirect.gather [hbm4b:s2+s11], $0x80, s0, s11, $0xb8;
	[tilespmem:$0xD800] =	vst v63  }
0x264: {  	_ =	swait.ge [sflag:s12], $0x4000  }
0x265: {  	[sflag:s12] =	ssyncset.done $0x0  }
0x266: {  	s0 =	rddreg [dreg:$0x17];
	[sflag:s12] =	ssyncadd.s32 $0xFFFFC000  }
0x267: {  	[hbm4b:s0+s3] =	stream.linear.scatter [tilespmem:s10], [sflag:$0x4], $0x4000, $0x38;
	[tilespmem:$0xD800] =	vst v63  }
0x268: {  	_ =	swait.ge [sflag:s5], $0x4000  }
0x269: {  	s0 =	sld [smem:$0x7F9]  }
0x26a: {  	[sflag:s5] =	ssyncset.done $0x0  }
0x26b: {  	[sflag:s5] =	ssyncadd.s32 $0xFFFFC000  }
0x26c: {  	[tilespmem:s10], [sflag:$0x1] =	stream.indirect.gather [hbm4b:s2+s11], $0x80, s0, s11, $0xb8;
	[tilespmem:$0xD800] =	vst v63  }
0x26d: {  	_ =	swait.ge [sflag:s13], $0x4000  }
0x26e: {  	[sflag:s13] =	ssyncset.done $0x0  }
0x26f: {  	s0 =	rddreg [dreg:$0x18];
	[sflag:s13] =	ssyncadd.s32 $0xFFFFC000  }
0x270: {  	[hbm4b:s0+s3] =	stream.linear.scatter [tilespmem:s9], [sflag:$0x5], $0x4000, $0x38;
	[tilespmem:$0xD800] =	vst v63  }
0x271: {  	_ =	swait.ge [sflag:s6], $0x4000  }
0x272: {  	s0 =	sld [smem:$0x7FA]  }
0x273: {  	[sflag:s6] =	ssyncset.done $0x0  }
0x274: {  	[sflag:s6] =	ssyncadd.s32 $0xFFFFC000  }
0x275: {  	[tilespmem:s9], [sflag:$0x2] =	stream.indirect.gather [hbm4b:s2+s11], $0x80, s0, s11, $0xb8;
	[tilespmem:$0xD800] =	vst v63  }
0x276: {  	_ =	swait.ge [sflag:s14], $0x4000  }
0x277: {  	[sflag:s14] =	ssyncset.done $0x0  }
0x278: {  	s0 =	rddreg [dreg:$0x19];
	[sflag:s14] =	ssyncadd.s32 $0xFFFFC000  }
0x279: {  	[hbm4b:s0+s3] =	stream.linear.scatter [tilespmem:s7], [sflag:$0x6], $0x4000, $0x38;
	[tilespmem:$0xD800] =	vst v63  }
0x27a: {  	_ =	swait.ge [sflag:s8], $0x4000  }
0x27b: {  	s0 =	sld [smem:$0x7FB]  }
0x27c: {  	[sflag:s8] =	ssyncset.done $0x0  }
0x27d: {  	[sflag:s8] =	ssyncadd.s32 $0xFFFFC000  }
0x27e: {  	[tilespmem:s7], [sflag:$0x3] =	stream.indirect.gather [hbm4b:s2+s11], $0x80, s0, s11, $0xb8;
	[tilespmem:$0xD800] =	vst v63  }
0x27f: {  	_ =	swait.ge [sflag:s12], $0x4000  }
0x280: {  	[sflag:s12] =	ssyncset.done $0x0  }
0x281: {  	s0 =	rddreg [dreg:$0x1a];
	[sflag:s12] =	ssyncadd.s32 $0xFFFFC000  }
0x282: {  	[hbm4b:s0+s3] =	stream.linear.scatter [tilespmem:s10], [sflag:$0x4], $0x4000, $0x38;
	[tilespmem:$0xD800] =	vst v63  }
0x283: {  	_ =	swait.ge [sflag:s5], $0x4000  }
0x284: {  	s0 =	sld [smem:$0x7FC]  }
0x285: {  	[sflag:s5] =	ssyncset.done $0x0  }
0x286: {  	[sflag:s5] =	ssyncadd.s32 $0xFFFFC000  }
0x287: {  	[tilespmem:s10], [sflag:$0x1] =	stream.indirect.gather [hbm4b:s2+s11], $0x80, s0, s11, $0xb8;
	[tilespmem:$0xD800] =	vst v63  }
0x288: {  	_ =	swait.ge [sflag:s13], $0x4000  }
0x289: {  	[sflag:s13] =	ssyncset.done $0x0  }
0x28a: {  	s0 =	rddreg [dreg:$0x1b];
	[sflag:s13] =	ssyncadd.s32 $0xFFFFC000  }
0x28b: {  	[hbm4b:s0+s3] =	stream.linear.scatter [tilespmem:s9], [sflag:$0x5], $0x4000, $0x38;
	[tilespmem:$0xD800] =	vst v63  }
0x28c: {  	_ =	swait.ge [sflag:s6], $0x4000  }
0x28d: {  	s0 =	sld [smem:$0x7FD]  }
0x28e: {  	[sflag:s6] =	ssyncset.done $0x0  }
0x28f: {  	[sflag:s6] =	ssyncadd.s32 $0xFFFFC000  }
0x290: {  	[tilespmem:s9], [sflag:$0x2] =	stream.indirect.gather [hbm4b:s2+s11], $0x80, s0, s11, $0xb8;
	[tilespmem:$0xD800] =	vst v63  }
0x291: {  	_ =	swait.ge [sflag:s14], $0x4000  }
0x292: {  	[sflag:s14] =	ssyncset.done $0x0  }
0x293: {  	s0 =	rddreg [dreg:$0x1c];
	[sflag:s14] =	ssyncadd.s32 $0xFFFFC000  }
0x294: {  	[hbm4b:s0+s3] =	stream.linear.scatter [tilespmem:s7], [sflag:$0x6], $0x4000, $0x38;
	[tilespmem:$0xD800] =	vst v63  }
0x295: {  	_ =	swait.ge [sflag:s8], $0x4000  }
0x296: {  	[sflag:s8] =	ssyncset.done $0x0  }
0x297: {  	[sflag:s8] =	ssyncadd.s32 $0xFFFFC000  }
0x298: {  	[tilespmem:s7], [sflag:$0x3] =	stream.indirect.gather [hbm4b:s2+s11], $0x80, s31, s11, $0xb8;
	[tilespmem:$0xD800] =	vst v63  }
0x299: {  	_ =	swait.ge [sflag:s12], $0x4000  }
0x29a: {  	[sflag:s12] =	ssyncset.done $0x0  }
0x29b: {  	s0 =	rddreg [dreg:$0x1d];
	[sflag:s12] =	ssyncadd.s32 $0xFFFFC000  }
0x29c: {  	[hbm4b:s0+s3] =	stream.linear.scatter [tilespmem:s10], [sflag:$0x4], $0x4000, $0x38;
	[tilespmem:$0xD800] =	vst v63  }
0x29d: {  	_ =	swait.ge [sflag:s5], $0x4000  }
0x29e: {  	[sflag:s5] =	ssyncset.done $0x0  }
0x29f: {  	[sflag:s5] =	ssyncadd.s32 $0xFFFFC000  }
0x2a0: {  	[tilespmem:s10], [sflag:$0x1] =	stream.indirect.gather [hbm4b:s2+s11], $0x80, s30, s11, $0xb8;
	[tilespmem:$0xD800] =	vst v63  }
0x2a1: {  	_ =	swait.ge [sflag:s13], $0x4000  }
0x2a2: {  	[sflag:s13] =	ssyncset.done $0x0  }
0x2a3: {  	s0 =	rddreg [dreg:$0x1e];
	[sflag:s13] =	ssyncadd.s32 $0xFFFFC000  }
0x2a4: {  	[hbm4b:s0+s3] =	stream.linear.scatter [tilespmem:s9], [sflag:$0x5], $0x4000, $0x38;
	[tilespmem:$0xD800] =	vst v63  }
0x2a5: {  	_ =	swait.ge [sflag:s6], $0x4000  }
0x2a6: {  	[sflag:s6] =	ssyncset.done $0x0  }
0x2a7: {  	[sflag:s6] =	ssyncadd.s32 $0xFFFFC000  }
0x2a8: {  	[tilespmem:s9], [sflag:$0x2] =	stream.indirect.gather [hbm4b:s2+s11], $0x80, s29, s11, $0xb8;
	[tilespmem:$0xD800] =	vst v63  }
0x2a9: {  	_ =	swait.ge [sflag:s14], $0x4000  }
0x2aa: {  	[sflag:s14] =	ssyncset.done $0x0  }
0x2ab: {  	s0 =	rddreg [dreg:$0x1f];
	[sflag:s14] =	ssyncadd.s32 $0xFFFFC000  }
0x2ac: {  	[hbm4b:s0+s3] =	stream.linear.scatter [tilespmem:s7], [sflag:$0x6], $0x4000, $0x38;
	[tilespmem:$0xD800] =	vst v63  }
0x2ad: {  	_ =	swait.ge [sflag:s8], $0x4000  }
0x2ae: {  	[sflag:s8] =	ssyncset.done $0x0  }
0x2af: {  	[sflag:s8] =	ssyncadd.s32 $0xFFFFC000  }
0x2b0: {  	[tilespmem:s7], [sflag:$0x3] =	stream.indirect.gather [hbm4b:s2+s11], $0x80, s28, s11, $0xb8;
	[tilespmem:$0xD800] =	vst v63  }
0x2b1: {  	_ =	swait.ge [sflag:s12], $0x4000  }
0x2b2: {  	s0 =	sld [smem:$0x7D9]  }
0x2b3: {  	[sflag:s12] =	ssyncset.done $0x0  }
0x2b4: {  	[sflag:s12] =	ssyncadd.s32 $0xFFFFC000  }
0x2b5: {  	[hbm4b:s0+s3] =	stream.linear.scatter [tilespmem:s10], [sflag:$0x4], $0x4000, $0x38;
	[tilespmem:$0xD800] =	vst v63  }
0x2b6: {  	_ =	swait.ge [sflag:s5], $0x4000  }
0x2b7: {  	[sflag:s5] =	ssyncset.done $0x0  }
0x2b8: {  	[sflag:s5] =	ssyncadd.s32 $0xFFFFC000  }
0x2b9: {  	[tilespmem:s10], [sflag:$0x1] =	stream.indirect.gather [hbm4b:s2+s11], $0x80, s26, s11, $0xb8;
	[tilespmem:$0xD800] =	vst v63  }
0x2ba: {  	_ =	swait.ge [sflag:s13], $0x4000  }
0x2bb: {  	s0 =	sld [smem:$0x7DA]  }
0x2bc: {  	[sflag:s13] =	ssyncset.done $0x0  }
0x2bd: {  	[sflag:s13] =	ssyncadd.s32 $0xFFFFC000  }
0x2be: {  	[hbm4b:s0+s3] =	stream.linear.scatter [tilespmem:s9], [sflag:$0x5], $0x4000, $0x38;
	[tilespmem:$0xD800] =	vst v63  }
0x2bf: {  	_ =	swait.ge [sflag:s6], $0x4000  }
0x2c0: {  	[sflag:s6] =	ssyncset.done $0x0  }
0x2c1: {  	[sflag:s6] =	ssyncadd.s32 $0xFFFFC000  }
0x2c2: {  	[tilespmem:s9], [sflag:$0x2] =	stream.indirect.gather [hbm4b:s2+s11], $0x80, s25, s11, $0xb8;
	[tilespmem:$0xD800] =	vst v63  }
0x2c3: {  	_ =	swait.ge [sflag:s14], $0x4000  }
0x2c4: {  	s0 =	sld [smem:$0x7DB]  }
0x2c5: {  	[sflag:s14] =	ssyncset.done $0x0  }
0x2c6: {  	[sflag:s14] =	ssyncadd.s32 $0xFFFFC000  }
0x2c7: {  	[hbm4b:s0+s3] =	stream.linear.scatter [tilespmem:s7], [sflag:$0x6], $0x4000, $0x38;
	[tilespmem:$0xD800] =	vst v63  }
0x2c8: {  	_ =	swait.ge [sflag:s8], $0x4000  }
0x2c9: {  	[sflag:s8] =	ssyncset.done $0x0  }
0x2ca: {  	[sflag:s8] =	ssyncadd.s32 $0xFFFFC000  }
0x2cb: {  	[tilespmem:s7], [sflag:$0x3] =	stream.indirect.gather [hbm4b:s2+s11], $0x80, s24, s11, $0xb8;
	[tilespmem:$0xD800] =	vst v63  }
0x2cc: {  	_ =	swait.ge [sflag:s12], $0x4000  }
0x2cd: {  	s0 =	sld [smem:$0x7DC]  }
0x2ce: {  	[sflag:s12] =	ssyncset.done $0x0  }
0x2cf: {  	[sflag:s12] =	ssyncadd.s32 $0xFFFFC000  }
0x2d0: {  	[hbm4b:s0+s3] =	stream.linear.scatter [tilespmem:s10], [sflag:$0x4], $0x4000, $0x38;
	[tilespmem:$0xD800] =	vst v63  }
0x2d1: {  	_ =	swait.ge [sflag:s5], $0x4000  }
0x2d2: {  	[sflag:s5] =	ssyncset.done $0x0  }
0x2d3: {  	[sflag:s5] =	ssyncadd.s32 $0xFFFFC000  }
0x2d4: {  	[tilespmem:s10], [sflag:$0x1] =	stream.indirect.gather [hbm4b:s2+s11], $0x80, s23, s11, $0xb8;
	[tilespmem:$0xD800] =	vst v63  }
0x2d5: {  	_ =	swait.ge [sflag:s13], $0x4000  }
0x2d6: {  	s0 =	sld [smem:$0x7DD]  }
0x2d7: {  	[sflag:s13] =	ssyncset.done $0x0  }
0x2d8: {  	[sflag:s13] =	ssyncadd.s32 $0xFFFFC000  }
0x2d9: {  	[hbm4b:s0+s3] =	stream.linear.scatter [tilespmem:s9], [sflag:$0x5], $0x4000, $0x38;
	[tilespmem:$0xD800] =	vst v63  }
0x2da: {  	_ =	swait.ge [sflag:s6], $0x4000  }
0x2db: {  	[sflag:s6] =	ssyncset.done $0x0  }
0x2dc: {  	[sflag:s6] =	ssyncadd.s32 $0xFFFFC000  }
0x2dd: {  	[tilespmem:s9], [sflag:$0x2] =	stream.indirect.gather [hbm4b:s2+s11], $0x80, s22, s11, $0xb8;
	[tilespmem:$0xD800] =	vst v63  }
0x2de: {  	_ =	swait.ge [sflag:s14], $0x4000  }
0x2df: {  	s0 =	sld [smem:$0x7DE]  }
0x2e0: {  	[sflag:s14] =	ssyncset.done $0x0  }
0x2e1: {  	[sflag:s14] =	ssyncadd.s32 $0xFFFFC000  }
0x2e2: {  	[hbm4b:s0+s3] =	stream.linear.scatter [tilespmem:s7], [sflag:$0x6], $0x4000, $0x38;
	[tilespmem:$0xD800] =	vst v63  }
0x2e3: {  	_ =	swait.ge [sflag:s8], $0x4000  }
0x2e4: {  	[sflag:s8] =	ssyncset.done $0x0  }
0x2e5: {  	[sflag:s8] =	ssyncadd.s32 $0xFFFFC000  }
0x2e6: {  	[tilespmem:s7], [sflag:$0x3] =	stream.indirect.gather [hbm4b:s2+s11], $0x80, s21, s11, $0xb8;
	[tilespmem:$0xD800] =	vst v63  }
0x2e7: {  	_ =	swait.ge [sflag:s12], $0x4000  }
0x2e8: {  	s0 =	sld [smem:$0x7DF]  }
0x2e9: {  	[sflag:s12] =	ssyncset.done $0x0  }
0x2ea: {  	[sflag:s12] =	ssyncadd.s32 $0xFFFFC000  }
0x2eb: {  	[hbm4b:s0+s3] =	stream.linear.scatter [tilespmem:s10], [sflag:$0x4], $0x4000, $0x38;
	[tilespmem:$0xD800] =	vst v63  }
0x2ec: {  	_ =	swait.ge [sflag:s5], $0x4000  }
0x2ed: {  	[sflag:s5] =	ssyncset.done $0x0  }
0x2ee: {  	[sflag:s5] =	ssyncadd.s32 $0xFFFFC000  }
0x2ef: {  	[tilespmem:s10], [sflag:$0x1] =	stream.indirect.gather [hbm4b:s2+s11], $0x80, s20, s11, $0xb8;
	[tilespmem:$0xD800] =	vst v63  }
0x2f0: {  	_ =	swait.ge [sflag:s13], $0x4000  }
0x2f1: {  	s0 =	sld [smem:$0x7E0]  }
0x2f2: {  	[sflag:s13] =	ssyncset.done $0x0  }
0x2f3: {  	[sflag:s13] =	ssyncadd.s32 $0xFFFFC000  }
0x2f4: {  	[hbm4b:s0+s3] =	stream.linear.scatter [tilespmem:s9], [sflag:$0x5], $0x4000, $0x38;
	[tilespmem:$0xD800] =	vst v63  }
0x2f5: {  	_ =	swait.ge [sflag:s6], $0x4000  }
0x2f6: {  	[sflag:s6] =	ssyncset.done $0x0  }
0x2f7: {  	[sflag:s6] =	ssyncadd.s32 $0xFFFFC000  }
0x2f8: {  	[tilespmem:s9], [sflag:$0x2] =	stream.indirect.gather [hbm4b:s2+s11], $0x80, s19, s11, $0xb8;
	[tilespmem:$0xD800] =	vst v63  }
0x2f9: {  	_ =	swait.ge [sflag:s14], $0x4000  }
0x2fa: {  	s0 =	sld [smem:$0x7E1]  }
0x2fb: {  	[sflag:s14] =	ssyncset.done $0x0  }
0x2fc: {  	[sflag:s14] =	ssyncadd.s32 $0xFFFFC000  }
0x2fd: {  	[hbm4b:s0+s3] =	stream.linear.scatter [tilespmem:s7], [sflag:$0x6], $0x4000, $0x38;
	[tilespmem:$0xD800] =	vst v63  }
0x2fe: {  	_ =	swait.ge [sflag:s8], $0x4000  }
0x2ff: {  	[sflag:s8] =	ssyncset.done $0x0  }
0x300: {  	[sflag:s8] =	ssyncadd.s32 $0xFFFFC000  }
0x301: {  	[tilespmem:s7], [sflag:$0x3] =	stream.indirect.gather [hbm4b:s2+s11], $0x80, s18, s11, $0xb8;
	[tilespmem:$0xD800] =	vst v63  }
0x302: {  	_ =	swait.ge [sflag:s12], $0x4000  }
0x303: {  	s0 =	sld [smem:$0x7E2]  }
0x304: {  	[sflag:s12] =	ssyncset.done $0x0  }
0x305: {  	[sflag:s12] =	ssyncadd.s32 $0xFFFFC000  }
0x306: {  	[hbm4b:s0+s3] =	stream.linear.scatter [tilespmem:s10], [sflag:$0x4], $0x4000, $0x38;
	[tilespmem:$0xD800] =	vst v63  }
0x307: {  	_ =	swait.ge [sflag:s13], $0x4000  }
0x308: {  	s0 =	sld [smem:$0x7E3]  }
0x309: {  	[sflag:s13] =	ssyncset.done $0x0  }
0x30a: {  	[sflag:s13] =	ssyncadd.s32 $0xFFFFC000  }
0x30b: {  	[hbm4b:s0+s3] =	stream.linear.scatter [tilespmem:s9], [sflag:$0x5], $0x4000, $0x38;
	[tilespmem:$0xD800] =	vst v63  }
0x30c: {  	_ =	swait.ge [sflag:s14], $0x4000  }
0x30d: {  	s0 =	sld [smem:$0x7E4]  }
0x30e: {  	[sflag:s14] =	ssyncset.done $0x0  }
0x30f: {  	[sflag:s14] =	ssyncadd.s32 $0xFFFFC000  }
0x310: {  	[hbm4b:s0+s3] =	stream.linear.scatter [tilespmem:s7], [sflag:$0x6], $0x4000, $0x38;
	[tilespmem:$0xD800] =	vst v63  }
0x311: {  	_ = 	snop  }
0x312: {  	[tilespmem:s15], [sflag:$0x7] =	stream.indirect.gather [hbm4b:s2+s4], $0x80, s17, s4, $0xb8;
	[tilespmem:$0xD800] =	vst v63  }
0x313: {  	_ =	swait.ge [sflag:s16], $0x400  }
0x314: {  	s0 =	sld [smem:$0x7E5]  }
0x315: {  	[sflag:s16] =	ssyncset.done $0x0  }
0x316: {  	[sflag:s16] =	ssyncadd.s32 $0xFFFFFC00  }
0x317: {  	[hbm4b:s0+s3] =	stream.linear.scatter [tilespmem:s15], [sflag:$0x8], $0x400, $0x38;
	[tilespmem:$0xD800] =	vst v63  }
0x318: {  	_ =	swait.ge [sflag:s4], $0x400  }
0x319: {  	[sflag:s4] =	ssyncset.done $0x0  }
0x31a: {  	[sflag:s4] =	ssyncadd.s32 $0xFFFFFC00  }
0x31b: {  	_ =	swait.ge [sflag:s5], $0x4000  }
0x31c: {  	[sflag:s5] =	ssyncset.done $0x0  }
0x31d: {  	p1 =	sne.s32 s1, $0x1;
	[sflag:s5] =	ssyncadd.s32 $0xFFFFC000  }
.Ltmp2:
0x31e: {  	_ =	swait.ge [sflag:s6], $0x4000;
	(pc) =	sbr.rel @p1 .LBB2_2-.Ltmp2, $4  }
0x31f: {  	[sflag:s6] =	ssyncset.done $0x0  }
0x320: {  	[sflag:s6] =	ssyncadd.s32 $0xFFFFC000  }
0x321: {  	_ =	swait.ge [sflag:s8], $0x4000  }
0x322: {  	s1 =	sadd.s32 $0xFFFFFFFF, s1;
	s0 =	rddreg [dreg:$0x4];
	[sflag:s8] =	ssyncset.done $0x0  }
.LBB2_3:
0x323: {  	[sflag:s8] =	ssyncadd.s32 @p0 $0xFFFFC000  }
0x324: {  	[tilespmem:s3], [sflag:$0x8] =	stream.linear.gather [hbm4b:s0+s3], $0x1388, $0x38;
	[tilespmem:$0xD800] =	vst v63  }
0x325: {  	_ =	swait.ge [sflag:s4], $0x1388  }
0x326: {  	[sflag:s4] =	ssyncset.done $0x0  }
0x327: {  	[sflag:s4] =	ssyncadd.s32 $0xFFFFEC78  }
0x328: {  	[tilespmem:s10], [sflag:$0x1] =	stream.indirect.gather [hbm4b:s2+s11], $0x80, s3, s11, $0xb8;
	[tilespmem:$0xD800] =	vst v63  }
0x329: {  	s1 =	sld [smem:$0x7E6]  }
0x32a: {  	[tilespmem:s9], [sflag:$0x2] =	stream.indirect.gather [hbm4b:s2+s11], $0x80, s11, s11, $0xb8;
	[tilespmem:$0xD800] =	vst v63  }
0x32b: {  	_ = 	snop  }
0x32c: {  	[tilespmem:s7], [sflag:$0x3] =	stream.indirect.gather [hbm4b:s2+s11], $0x80, s1, s11, $0xb8;
	[tilespmem:$0xD800] =	vst v63  }
0x32d: {  	_ =	swait.ge [sflag:s12], $0x4000  }
0x32e: {  	[sflag:s12] =	ssyncset.done $0x0  }
0x32f: {  	s1 =	rddreg [dreg:$0x5];
	[sflag:s12] =	ssyncadd.s32 $0xFFFFC000  }
0x330: {  	[hbm4b:s1+s3] =	stream.linear.scatter [tilespmem:s10], [sflag:$0x4], $0x4000, $0x38;
	[tilespmem:$0xD800] =	vst v63  }
0x331: {  	_ =	swait.ge [sflag:s5], $0x4000  }
0x332: {  	s1 =	sld [smem:$0x7E7]  }
0x333: {  	[sflag:s5] =	ssyncset.done $0x0  }
0x334: {  	[sflag:s5] =	ssyncadd.s32 $0xFFFFC000  }
0x335: {  	[tilespmem:s10], [sflag:$0x1] =	stream.indirect.gather [hbm4b:s2+s11], $0x80, s1, s11, $0xb8;
	[tilespmem:$0xD800] =	vst v63  }
0x336: {  	_ =	swait.ge [sflag:s13], $0x4000  }
0x337: {  	[sflag:s13] =	ssyncset.done $0x0  }
0x338: {  	s1 =	rddreg [dreg:$0x6];
	[sflag:s13] =	ssyncadd.s32 $0xFFFFC000  }
0x339: {  	[hbm4b:s1+s3] =	stream.linear.scatter [tilespmem:s9], [sflag:$0x5], $0x4000, $0x38;
	[tilespmem:$0xD800] =	vst v63  }
0x33a: {  	_ =	swait.ge [sflag:s6], $0x4000  }
0x33b: {  	s1 =	sld [smem:$0x7E8]  }
0x33c: {  	[sflag:s6] =	ssyncset.done $0x0  }
0x33d: {  	[sflag:s6] =	ssyncadd.s32 $0xFFFFC000  }
0x33e: {  	[tilespmem:s9], [sflag:$0x2] =	stream.indirect.gather [hbm4b:s2+s11], $0x80, s1, s11, $0xb8;
	[tilespmem:$0xD800] =	vst v63  }
0x33f: {  	_ =	swait.ge [sflag:s14], $0x4000  }
0x340: {  	[sflag:s14] =	ssyncset.done $0x0  }
0x341: {  	s1 =	rddreg [dreg:$0x7];
	[sflag:s14] =	ssyncadd.s32 $0xFFFFC000  }
0x342: {  	[hbm4b:s1+s3] =	stream.linear.scatter [tilespmem:s7], [sflag:$0x6], $0x4000, $0x38;
	[tilespmem:$0xD800] =	vst v63  }
0x343: {  	_ =	swait.ge [sflag:s8], $0x4000  }
0x344: {  	s1 =	sld [smem:$0x7E9]  }
0x345: {  	[sflag:s8] =	ssyncset.done $0x0  }
0x346: {  	[sflag:s8] =	ssyncadd.s32 $0xFFFFC000  }
0x347: {  	[tilespmem:s7], [sflag:$0x3] =	stream.indirect.gather [hbm4b:s2+s11], $0x80, s1, s11, $0xb8;
	[tilespmem:$0xD800] =	vst v63  }
0x348: {  	_ =	swait.ge [sflag:s12], $0x4000  }
0x349: {  	[sflag:s12] =	ssyncset.done $0x0  }
0x34a: {  	s1 =	rddreg [dreg:$0x8];
	[sflag:s12] =	ssyncadd.s32 $0xFFFFC000  }
0x34b: {  	[hbm4b:s1+s3] =	stream.linear.scatter [tilespmem:s10], [sflag:$0x4], $0x4000, $0x38;
	[tilespmem:$0xD800] =	vst v63  }
0x34c: {  	_ =	swait.ge [sflag:s5], $0x4000  }
0x34d: {  	s1 =	sld [smem:$0x7EA]  }
0x34e: {  	[sflag:s5] =	ssyncset.done $0x0  }
0x34f: {  	[sflag:s5] =	ssyncadd.s32 $0xFFFFC000  }
0x350: {  	[tilespmem:s10], [sflag:$0x1] =	stream.indirect.gather [hbm4b:s2+s11], $0x80, s1, s11, $0xb8;
	[tilespmem:$0xD800] =	vst v63  }
0x351: {  	_ =	swait.ge [sflag:s13], $0x4000  }
0x352: {  	[sflag:s13] =	ssyncset.done $0x0  }
0x353: {  	s1 =	rddreg [dreg:$0x9];
	[sflag:s13] =	ssyncadd.s32 $0xFFFFC000  }
0x354: {  	[hbm4b:s1+s3] =	stream.linear.scatter [tilespmem:s9], [sflag:$0x5], $0x4000, $0x38;
	[tilespmem:$0xD800] =	vst v63  }
0x355: {  	_ =	swait.ge [sflag:s6], $0x4000  }
0x356: {  	s1 =	sld [smem:$0x7EB]  }
0x357: {  	[sflag:s6] =	ssyncset.done $0x0  }
0x358: {  	[sflag:s6] =	ssyncadd.s32 $0xFFFFC000  }
0x359: {  	[tilespmem:s9], [sflag:$0x2] =	stream.indirect.gather [hbm4b:s2+s11], $0x80, s1, s11, $0xb8;
	[tilespmem:$0xD800] =	vst v63  }
0x35a: {  	_ =	swait.ge [sflag:s14], $0x4000  }
0x35b: {  	[sflag:s14] =	ssyncset.done $0x0  }
0x35c: {  	s1 =	rddreg [dreg:$0xa];
	[sflag:s14] =	ssyncadd.s32 $0xFFFFC000  }
0x35d: {  	[hbm4b:s1+s3] =	stream.linear.scatter [tilespmem:s7], [sflag:$0x6], $0x4000, $0x38;
	[tilespmem:$0xD800] =	vst v63  }
0x35e: {  	_ =	swait.ge [sflag:s8], $0x4000  }
0x35f: {  	s1 =	sld [smem:$0x7EC]  }
0x360: {  	[sflag:s8] =	ssyncset.done $0x0  }
0x361: {  	[sflag:s8] =	ssyncadd.s32 $0xFFFFC000  }
0x362: {  	[tilespmem:s7], [sflag:$0x3] =	stream.indirect.gather [hbm4b:s2+s11], $0x80, s1, s11, $0xb8;
	[tilespmem:$0xD800] =	vst v63  }
0x363: {  	_ =	swait.ge [sflag:s12], $0x4000  }
0x364: {  	[sflag:s12] =	ssyncset.done $0x0  }
0x365: {  	s1 =	rddreg [dreg:$0xb];
	[sflag:s12] =	ssyncadd.s32 $0xFFFFC000  }
0x366: {  	[hbm4b:s1+s3] =	stream.linear.scatter [tilespmem:s10], [sflag:$0x4], $0x4000, $0x38;
	[tilespmem:$0xD800] =	vst v63  }
0x367: {  	_ =	swait.ge [sflag:s5], $0x4000  }
0x368: {  	s1 =	sld [smem:$0x7ED]  }
0x369: {  	[sflag:s5] =	ssyncset.done $0x0  }
0x36a: {  	[sflag:s5] =	ssyncadd.s32 $0xFFFFC000  }
0x36b: {  	[tilespmem:s10], [sflag:$0x1] =	stream.indirect.gather [hbm4b:s2+s11], $0x80, s1, s11, $0xb8;
	[tilespmem:$0xD800] =	vst v63  }
0x36c: {  	_ =	swait.ge [sflag:s13], $0x4000  }
0x36d: {  	[sflag:s13] =	ssyncset.done $0x0  }
0x36e: {  	s1 =	rddreg [dreg:$0xc];
	[sflag:s13] =	ssyncadd.s32 $0xFFFFC000  }
0x36f: {  	[hbm4b:s1+s3] =	stream.linear.scatter [tilespmem:s9], [sflag:$0x5], $0x4000, $0x38;
	[tilespmem:$0xD800] =	vst v63  }
0x370: {  	_ =	swait.ge [sflag:s6], $0x4000  }
0x371: {  	s1 =	sld [smem:$0x7EE]  }
0x372: {  	[sflag:s6] =	ssyncset.done $0x0  }
0x373: {  	[sflag:s6] =	ssyncadd.s32 $0xFFFFC000  }
0x374: {  	[tilespmem:s9], [sflag:$0x2] =	stream.indirect.gather [hbm4b:s2+s11], $0x80, s1, s11, $0xb8;
	[tilespmem:$0xD800] =	vst v63  }
0x375: {  	_ =	swait.ge [sflag:s14], $0x4000  }
0x376: {  	[sflag:s14] =	ssyncset.done $0x0  }
0x377: {  	s1 =	rddreg [dreg:$0xd];
	[sflag:s14] =	ssyncadd.s32 $0xFFFFC000  }
0x378: {  	[hbm4b:s1+s3] =	stream.linear.scatter [tilespmem:s7], [sflag:$0x6], $0x4000, $0x38;
	[tilespmem:$0xD800] =	vst v63  }
0x379: {  	_ =	swait.ge [sflag:s8], $0x4000  }
0x37a: {  	s1 =	sld [smem:$0x7EF]  }
0x37b: {  	[sflag:s8] =	ssyncset.done $0x0  }
0x37c: {  	[sflag:s8] =	ssyncadd.s32 $0xFFFFC000  }
0x37d: {  	[tilespmem:s7], [sflag:$0x3] =	stream.indirect.gather [hbm4b:s2+s11], $0x80, s1, s11, $0xb8;
	[tilespmem:$0xD800] =	vst v63  }
0x37e: {  	_ =	swait.ge [sflag:s12], $0x4000  }
0x37f: {  	[sflag:s12] =	ssyncset.done $0x0  }
0x380: {  	s1 =	rddreg [dreg:$0xe];
	[sflag:s12] =	ssyncadd.s32 $0xFFFFC000  }
0x381: {  	[hbm4b:s1+s3] =	stream.linear.scatter [tilespmem:s10], [sflag:$0x4], $0x4000, $0x38;
	[tilespmem:$0xD800] =	vst v63  }
0x382: {  	_ =	swait.ge [sflag:s5], $0x4000  }
0x383: {  	s1 =	sld [smem:$0x7F0]  }
0x384: {  	[sflag:s5] =	ssyncset.done $0x0  }
0x385: {  	[sflag:s5] =	ssyncadd.s32 $0xFFFFC000  }
0x386: {  	[tilespmem:s10], [sflag:$0x1] =	stream.indirect.gather [hbm4b:s2+s11], $0x80, s1, s11, $0xb8;
	[tilespmem:$0xD800] =	vst v63  }
0x387: {  	_ =	swait.ge [sflag:s13], $0x4000  }
0x388: {  	[sflag:s13] =	ssyncset.done $0x0  }
0x389: {  	s1 =	rddreg [dreg:$0xf];
	[sflag:s13] =	ssyncadd.s32 $0xFFFFC000  }
0x38a: {  	[hbm4b:s1+s3] =	stream.linear.scatter [tilespmem:s9], [sflag:$0x5], $0x4000, $0x38;
	[tilespmem:$0xD800] =	vst v63  }
0x38b: {  	_ =	swait.ge [sflag:s6], $0x4000  }
0x38c: {  	s1 =	sld [smem:$0x7F1]  }
0x38d: {  	[sflag:s6] =	ssyncset.done $0x0  }
0x38e: {  	[sflag:s6] =	ssyncadd.s32 $0xFFFFC000  }
0x38f: {  	[tilespmem:s9], [sflag:$0x2] =	stream.indirect.gather [hbm4b:s2+s11], $0x80, s1, s11, $0xb8;
	[tilespmem:$0xD800] =	vst v63  }
0x390: {  	_ =	swait.ge [sflag:s14], $0x4000  }
0x391: {  	[sflag:s14] =	ssyncset.done $0x0  }
0x392: {  	s1 =	rddreg [dreg:$0x10];
	[sflag:s14] =	ssyncadd.s32 $0xFFFFC000  }
0x393: {  	[hbm4b:s1+s3] =	stream.linear.scatter [tilespmem:s7], [sflag:$0x6], $0x4000, $0x38;
	[tilespmem:$0xD800] =	vst v63  }
0x394: {  	_ =	swait.ge [sflag:s8], $0x4000  }
0x395: {  	s1 =	sld [smem:$0x7F2]  }
0x396: {  	[sflag:s8] =	ssyncset.done $0x0  }
0x397: {  	[sflag:s8] =	ssyncadd.s32 $0xFFFFC000  }
0x398: {  	[tilespmem:s7], [sflag:$0x3] =	stream.indirect.gather [hbm4b:s2+s11], $0x80, s1, s11, $0xb8;
	[tilespmem:$0xD800] =	vst v63  }
0x399: {  	_ =	swait.ge [sflag:s12], $0x4000  }
0x39a: {  	[sflag:s12] =	ssyncset.done $0x0  }
0x39b: {  	s1 =	rddreg [dreg:$0x11];
	[sflag:s12] =	ssyncadd.s32 $0xFFFFC000  }
0x39c: {  	[hbm4b:s1+s3] =	stream.linear.scatter [tilespmem:s10], [sflag:$0x4], $0x4000, $0x38;
	[tilespmem:$0xD800] =	vst v63  }
0x39d: {  	_ =	swait.ge [sflag:s5], $0x4000  }
0x39e: {  	s1 =	sld [smem:$0x7F3]  }
0x39f: {  	[sflag:s5] =	ssyncset.done $0x0  }
0x3a0: {  	[sflag:s5] =	ssyncadd.s32 $0xFFFFC000  }
0x3a1: {  	[tilespmem:s10], [sflag:$0x1] =	stream.indirect.gather [hbm4b:s2+s11], $0x80, s1, s11, $0xb8;
	[tilespmem:$0xD800] =	vst v63  }
0x3a2: {  	_ =	swait.ge [sflag:s13], $0x4000  }
0x3a3: {  	[sflag:s13] =	ssyncset.done $0x0  }
0x3a4: {  	s1 =	rddreg [dreg:$0x12];
	[sflag:s13] =	ssyncadd.s32 $0xFFFFC000  }
0x3a5: {  	[hbm4b:s1+s3] =	stream.linear.scatter [tilespmem:s9], [sflag:$0x5], $0x4000, $0x38;
	[tilespmem:$0xD800] =	vst v63  }
0x3a6: {  	_ =	swait.ge [sflag:s6], $0x4000  }
0x3a7: {  	s1 =	sld [smem:$0x7F4]  }
0x3a8: {  	[sflag:s6] =	ssyncset.done $0x0  }
0x3a9: {  	[sflag:s6] =	ssyncadd.s32 $0xFFFFC000  }
0x3aa: {  	[tilespmem:s9], [sflag:$0x2] =	stream.indirect.gather [hbm4b:s2+s11], $0x80, s1, s11, $0xb8;
	[tilespmem:$0xD800] =	vst v63  }
0x3ab: {  	_ =	swait.ge [sflag:s14], $0x4000  }
0x3ac: {  	[sflag:s14] =	ssyncset.done $0x0  }
0x3ad: {  	s1 =	rddreg [dreg:$0x13];
	[sflag:s14] =	ssyncadd.s32 $0xFFFFC000  }
0x3ae: {  	[hbm4b:s1+s3] =	stream.linear.scatter [tilespmem:s7], [sflag:$0x6], $0x4000, $0x38;
	[tilespmem:$0xD800] =	vst v63  }
0x3af: {  	_ =	swait.ge [sflag:s8], $0x4000  }
0x3b0: {  	s1 =	sld [smem:$0x7F5]  }
0x3b1: {  	[sflag:s8] =	ssyncset.done $0x0  }
0x3b2: {  	[sflag:s8] =	ssyncadd.s32 $0xFFFFC000  }
0x3b3: {  	[tilespmem:s7], [sflag:$0x3] =	stream.indirect.gather [hbm4b:s2+s11], $0x80, s1, s11, $0xb8;
	[tilespmem:$0xD800] =	vst v63  }
0x3b4: {  	_ =	swait.ge [sflag:s12], $0x4000  }
0x3b5: {  	[sflag:s12] =	ssyncset.done $0x0  }
0x3b6: {  	s1 =	rddreg [dreg:$0x14];
	[sflag:s12] =	ssyncadd.s32 $0xFFFFC000  }
0x3b7: {  	[hbm4b:s1+s3] =	stream.linear.scatter [tilespmem:s10], [sflag:$0x4], $0x4000, $0x38;
	[tilespmem:$0xD800] =	vst v63  }
0x3b8: {  	_ =	swait.ge [sflag:s5], $0x4000  }
0x3b9: {  	s1 =	sld [smem:$0x7F6]  }
0x3ba: {  	[sflag:s5] =	ssyncset.done $0x0  }
0x3bb: {  	[sflag:s5] =	ssyncadd.s32 $0xFFFFC000  }
0x3bc: {  	[tilespmem:s10], [sflag:$0x1] =	stream.indirect.gather [hbm4b:s2+s11], $0x80, s1, s11, $0xb8;
	[tilespmem:$0xD800] =	vst v63  }
0x3bd: {  	_ =	swait.ge [sflag:s13], $0x4000  }
0x3be: {  	[sflag:s13] =	ssyncset.done $0x0  }
0x3bf: {  	s1 =	rddreg [dreg:$0x15];
	[sflag:s13] =	ssyncadd.s32 $0xFFFFC000  }
0x3c0: {  	[hbm4b:s1+s3] =	stream.linear.scatter [tilespmem:s9], [sflag:$0x5], $0x4000, $0x38;
	[tilespmem:$0xD800] =	vst v63  }
0x3c1: {  	_ =	swait.ge [sflag:s6], $0x4000  }
0x3c2: {  	s1 =	sld [smem:$0x7F7]  }
0x3c3: {  	[sflag:s6] =	ssyncset.done $0x0  }
0x3c4: {  	[sflag:s6] =	ssyncadd.s32 $0xFFFFC000  }
0x3c5: {  	[tilespmem:s9], [sflag:$0x2] =	stream.indirect.gather [hbm4b:s2+s11], $0x80, s1, s11, $0xb8;
	[tilespmem:$0xD800] =	vst v63  }
0x3c6: {  	_ =	swait.ge [sflag:s14], $0x4000  }
0x3c7: {  	[sflag:s14] =	ssyncset.done $0x0  }
0x3c8: {  	s1 =	rddreg [dreg:$0x16];
	[sflag:s14] =	ssyncadd.s32 $0xFFFFC000  }
0x3c9: {  	[hbm4b:s1+s3] =	stream.linear.scatter [tilespmem:s7], [sflag:$0x6], $0x4000, $0x38;
	[tilespmem:$0xD800] =	vst v63  }
0x3ca: {  	_ =	swait.ge [sflag:s8], $0x4000  }
0x3cb: {  	s1 =	sld [smem:$0x7F8]  }
0x3cc: {  	[sflag:s8] =	ssyncset.done $0x0  }
0x3cd: {  	[sflag:s8] =	ssyncadd.s32 $0xFFFFC000  }
0x3ce: {  	[tilespmem:s7], [sflag:$0x3] =	stream.indirect.gather [hbm4b:s2+s11], $0x80, s1, s11, $0xb8;
	[tilespmem:$0xD800] =	vst v63  }
0x3cf: {  	_ =	swait.ge [sflag:s12], $0x4000  }
0x3d0: {  	[sflag:s12] =	ssyncset.done $0x0  }
0x3d1: {  	s1 =	rddreg [dreg:$0x17];
	[sflag:s12] =	ssyncadd.s32 $0xFFFFC000  }
0x3d2: {  	[hbm4b:s1+s3] =	stream.linear.scatter [tilespmem:s10], [sflag:$0x4], $0x4000, $0x38;
	[tilespmem:$0xD800] =	vst v63  }
0x3d3: {  	_ =	swait.ge [sflag:s5], $0x4000  }
0x3d4: {  	s1 =	sld [smem:$0x7F9]  }
0x3d5: {  	[sflag:s5] =	ssyncset.done $0x0  }
0x3d6: {  	[sflag:s5] =	ssyncadd.s32 $0xFFFFC000  }
0x3d7: {  	[tilespmem:s10], [sflag:$0x1] =	stream.indirect.gather [hbm4b:s2+s11], $0x80, s1, s11, $0xb8;
	[tilespmem:$0xD800] =	vst v63  }
0x3d8: {  	_ =	swait.ge [sflag:s13], $0x4000  }
0x3d9: {  	[sflag:s13] =	ssyncset.done $0x0  }
0x3da: {  	s1 =	rddreg [dreg:$0x18];
	[sflag:s13] =	ssyncadd.s32 $0xFFFFC000  }
0x3db: {  	[hbm4b:s1+s3] =	stream.linear.scatter [tilespmem:s9], [sflag:$0x5], $0x4000, $0x38;
	[tilespmem:$0xD800] =	vst v63  }
0x3dc: {  	_ =	swait.ge [sflag:s6], $0x4000  }
0x3dd: {  	s1 =	sld [smem:$0x7FA]  }
0x3de: {  	[sflag:s6] =	ssyncset.done $0x0  }
0x3df: {  	[sflag:s6] =	ssyncadd.s32 $0xFFFFC000  }
0x3e0: {  	[tilespmem:s9], [sflag:$0x2] =	stream.indirect.gather [hbm4b:s2+s11], $0x80, s1, s11, $0xb8;
	[tilespmem:$0xD800] =	vst v63  }
0x3e1: {  	_ =	swait.ge [sflag:s14], $0x4000  }
0x3e2: {  	[sflag:s14] =	ssyncset.done $0x0  }
0x3e3: {  	s1 =	rddreg [dreg:$0x19];
	[sflag:s14] =	ssyncadd.s32 $0xFFFFC000  }
0x3e4: {  	[hbm4b:s1+s3] =	stream.linear.scatter [tilespmem:s7], [sflag:$0x6], $0x4000, $0x38;
	[tilespmem:$0xD800] =	vst v63  }
0x3e5: {  	_ =	swait.ge [sflag:s8], $0x4000  }
0x3e6: {  	s1 =	sld [smem:$0x7FB]  }
0x3e7: {  	[sflag:s8] =	ssyncset.done $0x0  }
0x3e8: {  	[sflag:s8] =	ssyncadd.s32 $0xFFFFC000  }
0x3e9: {  	[tilespmem:s7], [sflag:$0x3] =	stream.indirect.gather [hbm4b:s2+s11], $0x80, s1, s11, $0xb8;
	[tilespmem:$0xD800] =	vst v63  }
0x3ea: {  	_ =	swait.ge [sflag:s12], $0x4000  }
0x3eb: {  	[sflag:s12] =	ssyncset.done $0x0  }
0x3ec: {  	s1 =	rddreg [dreg:$0x1a];
	[sflag:s12] =	ssyncadd.s32 $0xFFFFC000  }
0x3ed: {  	[hbm4b:s1+s3] =	stream.linear.scatter [tilespmem:s10], [sflag:$0x4], $0x4000, $0x38;
	[tilespmem:$0xD800] =	vst v63  }
0x3ee: {  	_ =	swait.ge [sflag:s5], $0x4000  }
0x3ef: {  	s1 =	sld [smem:$0x7FC]  }
0x3f0: {  	[sflag:s5] =	ssyncset.done $0x0  }
0x3f1: {  	[sflag:s5] =	ssyncadd.s32 $0xFFFFC000  }
0x3f2: {  	[tilespmem:s10], [sflag:$0x1] =	stream.indirect.gather [hbm4b:s2+s11], $0x80, s1, s11, $0xb8;
	[tilespmem:$0xD800] =	vst v63  }
0x3f3: {  	_ =	swait.ge [sflag:s13], $0x4000  }
0x3f4: {  	[sflag:s13] =	ssyncset.done $0x0  }
0x3f5: {  	s1 =	rddreg [dreg:$0x1b];
	[sflag:s13] =	ssyncadd.s32 $0xFFFFC000  }
0x3f6: {  	[hbm4b:s1+s3] =	stream.linear.scatter [tilespmem:s9], [sflag:$0x5], $0x4000, $0x38;
	[tilespmem:$0xD800] =	vst v63  }
0x3f7: {  	_ =	swait.ge [sflag:s6], $0x4000  }
0x3f8: {  	s1 =	sld [smem:$0x7FD]  }
0x3f9: {  	[sflag:s6] =	ssyncset.done $0x0  }
0x3fa: {  	[sflag:s6] =	ssyncadd.s32 $0xFFFFC000  }
0x3fb: {  	[tilespmem:s9], [sflag:$0x2] =	stream.indirect.gather [hbm4b:s2+s11], $0x80, s1, s11, $0xb8;
	[tilespmem:$0xD800] =	vst v63  }
0x3fc: {  	_ =	swait.ge [sflag:s14], $0x4000  }
0x3fd: {  	[sflag:s14] =	ssyncset.done $0x0  }
0x3fe: {  	s1 =	rddreg [dreg:$0x1c];
	[sflag:s14] =	ssyncadd.s32 $0xFFFFC000  }
0x3ff: {  	[hbm4b:s1+s3] =	stream.linear.scatter [tilespmem:s7], [sflag:$0x6], $0x4000, $0x38;
	[tilespmem:$0xD800] =	vst v63  }
0x400: {  	_ =	swait.ge [sflag:s8], $0x4000  }
0x401: {  	[sflag:s8] =	ssyncset.done $0x0  }
0x402: {  	[sflag:s8] =	ssyncadd.s32 $0xFFFFC000  }
0x403: {  	[tilespmem:s7], [sflag:$0x3] =	stream.indirect.gather [hbm4b:s2+s11], $0x80, s31, s11, $0xb8;
	[tilespmem:$0xD800] =	vst v63  }
0x404: {  	_ =	swait.ge [sflag:s12], $0x4000  }
0x405: {  	[sflag:s12] =	ssyncset.done $0x0  }
0x406: {  	s1 =	rddreg [dreg:$0x1d];
	[sflag:s12] =	ssyncadd.s32 $0xFFFFC000  }
0x407: {  	[hbm4b:s1+s3] =	stream.linear.scatter [tilespmem:s10], [sflag:$0x4], $0x4000, $0x38;
	[tilespmem:$0xD800] =	vst v63  }
0x408: {  	_ =	swait.ge [sflag:s5], $0x4000  }
0x409: {  	[sflag:s5] =	ssyncset.done $0x0  }
0x40a: {  	[sflag:s5] =	ssyncadd.s32 $0xFFFFC000  }
0x40b: {  	[tilespmem:s10], [sflag:$0x1] =	stream.indirect.gather [hbm4b:s2+s11], $0x80, s30, s11, $0xb8;
	[tilespmem:$0xD800] =	vst v63  }
0x40c: {  	_ =	swait.ge [sflag:s13], $0x4000  }
0x40d: {  	[sflag:s13] =	ssyncset.done $0x0  }
0x40e: {  	s31 =	rddreg [dreg:$0x1e];
	[sflag:s13] =	ssyncadd.s32 $0xFFFFC000  }
0x40f: {  	[hbm4b:s31+s3] =	stream.linear.scatter [tilespmem:s9], [sflag:$0x5], $0x4000, $0x38;
	[tilespmem:$0xD800] =	vst v63  }
0x410: {  	_ =	swait.ge [sflag:s6], $0x4000  }
0x411: {  	[sflag:s6] =	ssyncset.done $0x0  }
0x412: {  	[sflag:s6] =	ssyncadd.s32 $0xFFFFC000  }
0x413: {  	[tilespmem:s9], [sflag:$0x2] =	stream.indirect.gather [hbm4b:s2+s11], $0x80, s29, s11, $0xb8;
	[tilespmem:$0xD800] =	vst v63  }
0x414: {  	_ =	swait.ge [sflag:s14], $0x4000  }
0x415: {  	[sflag:s14] =	ssyncset.done $0x0  }
0x416: {  	s1 =	rddreg [dreg:$0x1f];
	[sflag:s14] =	ssyncadd.s32 $0xFFFFC000  }
0x417: {  	[hbm4b:s1+s3] =	stream.linear.scatter [tilespmem:s7], [sflag:$0x6], $0x4000, $0x38;
	[tilespmem:$0xD800] =	vst v63  }
0x418: {  	_ =	swait.ge [sflag:s8], $0x4000  }
0x419: {  	[sflag:s8] =	ssyncset.done $0x0  }
0x41a: {  	[sflag:s8] =	ssyncadd.s32 $0xFFFFC000  }
0x41b: {  	[tilespmem:s7], [sflag:$0x3] =	stream.indirect.gather [hbm4b:s2+s11], $0x80, s28, s11, $0xb8;
	[tilespmem:$0xD800] =	vst v63  }
0x41c: {  	_ =	swait.ge [sflag:s12], $0x4000  }
0x41d: {  	s28 =	sld [smem:$0x7D9]  }
0x41e: {  	[sflag:s12] =	ssyncset.done $0x0  }
0x41f: {  	[sflag:s12] =	ssyncadd.s32 $0xFFFFC000  }
0x420: {  	[hbm4b:s28+s3] =	stream.linear.scatter [tilespmem:s10], [sflag:$0x4], $0x4000, $0x38;
	[tilespmem:$0xD800] =	vst v63  }
0x421: {  	_ =	swait.ge [sflag:s5], $0x4000  }
0x422: {  	[sflag:s5] =	ssyncset.done $0x0  }
0x423: {  	[sflag:s5] =	ssyncadd.s32 $0xFFFFC000  }
0x424: {  	[tilespmem:s10], [sflag:$0x1] =	stream.indirect.gather [hbm4b:s2+s11], $0x80, s26, s11, $0xb8;
	[tilespmem:$0xD800] =	vst v63  }
0x425: {  	_ =	swait.ge [sflag:s13], $0x4000  }
0x426: {  	s29 =	sld [smem:$0x7DA]  }
0x427: {  	[sflag:s13] =	ssyncset.done $0x0  }
0x428: {  	[sflag:s13] =	ssyncadd.s32 $0xFFFFC000  }
0x429: {  	[hbm4b:s29+s3] =	stream.linear.scatter [tilespmem:s9], [sflag:$0x5], $0x4000, $0x38;
	[tilespmem:$0xD800] =	vst v63  }
0x42a: {  	_ =	swait.ge [sflag:s6], $0x4000  }
0x42b: {  	[sflag:s6] =	ssyncset.done $0x0  }
0x42c: {  	[sflag:s6] =	ssyncadd.s32 $0xFFFFC000  }
0x42d: {  	[tilespmem:s9], [sflag:$0x2] =	stream.indirect.gather [hbm4b:s2+s11], $0x80, s25, s11, $0xb8;
	[tilespmem:$0xD800] =	vst v63  }
0x42e: {  	_ =	swait.ge [sflag:s14], $0x4000  }
0x42f: {  	s30 =	sld [smem:$0x7DB]  }
0x430: {  	[sflag:s14] =	ssyncset.done $0x0  }
0x431: {  	[sflag:s14] =	ssyncadd.s32 $0xFFFFC000  }
0x432: {  	[hbm4b:s30+s3] =	stream.linear.scatter [tilespmem:s7], [sflag:$0x6], $0x4000, $0x38;
	[tilespmem:$0xD800] =	vst v63  }
0x433: {  	_ =	swait.ge [sflag:s8], $0x4000  }
0x434: {  	[sflag:s8] =	ssyncset.done $0x0  }
0x435: {  	[sflag:s8] =	ssyncadd.s32 $0xFFFFC000  }
0x436: {  	[tilespmem:s7], [sflag:$0x3] =	stream.indirect.gather [hbm4b:s2+s11], $0x80, s24, s11, $0xb8;
	[tilespmem:$0xD800] =	vst v63  }
0x437: {  	_ =	swait.ge [sflag:s12], $0x4000  }
0x438: {  	s31 =	sld [smem:$0x7DC]  }
0x439: {  	[sflag:s12] =	ssyncset.done $0x0  }
0x43a: {  	[sflag:s12] =	ssyncadd.s32 $0xFFFFC000  }
0x43b: {  	[hbm4b:s31+s3] =	stream.linear.scatter [tilespmem:s10], [sflag:$0x4], $0x4000, $0x38;
	[tilespmem:$0xD800] =	vst v63  }
0x43c: {  	_ =	swait.ge [sflag:s5], $0x4000  }
0x43d: {  	[sflag:s5] =	ssyncset.done $0x0  }
0x43e: {  	[sflag:s5] =	ssyncadd.s32 $0xFFFFC000  }
0x43f: {  	[tilespmem:s10], [sflag:$0x1] =	stream.indirect.gather [hbm4b:s2+s11], $0x80, s23, s11, $0xb8;
	[tilespmem:$0xD800] =	vst v63  }
0x440: {  	_ =	swait.ge [sflag:s13], $0x4000  }
0x441: {  	s1 =	sld [smem:$0x7DD]  }
0x442: {  	[sflag:s13] =	ssyncset.done $0x0  }
0x443: {  	[sflag:s13] =	ssyncadd.s32 $0xFFFFC000  }
0x444: {  	[hbm4b:s1+s3] =	stream.linear.scatter [tilespmem:s9], [sflag:$0x5], $0x4000, $0x38;
	[tilespmem:$0xD800] =	vst v63  }
0x445: {  	_ =	swait.ge [sflag:s6], $0x4000  }
0x446: {  	[sflag:s6] =	ssyncset.done $0x0  }
0x447: {  	[sflag:s6] =	ssyncadd.s32 $0xFFFFC000  }
0x448: {  	[tilespmem:s9], [sflag:$0x2] =	stream.indirect.gather [hbm4b:s2+s11], $0x80, s22, s11, $0xb8;
	[tilespmem:$0xD800] =	vst v63  }
0x449: {  	_ =	swait.ge [sflag:s14], $0x4000  }
0x44a: {  	s22 =	sld [smem:$0x7DE]  }
0x44b: {  	[sflag:s14] =	ssyncset.done $0x0  }
0x44c: {  	[sflag:s14] =	ssyncadd.s32 $0xFFFFC000  }
0x44d: {  	[hbm4b:s22+s3] =	stream.linear.scatter [tilespmem:s7], [sflag:$0x6], $0x4000, $0x38;
	[tilespmem:$0xD800] =	vst v63  }
0x44e: {  	_ =	swait.ge [sflag:s8], $0x4000  }
0x44f: {  	[sflag:s8] =	ssyncset.done $0x0  }
0x450: {  	[sflag:s8] =	ssyncadd.s32 $0xFFFFC000  }
0x451: {  	[tilespmem:s7], [sflag:$0x3] =	stream.indirect.gather [hbm4b:s2+s11], $0x80, s21, s11, $0xb8;
	[tilespmem:$0xD800] =	vst v63  }
0x452: {  	_ =	swait.ge [sflag:s12], $0x4000  }
0x453: {  	s23 =	sld [smem:$0x7DF]  }
0x454: {  	[sflag:s12] =	ssyncset.done $0x0  }
0x455: {  	[sflag:s12] =	ssyncadd.s32 $0xFFFFC000  }
0x456: {  	[hbm4b:s23+s3] =	stream.linear.scatter [tilespmem:s10], [sflag:$0x4], $0x4000, $0x38;
	[tilespmem:$0xD800] =	vst v63  }
0x457: {  	_ =	swait.ge [sflag:s5], $0x4000  }
0x458: {  	[sflag:s5] =	ssyncset.done $0x0  }
0x459: {  	[sflag:s5] =	ssyncadd.s32 $0xFFFFC000  }
0x45a: {  	[tilespmem:s10], [sflag:$0x1] =	stream.indirect.gather [hbm4b:s2+s11], $0x80, s20, s11, $0xb8;
	[tilespmem:$0xD800] =	vst v63  }
0x45b: {  	_ =	swait.ge [sflag:s13], $0x4000  }
0x45c: {  	s24 =	sld [smem:$0x7E0]  }
0x45d: {  	[sflag:s13] =	ssyncset.done $0x0  }
0x45e: {  	[sflag:s13] =	ssyncadd.s32 $0xFFFFC000  }
0x45f: {  	[hbm4b:s24+s3] =	stream.linear.scatter [tilespmem:s9], [sflag:$0x5], $0x4000, $0x38;
	[tilespmem:$0xD800] =	vst v63  }
0x460: {  	_ =	swait.ge [sflag:s6], $0x4000  }
0x461: {  	[sflag:s6] =	ssyncset.done $0x0  }
0x462: {  	[sflag:s6] =	ssyncadd.s32 $0xFFFFC000  }
0x463: {  	[tilespmem:s9], [sflag:$0x2] =	stream.indirect.gather [hbm4b:s2+s11], $0x80, s19, s11, $0xb8;
	[tilespmem:$0xD800] =	vst v63  }
0x464: {  	_ =	swait.ge [sflag:s14], $0x4000  }
0x465: {  	s25 =	sld [smem:$0x7E1]  }
0x466: {  	[sflag:s14] =	ssyncset.done $0x0  }
0x467: {  	[sflag:s14] =	ssyncadd.s32 $0xFFFFC000  }
0x468: {  	[hbm4b:s25+s3] =	stream.linear.scatter [tilespmem:s7], [sflag:$0x6], $0x4000, $0x38;
	[tilespmem:$0xD800] =	vst v63  }
0x469: {  	_ =	swait.ge [sflag:s8], $0x4000  }
0x46a: {  	[sflag:s8] =	ssyncset.done $0x0  }
0x46b: {  	[sflag:s8] =	ssyncadd.s32 $0xFFFFC000  }
0x46c: {  	[tilespmem:s7], [sflag:$0x3] =	stream.indirect.gather [hbm4b:s2+s11], $0x80, s18, s11, $0xb8;
	[tilespmem:$0xD800] =	vst v63  }
0x46d: {  	_ =	swait.ge [sflag:s12], $0x4000  }
0x46e: {  	s26 =	sld [smem:$0x7E2]  }
0x46f: {  	[sflag:s12] =	ssyncset.done $0x0  }
0x470: {  	[sflag:s12] =	ssyncadd.s32 $0xFFFFC000  }
0x471: {  	[hbm4b:s26+s3] =	stream.linear.scatter [tilespmem:s10], [sflag:$0x4], $0x4000, $0x38;
	[tilespmem:$0xD800] =	vst v63  }
0x472: {  	_ =	swait.ge [sflag:s13], $0x4000  }
0x473: {  	s28 =	sld [smem:$0x7E3]  }
0x474: {  	[sflag:s13] =	ssyncset.done $0x0  }
0x475: {  	[sflag:s13] =	ssyncadd.s32 $0xFFFFC000  }
0x476: {  	[hbm4b:s28+s3] =	stream.linear.scatter [tilespmem:s9], [sflag:$0x5], $0x4000, $0x38;
	[tilespmem:$0xD800] =	vst v63  }
0x477: {  	_ =	swait.ge [sflag:s14], $0x4000  }
0x478: {  	s29 =	sld [smem:$0x7E4]  }
0x479: {  	[sflag:s14] =	ssyncset.done $0x0  }
0x47a: {  	[sflag:s14] =	ssyncadd.s32 $0xFFFFC000  }
0x47b: {  	[hbm4b:s29+s3] =	stream.linear.scatter [tilespmem:s7], [sflag:$0x6], $0x4000, $0x38;
	[tilespmem:$0xD800] =	vst v63  }
0x47c: {  	_ = 	snop  }
0x47d: {  	[tilespmem:s15], [sflag:$0x7] =	stream.indirect.gather [hbm4b:s2+s4], $0x80, s17, s4, $0xb8;
	[tilespmem:$0xD800] =	vst v63  }
0x47e: {  	_ =	swait.ge [sflag:s16], $0x400  }
0x47f: {  	s30 =	sld [smem:$0x7E5]  }
0x480: {  	[sflag:s16] =	ssyncset.done $0x0  }
0x481: {  	[sflag:s16] =	ssyncadd.s32 $0xFFFFFC00  }
0x482: {  	[hbm4b:s30+s3] =	stream.linear.scatter [tilespmem:s15], [sflag:$0x8], $0x400, $0x38;
	[tilespmem:$0xD800] =	vst v63  }
0x483: {  	_ =	swait.ge [sflag:s4], $0x400  }
0x484: {  	[sflag:s4] =	ssyncset.done $0x0  }
0x485: {  	[sflag:s4] =	ssyncadd.s32 $0xFFFFFC00  }
0x486: {  	_ =	swait.ge [sflag:s5], $0x4000  }
0x487: {  	[sflag:s5] =	ssyncset.done $0x0  }
0x488: {  	[sflag:s5] =	ssyncadd.s32 $0xFFFFC000  }
0x489: {  	_ =	swait.ge [sflag:s6], $0x4000  }
0x48a: {  	[sflag:s6] =	ssyncset.done $0x0  }
0x48b: {  	[sflag:s6] =	ssyncadd.s32 $0xFFFFC000  }
0x48c: {  	_ =	swait.ge [sflag:s8], $0x4000  }
0x48d: {  	[sflag:s8] =	ssyncset.done $0x0  }
0x48e: {  	[sflag:s8] =	ssyncadd.s32 $0xFFFFC000  }
0x48f: {  	_ =	sfence.sel $0x180000  }
0x490: {  	[bflag:$0x0] =	sbarrier.arrive $0xFFFF  }
0x491: {  	_ =	strace $0x90000047  }
0x492: {  	s31 =	stileid.u32;
	[bflag:$0x2] =	sbarrier.arrive $0xFFFF  }
0x493: {  	p0 =	sne.s32 s31, $0x0;
	s0 =	rddreg [dreg:$0x3]  }
0x494: {  	s0 =	sadd.s32 @!p0 $0x100000, s0  }
0x495: {  	[sflag:s0] =	ssyncadd.tile.s32 @!p0 $0x1;
	_ =	shalt  }
.Lfunc_end2:
_tile_overlayer_lowered:
.L_overlay_start_2:
0x496: {  	(tag) =	ssettag $0x2  }
0x497: {  	s0 =	rddreg [dreg:$0x0];
	s2 =	stileid.u32  }
0x498: {  	s1 =	rddreg [dreg:$0x1];
	p0 =	sne.s32 s2, $0x0  }
0x499: {  	s3 =	rddreg [dreg:$0x2];
	[bflag:$0x3] =	sbarrier.arrive $0xFFFF;
	s2 =	simm.s32 @!p0 $0x1C08  }
0x49a: {  	[timem:s3], [sflag:s2] =	dma.local @!p0 [hbm:s0], s1  }
0x49b: {  	s0 =	simm.s32 @!p0 $0x8  }
0x49c: {  	_ =	swait.ge @!p0 [sflag:s0], s1  }
0x49d: {  	s1 =	ssub.s32 @!p0 $0x0, s1;
	[sflag:s0] =	ssyncset.done @!p0 $0x0  }
0x49e: {  	[sflag:s0] =	ssyncadd.s32 @!p0 s1  }
0x49f: {  	[bflag:$0x3] =	sbarrier.arrive $0xFFFF  }
0x4a0: {  	_ =	shalt  }

</sc_bundles>
